<compile_context>
chip_gen: v7x
topology: tpu7x:2x2x1
jax: 0.10.2.dev20260603
libtpu: 0.0.44.dev20260713+nightly
codegen_flags: <defaults>
</compile_context>

<pallas_src>
import functools
import math

import jax
import jax.numpy as jnp
from jax import lax
from jax.experimental import pallas as pl
from jax.experimental.pallas import tpu as pltpu
from jax.experimental.pallas import tpu_sc as plsc

_B = 16
_L = 2048
_T = _B * _L
_D = 32
_K = 16
_LOG2PI = math.log(2.0 * math.pi)
_LN2 = math.log(2.0)
_RPW = _L // 8


_GB = 8
_BC = _B // _GB
_TC_ = _BC * _L


def _emit_body(x_ref, logA_ref, logpi_ref, means_ref, logvars_ref,
               eb_ref, msum_ref):
    x = x_ref[:]
    lv = logvars_ref[:]
    iv = jnp.exp(-lv)
    w = means_ref[:] * iv
    cst = jnp.sum(means_ref[:] * w + lv, axis=1, keepdims=True) + _D * _LOG2PI
    dn = (((1,), (1,)), ((), ()))
    q = (jax.lax.dot_general(x * x, iv, dn, preferred_element_type=jnp.float32)
         - 2.0 * jax.lax.dot_general(x, w, dn, preferred_element_type=jnp.float32))
    logb = (-0.5 * (q + cst.reshape(1, _K))).reshape(_BC, _L, _K)
    m3 = jnp.max(logb, axis=2, keepdims=True)
    eb4 = jnp.exp(logb - m3).reshape(_BC, _L // 8, 8, _K)
    eb_ref[:] = jnp.concatenate(
        [eb4[:, :, a, :].reshape(_BC * (_L // 8), _K) for a in range(8)],
        axis=1)
    msum_ref[:] = jnp.sum(m3, axis=1).reshape(1, _BC, 1)


_GDN = lax.GatherDimensionNumbers(offset_dims=(), collapsed_slice_dims=(0,),
                                  start_index_map=(0,))


def _lanes(a, idx):
    return lax.gather(a, idx[:, None], _GDN, (1,),
                      mode=lax.GatherScatterMode.PROMISE_IN_BOUNDS)


def _scan_body(eb_hbm, aux_hbm, alpha_out, e_out, ebv, auxv, aov, eov):
    wid = lax.axis_index("s")

    @pl.when(lax.axis_index("c") == 0)
    def _():
        pltpu.sync_copy(eb_hbm.at[pl.ds(wid * _RPW, _RPW)], ebv)
        pltpu.sync_copy(aux_hbm, auxv)
        pi = jnp.exp(auxv[0, 0:_K])
        arows = [jnp.exp(auxv[(_K + _K * i) // 128,
                              pl.ds(((_K + _K * i) % 128), _K)])
                 for i in range(_K)]
        bidx = [jnp.full((_K,), i, jnp.int32) for i in range(_K)]
        lane = lax.iota(jnp.int32, _K)
        fly = [lane ^ d for d in (8, 4, 2, 1)]

        def matvec(a):
            terms = [arows[i] * _lanes(a, bidx[i]) for i in range(_K)]
            while len(terms) > 1:
                terms = [terms[2 * i] + terms[2 * i + 1]
                         for i in range(len(terms) // 2)]
            return terms[0]

        def renorm(a, ev):
            cv = a
            for f in fly:
                cv = cv + _lanes(cv, f)
            fac = jnp.full((_K,), 1.0, jnp.float32)
            boost = jnp.zeros((_K,), jnp.float32)
            for k in (64, 32, 16, 8, 4, 2, 1):
                cond = (cv * fac) < (2.0 ** (-k))
                fac = jnp.where(cond, fac * (2.0 ** k), fac)
                boost = jnp.where(cond, boost + float(k), boost)
            return a * fac, ev - boost

        zero = jnp.zeros((_K,), jnp.float32)
        alpha, ev = renorm(pi * ebv[0, 0:_K], zero)
        for t in range(1, 8):
            alpha = matvec(alpha) * ebv[0, pl.ds(t * _K, _K)]
            if t in (4, 7):
                alpha, ev = renorm(alpha, ev)

        def row_block(r, carry):
            alpha, ev = carry
            for j in range(8):
                alpha = matvec(alpha) * ebv[r, pl.ds(j * _K, _K)]
                if j in (3, 7):
                    alpha, ev = renorm(alpha, ev)
            return alpha, ev

        alpha, ev = lax.fori_loop(1, _RPW, row_block, (alpha, ev))
        for i in range(8):
            aov[pl.ds(i * _K, _K)] = alpha if i == 0 else zero
            eov[pl.ds(i * _K, _K)] = ev if i == 0 else zero
        pltpu.sync_copy(aov, alpha_out.at[wid])
        pltpu.sync_copy(eov, e_out.at[wid])


@functools.partial(jax.jit, static_argnames=())
def kernel(X, log_A, log_pi, means, log_vars):
    eb, msum = pl.pallas_call(
        _emit_body,
        grid=(_GB,),
        in_specs=[
            pl.BlockSpec((_TC_, _D), lambda i: (i, 0)),
            pl.BlockSpec((_K, _K), lambda i: (0, 0)),
            pl.BlockSpec((1, _K), lambda i: (0, 0)),
            pl.BlockSpec((_K, _D), lambda i: (0, 0)),
            pl.BlockSpec((_K, _D), lambda i: (0, 0)),
        ],
        out_specs=[
            pl.BlockSpec((_BC * _RPW, 8 * _K), lambda i: (i, 0)),
            pl.BlockSpec((1, _BC, 1), lambda i: (i, 0, 0)),
        ],
        out_shape=[
            jax.ShapeDtypeStruct((_B * _RPW, 8 * _K), jnp.float32),
            jax.ShapeDtypeStruct((_GB, _BC, 1), jnp.float32),
        ],
    )(X, log_A, log_pi.reshape(1, _K), means, log_vars)

    aux = jnp.concatenate(
        [log_pi, log_A.reshape(_K * _K), jnp.zeros((112,), jnp.float32)]
    ).reshape(3, 128)

    mesh = plsc.VectorSubcoreMesh(core_axis_name="c", subcore_axis_name="s")
    alpha_rows, e_rows = pl.kernel(
        _scan_body,
        out_type=[
            jax.ShapeDtypeStruct((_B, 128), jnp.float32),
            jax.ShapeDtypeStruct((_B, 128), jnp.float32),
        ],
        mesh=mesh,
        scratch_types=[
            pltpu.VMEM((_RPW, 8 * _K), jnp.float32),
            pltpu.VMEM((3, 128), jnp.float32),
            pltpu.VMEM((128,), jnp.float32),
            pltpu.VMEM((128,), jnp.float32),
        ],
    )(eb, aux)

    return (msum.reshape(_B) + _LN2 * e_rows[:, 0]
            + jnp.log(jnp.sum(alpha_rows[:, 0:_K], axis=1)))

# --- scband reference (transcript-rebuilt; emitter-appended) ---
"""Pipeline reference for scband-hmm-73469710565967 (READ-ONLY COPY).

The authoritative reference and input builder live on the scoring server;
editing this copy changes nothing except your own understanding.
"""

import jax, jax.numpy as jnp
import numpy as np

B = 16      # number of sequences
L = 2048    # tokens per sequence (equal-length split of ragged batch)
T = B * L   # total tokens = 32768
D = 32      # emission feature dim
K = 16      # number of hidden states


def setup_inputs(seed: int = 0) -> dict:
    key = jax.random.key(seed)
    k1, k2, k3, k4, k5 = jax.random.split(key, 5)
    X = jax.random.normal(k1, (T, D), dtype=jnp.float32)
    # Row-stochastic transition matrix and initial distribution, stored in log-space
    A_logits = jax.random.normal(k2, (K, K), dtype=jnp.float32)
    log_A = jax.nn.log_softmax(A_logits, axis=1)
    pi_logits = jax.random.normal(k3, (K,), dtype=jnp.float32)
    log_pi = jax.nn.log_softmax(pi_logits)
    # Diagonal-covariance Gaussian emission parameters
    means = jax.random.normal(k4, (K, D), dtype=jnp.float32)
    log_vars = 0.1 * jax.random.normal(k5, (K, D), dtype=jnp.float32)
    return {"X": X, "log_A": log_A, "log_pi": log_pi, "means": means, "log_vars": log_vars}


def _gaussian_log_prob(X, means, log_vars):
    # emission_pdf.map_emission: log N(x_t; mu_k, diag(var_k)) for all states
    # X: [T, D], means/log_vars: [K, D] -> [T, K]
    diff = X[:, None, :] - means[None, :, :]          # [T, K, D]
    inv_var = jnp.exp(-log_vars)                      # [K, D]
    quad = jnp.sum(diff * diff * inv_var[None, :, :], axis=-1)   # [T, K]
    log_det = jnp.sum(log_vars, axis=-1)              # [K]
    return -0.5 * (quad + log_det[None, :] + D * jnp.log(2.0 * jnp.pi))


def reference(X, log_A, log_pi, means, log_vars):
    # HMM.score: to_observations(X, lengths) -> per-sequence forward-algorithm
    # log-likelihoods (log P(x_{1:L})), one scalar per sequence.
    log_B = _gaussian_log_prob(X, means, log_vars).reshape(B, L, K)

    def seq_loglik(logb):
        alpha0 = log_pi + logb[0]

        def step(alpha, lb):
            alpha_new = jax.scipy.special.logsumexp(alpha[:, None] + log_A, axis=0) + lb
            return alpha_new, None

        alphaT, _ = jax.lax.scan(step, alpha0, logb[1:])
        return jax.scipy.special.logsumexp(alphaT)

    return jax.vmap(seq_loglik)(log_B)  # [B] per-sequence log-likelihoods

if __name__ == "__main__":
    import jax
    _d = setup_inputs()
    print(jax.jit(kernel)(*tuple(_d.values())))

</pallas_src>

<mosaic_0001>
#map = affine_map<(d0, d1) -> (0, 0)>
module attributes {stable_mosaic.version = 14 : i64} {
  func.func @_scan_body(%arg0: i32, %arg1: i32, %arg2: memref<4096x128xf32, #tpu.memory_space<hbm>>, %arg3: memref<3x128xf32, #tpu.memory_space<hbm>>, %arg4: memref<16x128xf32, #tpu.memory_space<hbm>>, %arg5: memref<16x128xf32, #tpu.memory_space<hbm>>, %arg6: memref<256x128xf32, #tpu.memory_space<vmem>>, %arg7: memref<3x128xf32, #tpu.memory_space<vmem>>, %arg8: memref<128xf32, #tpu.memory_space<vmem>>, %arg9: memref<128xf32, #tpu.memory_space<vmem>>) attributes {dimension_semantics = [#tpu.dimension_semantics<core_parallel>, #tpu.dimension_semantics<subcore_parallel>], iteration_bounds = array<i64: 2, 16>, scalar_prefetch = 0 : i64, scratch_operands = 4 : i64, tpu.core_type = #tpu.core_type<sc_vector_subcore>, window_params = [{transform_indices = #map}, {transform_indices = #map}, {transform_indices = #map}, {transform_indices = #map}]} {
    %eq3A = arith.constant 0 : i32
    %eq3A_0 = arith.cmpi eq, %arg0, %eq3A : i32
    %convert_element_type3A = arith.extui %eq3A_0 : i1 to i32
    %cond3A = arith.constant 0 : i32
    %cond3A_1 = arith.cmpi ne, %convert_element_type3A, %cond3A : i32
    scf.if %cond3A_1 {
      %mul3A = arith.constant 256 : i32
      %mul3A_2 = arith.muli %arg1, %mul3A : i32
      "tpu.region"() ({
        %run_scoped3A = tpu.sem_alloc : memref<!tpu.dma_semaphore, #tpu.memory_space<semaphore_mem>>
        %dma_start3A = arith.constant 0 : i32
        %dma_start3A_1129 = tpu.memref_slice %arg2[%mul3A_2, %dma_start3A] : memref<4096x128xf32, #tpu.memory_space<hbm>> -> memref<256x128xf32, #tpu.memory_space<hbm>>
        %dma_start3A_1130 = arith.constant 0 : i32
        %dma_start3A_1131 = tpu.memref_slice %arg2[%mul3A_2, %dma_start3A_1130] : memref<4096x128xf32, #tpu.memory_space<hbm>> -> memref<256x128xf32, #tpu.memory_space<hbm>>
        tpu.enqueue_dma source(%dma_start3A_1131 : memref<256x128xf32, #tpu.memory_space<hbm>>) target(%arg6 : memref<256x128xf32, #tpu.memory_space<vmem>>) target_semaphore(%run_scoped3A : memref<!tpu.dma_semaphore, #tpu.memory_space<semaphore_mem>>)
        %dma_wait3A = arith.constant 0 : i32
        %dma_wait3A_1132 = tpu.memref_slice %arg2[%mul3A_2, %dma_wait3A] : memref<4096x128xf32, #tpu.memory_space<hbm>> -> memref<256x128xf32, #tpu.memory_space<hbm>>
        %dma_wait3A_1133 = arith.constant 0 : i32
        %dma_wait3A_1134 = tpu.memref_slice %arg2[%mul3A_2, %dma_wait3A_1133] : memref<4096x128xf32, #tpu.memory_space<hbm>> -> memref<256x128xf32, #tpu.memory_space<hbm>>
        tpu.wait_dma2 semaphore(%run_scoped3A : memref<!tpu.dma_semaphore, #tpu.memory_space<semaphore_mem>>) src(%dma_wait3A_1134 : memref<256x128xf32, #tpu.memory_space<hbm>>) dst(%arg6 : memref<256x128xf32, #tpu.memory_space<vmem>>)
        tpu.yield
      }) : () -> ()
      "tpu.region"() ({
        %run_scoped3A = tpu.sem_alloc : memref<!tpu.dma_semaphore, #tpu.memory_space<semaphore_mem>>
        tpu.enqueue_dma source(%arg3 : memref<3x128xf32, #tpu.memory_space<hbm>>) target(%arg7 : memref<3x128xf32, #tpu.memory_space<vmem>>) target_semaphore(%run_scoped3A : memref<!tpu.dma_semaphore, #tpu.memory_space<semaphore_mem>>)
        tpu.wait_dma2 semaphore(%run_scoped3A : memref<!tpu.dma_semaphore, #tpu.memory_space<semaphore_mem>>) src(%arg3 : memref<3x128xf32, #tpu.memory_space<hbm>>) dst(%arg7 : memref<3x128xf32, #tpu.memory_space<vmem>>)
        tpu.yield
      }) : () -> ()
      %get3A = arith.constant 0 : i32
      %get3A_3 = arith.index_cast %get3A : i32 to index
      %get3A_4 = arith.constant 0 : index
      %get3A_5 = tpu.vector_load %arg7[%get3A_3, %get3A_4] {strides = array<i32>} : memref<3x128xf32, #tpu.memory_space<vmem>>, vector<1x16xf32>,
      %get3A_6 = vector.shape_cast %get3A_5 : vector<1x16xf32> to vector<16xf32>
      %exp3A = math.exp %get3A_6 : vector<16xf32>
      %get3A_7 = arith.constant 0 : i32
      %get3A_8 = arith.index_cast %get3A_7 : i32 to index
      %get3A_9 = arith.constant 16 : index
      %get3A_10 = tpu.vector_load %arg7[%get3A_8, %get3A_9] {strides = array<i32>} : memref<3x128xf32, #tpu.memory_space<vmem>>, vector<1x16xf32>,
      %get3A_11 = vector.shape_cast %get3A_10 : vector<1x16xf32> to vector<16xf32>
      %exp3A_12 = math.exp %get3A_11 : vector<16xf32>
      %get3A_13 = arith.constant 0 : i32
      %get3A_14 = arith.index_cast %get3A_13 : i32 to index
      %get3A_15 = arith.constant 32 : index
      %get3A_16 = tpu.vector_load %arg7[%get3A_14, %get3A_15] {strides = array<i32>} : memref<3x128xf32, #tpu.memory_space<vmem>>, vector<1x16xf32>,
      %get3A_17 = vector.shape_cast %get3A_16 : vector<1x16xf32> to vector<16xf32>
      %exp3A_18 = math.exp %get3A_17 : vector<16xf32>
      %get3A_19 = arith.constant 0 : i32
      %get3A_20 = arith.index_cast %get3A_19 : i32 to index
      %get3A_21 = arith.constant 48 : index
      %get3A_22 = tpu.vector_load %arg7[%get3A_20, %get3A_21] {strides = array<i32>} : memref<3x128xf32, #tpu.memory_space<vmem>>, vector<1x16xf32>,
      %get3A_23 = vector.shape_cast %get3A_22 : vector<1x16xf32> to vector<16xf32>
      %exp3A_24 = math.exp %get3A_23 : vector<16xf32>
      %get3A_25 = arith.constant 0 : i32
      %get3A_26 = arith.index_cast %get3A_25 : i32 to index
      %get3A_27 = arith.constant 64 : index
      %get3A_28 = tpu.vector_load %arg7[%get3A_26, %get3A_27] {strides = array<i32>} : memref<3x128xf32, #tpu.memory_space<vmem>>, vector<1x16xf32>,
      %get3A_29 = vector.shape_cast %get3A_28 : vector<1x16xf32> to vector<16xf32>
      %exp3A_30 = math.exp %get3A_29 : vector<16xf32>
      %get3A_31 = arith.constant 0 : i32
      %get3A_32 = arith.index_cast %get3A_31 : i32 to index
      %get3A_33 = arith.constant 80 : index
      %get3A_34 = tpu.vector_load %arg7[%get3A_32, %get3A_33] {strides = array<i32>} : memref<3x128xf32, #tpu.memory_space<vmem>>, vector<1x16xf32>,
      %get3A_35 = vector.shape_cast %get3A_34 : vector<1x16xf32> to vector<16xf32>
      %exp3A_36 = math.exp %get3A_35 : vector<16xf32>
      %get3A_37 = arith.constant 0 : i32
      %get3A_38 = arith.index_cast %get3A_37 : i32 to index
      %get3A_39 = arith.constant 96 : index
      %get3A_40 = tpu.vector_load %arg7[%get3A_38, %get3A_39] {strides = array<i32>} : memref<3x128xf32, #tpu.memory_space<vmem>>, vector<1x16xf32>,
      %get3A_41 = vector.shape_cast %get3A_40 : vector<1x16xf32> to vector<16xf32>
      %exp3A_42 = math.exp %get3A_41 : vector<16xf32>
      %get3A_43 = arith.constant 0 : i32
      %get3A_44 = arith.index_cast %get3A_43 : i32 to index
      %get3A_45 = arith.constant 112 : index
      %get3A_46 = tpu.vector_load %arg7[%get3A_44, %get3A_45] {strides = array<i32>} : memref<3x128xf32, #tpu.memory_space<vmem>>, vector<1x16xf32>,
      %get3A_47 = vector.shape_cast %get3A_46 : vector<1x16xf32> to vector<16xf32>
      %exp3A_48 = math.exp %get3A_47 : vector<16xf32>
      %get3A_49 = arith.constant 1 : i32
      %get3A_50 = arith.index_cast %get3A_49 : i32 to index
      %get3A_51 = arith.constant 0 : index
      %get3A_52 = tpu.vector_load %arg7[%get3A_50, %get3A_51] {strides = array<i32>} : memref<3x128xf32, #tpu.memory_space<vmem>>, vector<1x16xf32>,
      %get3A_53 = vector.shape_cast %get3A_52 : vector<1x16xf32> to vector<16xf32>
      %exp3A_54 = math.exp %get3A_53 : vector<16xf32>
      %get3A_55 = arith.constant 1 : i32
      %get3A_56 = arith.index_cast %get3A_55 : i32 to index
      %get3A_57 = arith.constant 16 : index
      %get3A_58 = tpu.vector_load %arg7[%get3A_56, %get3A_57] {strides = array<i32>} : memref<3x128xf32, #tpu.memory_space<vmem>>, vector<1x16xf32>,
      %get3A_59 = vector.shape_cast %get3A_58 : vector<1x16xf32> to vector<16xf32>
      %exp3A_60 = math.exp %get3A_59 : vector<16xf32>
      %get3A_61 = arith.constant 1 : i32
      %get3A_62 = arith.index_cast %get3A_61 : i32 to index
      %get3A_63 = arith.constant 32 : index
      %get3A_64 = tpu.vector_load %arg7[%get3A_62, %get3A_63] {strides = array<i32>} : memref<3x128xf32, #tpu.memory_space<vmem>>, vector<1x16xf32>,
      %get3A_65 = vector.shape_cast %get3A_64 : vector<1x16xf32> to vector<16xf32>
      %exp3A_66 = math.exp %get3A_65 : vector<16xf32>
      %get3A_67 = arith.constant 1 : i32
      %get3A_68 = arith.index_cast %get3A_67 : i32 to index
      %get3A_69 = arith.constant 48 : index
      %get3A_70 = tpu.vector_load %arg7[%get3A_68, %get3A_69] {strides = array<i32>} : memref<3x128xf32, #tpu.memory_space<vmem>>, vector<1x16xf32>,
      %get3A_71 = vector.shape_cast %get3A_70 : vector<1x16xf32> to vector<16xf32>
      %exp3A_72 = math.exp %get3A_71 : vector<16xf32>
      %get3A_73 = arith.constant 1 : i32
      %get3A_74 = arith.index_cast %get3A_73 : i32 to index
      %get3A_75 = arith.constant 64 : index
      %get3A_76 = tpu.vector_load %arg7[%get3A_74, %get3A_75] {strides = array<i32>} : memref<3x128xf32, #tpu.memory_space<vmem>>, vector<1x16xf32>,
      %get3A_77 = vector.shape_cast %get3A_76 : vector<1x16xf32> to vector<16xf32>
      %exp3A_78 = math.exp %get3A_77 : vector<16xf32>
      %get3A_79 = arith.constant 1 : i32
      %get3A_80 = arith.index_cast %get3A_79 : i32 to index
      %get3A_81 = arith.constant 80 : index
      %get3A_82 = tpu.vector_load %arg7[%get3A_80, %get3A_81] {strides = array<i32>} : memref<3x128xf32, #tpu.memory_space<vmem>>, vector<1x16xf32>,
      %get3A_83 = vector.shape_cast %get3A_82 : vector<1x16xf32> to vector<16xf32>
      %exp3A_84 = math.exp %get3A_83 : vector<16xf32>
      %get3A_85 = arith.constant 1 : i32
      %get3A_86 = arith.index_cast %get3A_85 : i32 to index
      %get3A_87 = arith.constant 96 : index
      %get3A_88 = tpu.vector_load %arg7[%get3A_86, %get3A_87] {strides = array<i32>} : memref<3x128xf32, #tpu.memory_space<vmem>>, vector<1x16xf32>,
      %get3A_89 = vector.shape_cast %get3A_88 : vector<1x16xf32> to vector<16xf32>
      %exp3A_90 = math.exp %get3A_89 : vector<16xf32>
      %get3A_91 = arith.constant 1 : i32
      %get3A_92 = arith.index_cast %get3A_91 : i32 to index
      %get3A_93 = arith.constant 112 : index
      %get3A_94 = tpu.vector_load %arg7[%get3A_92, %get3A_93] {strides = array<i32>} : memref<3x128xf32, #tpu.memory_space<vmem>>, vector<1x16xf32>,
      %get3A_95 = vector.shape_cast %get3A_94 : vector<1x16xf32> to vector<16xf32>
      %exp3A_96 = math.exp %get3A_95 : vector<16xf32>
      %get3A_97 = arith.constant 2 : i32
      %get3A_98 = arith.index_cast %get3A_97 : i32 to index
      %get3A_99 = arith.constant 0 : index
      %get3A_100 = tpu.vector_load %arg7[%get3A_98, %get3A_99] {strides = array<i32>} : memref<3x128xf32, #tpu.memory_space<vmem>>, vector<1x16xf32>,
      %get3A_101 = vector.shape_cast %get3A_100 : vector<1x16xf32> to vector<16xf32>
      %exp3A_102 = math.exp %get3A_101 : vector<16xf32>
      %broadcast_in_dim3A = arith.constant 0 : i32
      %broadcast_in_dim3A_103 = vector.broadcast %broadcast_in_dim3A : i32 to vector<16xi32>
      %broadcast_in_dim3A_104 = arith.constant 1 : i32
      %broadcast_in_dim3A_105 = vector.broadcast %broadcast_in_dim3A_104 : i32 to vector<16xi32>
      %broadcast_in_dim3A_106 = arith.constant 2 : i32
      %broadcast_in_dim3A_107 = vector.broadcast %broadcast_in_dim3A_106 : i32 to vector<16xi32>
      %broadcast_in_dim3A_108 = arith.constant 3 : i32
      %broadcast_in_dim3A_109 = vector.broadcast %broadcast_in_dim3A_108 : i32 to vector<16xi32>
      %broadcast_in_dim3A_110 = arith.constant 4 : i32
      %broadcast_in_dim3A_111 = vector.broadcast %broadcast_in_dim3A_110 : i32 to vector<16xi32>
      %broadcast_in_dim3A_112 = arith.constant 5 : i32
      %broadcast_in_dim3A_113 = vector.broadcast %broadcast_in_dim3A_112 : i32 to vector<16xi32>
      %broadcast_in_dim3A_114 = arith.constant 6 : i32
      %broadcast_in_dim3A_115 = vector.broadcast %broadcast_in_dim3A_114 : i32 to vector<16xi32>
      %broadcast_in_dim3A_116 = arith.constant 7 : i32
      %broadcast_in_dim3A_117 = vector.broadcast %broadcast_in_dim3A_116 : i32 to vector<16xi32>
      %broadcast_in_dim3A_118 = arith.constant 8 : i32
      %broadcast_in_dim3A_119 = vector.broadcast %broadcast_in_dim3A_118 : i32 to vector<16xi32>
      %broadcast_in_dim3A_120 = arith.constant 9 : i32
      %broadcast_in_dim3A_121 = vector.broadcast %broadcast_in_dim3A_120 : i32 to vector<16xi32>
      %broadcast_in_dim3A_122 = arith.constant 10 : i32
      %broadcast_in_dim3A_123 = vector.broadcast %broadcast_in_dim3A_122 : i32 to vector<16xi32>
      %broadcast_in_dim3A_124 = arith.constant 11 : i32
      %broadcast_in_dim3A_125 = vector.broadcast %broadcast_in_dim3A_124 : i32 to vector<16xi32>
      %broadcast_in_dim3A_126 = arith.constant 12 : i32
      %broadcast_in_dim3A_127 = vector.broadcast %broadcast_in_dim3A_126 : i32 to vector<16xi32>
      %broadcast_in_dim3A_128 = arith.constant 13 : i32
      %broadcast_in_dim3A_129 = vector.broadcast %broadcast_in_dim3A_128 : i32 to vector<16xi32>
      %broadcast_in_dim3A_130 = arith.constant 14 : i32
      %broadcast_in_dim3A_131 = vector.broadcast %broadcast_in_dim3A_130 : i32 to vector<16xi32>
      %broadcast_in_dim3A_132 = arith.constant 15 : i32
      %broadcast_in_dim3A_133 = vector.broadcast %broadcast_in_dim3A_132 : i32 to vector<16xi32>
      %iota3A = tpu.iota {dimensions = array<i32: 0>} : vector<16xi32>
      %xor3A = arith.constant 8 : i32
      %xor3A_134 = vector.broadcast %xor3A : i32 to vector<16xi32>
      %xor3A_135 = arith.xori %iota3A, %xor3A_134 : vector<16xi32>
      %xor3A_136 = arith.constant 4 : i32
      %xor3A_137 = vector.broadcast %xor3A_136 : i32 to vector<16xi32>
      %xor3A_138 = arith.xori %iota3A, %xor3A_137 : vector<16xi32>
      %xor3A_139 = arith.constant 2 : i32
      %xor3A_140 = vector.broadcast %xor3A_139 : i32 to vector<16xi32>
      %xor3A_141 = arith.xori %iota3A, %xor3A_140 : vector<16xi32>
      %xor3A_142 = arith.constant 1 : i32
      %xor3A_143 = vector.broadcast %xor3A_142 : i32 to vector<16xi32>
      %xor3A_144 = arith.xori %iota3A, %xor3A_143 : vector<16xi32>
      %broadcast_in_dim3A_145 = arith.constant 0.000000e+00 : f32
      %broadcast_in_dim3A_146 = vector.broadcast %broadcast_in_dim3A_145 : f32 to vector<16xf32>
      %get3A_147 = arith.constant 0 : i32
      %get3A_148 = arith.index_cast %get3A_147 : i32 to index
      %get3A_149 = arith.constant 0 : index
      %get3A_150 = tpu.vector_load %arg6[%get3A_148, %get3A_149] {strides = array<i32>} : memref<256x128xf32, #tpu.memory_space<vmem>>, vector<1x16xf32>,
      %get3A_151 = vector.shape_cast %get3A_150 : vector<1x16xf32> to vector<16xf32>
      %mul3A_152 = arith.mulf %exp3A, %get3A_151 : vector<16xf32>
      %broadcast_in_dim3A_153 = vector.shape_cast %xor3A_135 : vector<16xi32> to vector<16x1xi32>
      %gather3A = vector.shape_cast %broadcast_in_dim3A_153 : vector<16x1xi32> to vector<16xi32>
      %gather3A_154 = tpu.dynamic_gather %mul3A_152[%gather3A] in [0] : vector<16xf32>, vector<16xi32> -> vector<16xf32>
      %add3A = arith.addf %mul3A_152, %gather3A_154 : vector<16xf32>
      %broadcast_in_dim3A_155 = vector.shape_cast %xor3A_138 : vector<16xi32> to vector<16x1xi32>
      %gather3A_156 = vector.shape_cast %broadcast_in_dim3A_155 : vector<16x1xi32> to vector<16xi32>
      %gather3A_157 = tpu.dynamic_gather %add3A[%gather3A_156] in [0] : vector<16xf32>, vector<16xi32> -> vector<16xf32>
      %add3A_158 = arith.addf %add3A, %gather3A_157 : vector<16xf32>
      %broadcast_in_dim3A_159 = vector.shape_cast %xor3A_141 : vector<16xi32> to vector<16x1xi32>
      %gather3A_160 = vector.shape_cast %broadcast_in_dim3A_159 : vector<16x1xi32> to vector<16xi32>
      %gather3A_161 = tpu.dynamic_gather %add3A_158[%gather3A_160] in [0] : vector<16xf32>, vector<16xi32> -> vector<16xf32>
      %add3A_162 = arith.addf %add3A_158, %gather3A_161 : vector<16xf32>
      %broadcast_in_dim3A_163 = vector.shape_cast %xor3A_144 : vector<16xi32> to vector<16x1xi32>
      %gather3A_164 = vector.shape_cast %broadcast_in_dim3A_163 : vector<16x1xi32> to vector<16xi32>
      %gather3A_165 = tpu.dynamic_gather %add3A_162[%gather3A_164] in [0] : vector<16xf32>, vector<16xi32> -> vector<16xf32>
      %add3A_166 = arith.addf %add3A_162, %gather3A_165 : vector<16xf32>
      %broadcast_in_dim3A_167 = arith.constant 1.000000e+00 : f32
      %broadcast_in_dim3A_168 = vector.broadcast %broadcast_in_dim3A_167 : f32 to vector<16xf32>
      %broadcast_in_dim3A_169 = arith.constant 0.000000e+00 : f32
      %broadcast_in_dim3A_170 = vector.broadcast %broadcast_in_dim3A_169 : f32 to vector<16xf32>
      %mul3A_171 = arith.mulf %add3A_166, %broadcast_in_dim3A_168 : vector<16xf32>
      %lt3A = arith.constant 5.42101086E-20 : f32
      %lt3A_172 = vector.broadcast %lt3A : f32 to vector<16xf32>
      %lt3A_173 = arith.cmpf olt, %mul3A_171, %lt3A_172 : vector<16xf32>
      %mul3A_174 = arith.constant 1.84467441E+19 : f32
      %mul3A_175 = vector.broadcast %mul3A_174 : f32 to vector<16xf32>
      %mul3A_176 = arith.mulf %broadcast_in_dim3A_168, %mul3A_175 : vector<16xf32>
      %select_n3A = arith.select %lt3A_173, %mul3A_176, %broadcast_in_dim3A_168 : vector<16xi1>, vector<16xf32>
      %add3A_177 = arith.constant 6.400000e+01 : f32
      %add3A_178 = vector.broadcast %add3A_177 : f32 to vector<16xf32>
      %add3A_179 = arith.addf %broadcast_in_dim3A_170, %add3A_178 : vector<16xf32>
      %select_n3A_180 = arith.select %lt3A_173, %add3A_179, %broadcast_in_dim3A_170 : vector<16xi1>, vector<16xf32>
      %mul3A_181 = arith.mulf %add3A_166, %select_n3A : vector<16xf32>
      %lt3A_182 = arith.constant 2.32830644E-10 : f32
      %lt3A_183 = vector.broadcast %lt3A_182 : f32 to vector<16xf32>
      %lt3A_184 = arith.cmpf olt, %mul3A_181, %lt3A_183 : vector<16xf32>
      %mul3A_185 = arith.constant 4.2949673E+9 : f32
      %mul3A_186 = vector.broadcast %mul3A_185 : f32 to vector<16xf32>
      %mul3A_187 = arith.mulf %select_n3A, %mul3A_186 : vector<16xf32>
      %select_n3A_188 = arith.select %lt3A_184, %mul3A_187, %select_n3A : vector<16xi1>, vector<16xf32>
      %add3A_189 = arith.constant 3.200000e+01 : f32
      %add3A_190 = vector.broadcast %add3A_189 : f32 to vector<16xf32>
      %add3A_191 = arith.addf %select_n3A_180, %add3A_190 : vector<16xf32>
      %select_n3A_192 = arith.select %lt3A_184, %add3A_191, %select_n3A_180 : vector<16xi1>, vector<16xf32>
      %mul3A_193 = arith.mulf %add3A_166, %select_n3A_188 : vector<16xf32>
      %lt3A_194 = arith.constant 1.52587891E-5 : f32
      %lt3A_195 = vector.broadcast %lt3A_194 : f32 to vector<16xf32>
      %lt3A_196 = arith.cmpf olt, %mul3A_193, %lt3A_195 : vector<16xf32>
      %mul3A_197 = arith.constant 6.553600e+04 : f32
      %mul3A_198 = vector.broadcast %mul3A_197 : f32 to vector<16xf32>
      %mul3A_199 = arith.mulf %select_n3A_188, %mul3A_198 : vector<16xf32>
      %select_n3A_200 = arith.select %lt3A_196, %mul3A_199, %select_n3A_188 : vector<16xi1>, vector<16xf32>
      %add3A_201 = arith.constant 1.600000e+01 : f32
      %add3A_202 = vector.broadcast %add3A_201 : f32 to vector<16xf32>
      %add3A_203 = arith.addf %select_n3A_192, %add3A_202 : vector<16xf32>
      %select_n3A_204 = arith.select %lt3A_196, %add3A_203, %select_n3A_192 : vector<16xi1>, vector<16xf32>
      %mul3A_205 = arith.mulf %add3A_166, %select_n3A_200 : vector<16xf32>
      %lt3A_206 = arith.constant 3.906250e-03 : f32
      %lt3A_207 = vector.broadcast %lt3A_206 : f32 to vector<16xf32>
      %lt3A_208 = arith.cmpf olt, %mul3A_205, %lt3A_207 : vector<16xf32>
      %mul3A_209 = arith.constant 2.560000e+02 : f32
      %mul3A_210 = vector.broadcast %mul3A_209 : f32 to vector<16xf32>
      %mul3A_211 = arith.mulf %select_n3A_200, %mul3A_210 : vector<16xf32>
      %select_n3A_212 = arith.select %lt3A_208, %mul3A_211, %select_n3A_200 : vector<16xi1>, vector<16xf32>
      %add3A_213 = arith.constant 8.000000e+00 : f32
      %add3A_214 = vector.broadcast %add3A_213 : f32 to vector<16xf32>
      %add3A_215 = arith.addf %select_n3A_204, %add3A_214 : vector<16xf32>
      %select_n3A_216 = arith.select %lt3A_208, %add3A_215, %select_n3A_204 : vector<16xi1>, vector<16xf32>
      %mul3A_217 = arith.mulf %add3A_166, %select_n3A_212 : vector<16xf32>
      %lt3A_218 = arith.constant 6.250000e-02 : f32
      %lt3A_219 = vector.broadcast %lt3A_218 : f32 to vector<16xf32>
      %lt3A_220 = arith.cmpf olt, %mul3A_217, %lt3A_219 : vector<16xf32>
      %mul3A_221 = arith.constant 1.600000e+01 : f32
      %mul3A_222 = vector.broadcast %mul3A_221 : f32 to vector<16xf32>
      %mul3A_223 = arith.mulf %select_n3A_212, %mul3A_222 : vector<16xf32>
      %select_n3A_224 = arith.select %lt3A_220, %mul3A_223, %select_n3A_212 : vector<16xi1>, vector<16xf32>
      %add3A_225 = arith.constant 4.000000e+00 : f32
      %add3A_226 = vector.broadcast %add3A_225 : f32 to vector<16xf32>
      %add3A_227 = arith.addf %select_n3A_216, %add3A_226 : vector<16xf32>
      %select_n3A_228 = arith.select %lt3A_220, %add3A_227, %select_n3A_216 : vector<16xi1>, vector<16xf32>
      %mul3A_229 = arith.mulf %add3A_166, %select_n3A_224 : vector<16xf32>
      %lt3A_230 = arith.constant 2.500000e-01 : f32
      %lt3A_231 = vector.broadcast %lt3A_230 : f32 to vector<16xf32>
      %lt3A_232 = arith.cmpf olt, %mul3A_229, %lt3A_231 : vector<16xf32>
      %mul3A_233 = arith.constant 4.000000e+00 : f32
      %mul3A_234 = vector.broadcast %mul3A_233 : f32 to vector<16xf32>
      %mul3A_235 = arith.mulf %select_n3A_224, %mul3A_234 : vector<16xf32>
      %select_n3A_236 = arith.select %lt3A_232, %mul3A_235, %select_n3A_224 : vector<16xi1>, vector<16xf32>
      %add3A_237 = arith.constant 2.000000e+00 : f32
      %add3A_238 = vector.broadcast %add3A_237 : f32 to vector<16xf32>
      %add3A_239 = arith.addf %select_n3A_228, %add3A_238 : vector<16xf32>
      %select_n3A_240 = arith.select %lt3A_232, %add3A_239, %select_n3A_228 : vector<16xi1>, vector<16xf32>
      %mul3A_241 = arith.mulf %add3A_166, %select_n3A_236 : vector<16xf32>
      %lt3A_242 = arith.constant 5.000000e-01 : f32
      %lt3A_243 = vector.broadcast %lt3A_242 : f32 to vector<16xf32>
      %lt3A_244 = arith.cmpf olt, %mul3A_241, %lt3A_243 : vector<16xf32>
      %mul3A_245 = arith.constant 2.000000e+00 : f32
      %mul3A_246 = vector.broadcast %mul3A_245 : f32 to vector<16xf32>
      %mul3A_247 = arith.mulf %select_n3A_236, %mul3A_246 : vector<16xf32>
      %select_n3A_248 = arith.select %lt3A_244, %mul3A_247, %select_n3A_236 : vector<16xi1>, vector<16xf32>
      %add3A_249 = arith.constant 1.000000e+00 : f32
      %add3A_250 = vector.broadcast %add3A_249 : f32 to vector<16xf32>
      %add3A_251 = arith.addf %select_n3A_240, %add3A_250 : vector<16xf32>
      %select_n3A_252 = arith.select %lt3A_244, %add3A_251, %select_n3A_240 : vector<16xi1>, vector<16xf32>
      %mul3A_253 = arith.mulf %mul3A_152, %select_n3A_248 : vector<16xf32>
      %sub3A = arith.subf %broadcast_in_dim3A_146, %select_n3A_252 : vector<16xf32>
      %broadcast_in_dim3A_254 = vector.shape_cast %broadcast_in_dim3A_103 : vector<16xi32> to vector<16x1xi32>
      %gather3A_255 = vector.shape_cast %broadcast_in_dim3A_254 : vector<16x1xi32> to vector<16xi32>
      %gather3A_256 = tpu.dynamic_gather %mul3A_253[%gather3A_255] in [0] : vector<16xf32>, vector<16xi32> -> vector<16xf32>
      %mul3A_257 = arith.mulf %exp3A_12, %gather3A_256 : vector<16xf32>
      %broadcast_in_dim3A_258 = vector.shape_cast %broadcast_in_dim3A_105 : vector<16xi32> to vector<16x1xi32>
      %gather3A_259 = vector.shape_cast %broadcast_in_dim3A_258 : vector<16x1xi32> to vector<16xi32>
      %gather3A_260 = tpu.dynamic_gather %mul3A_253[%gather3A_259] in [0] : vector<16xf32>, vector<16xi32> -> vector<16xf32>
      %mul3A_261 = arith.mulf %exp3A_18, %gather3A_260 : vector<16xf32>
      %broadcast_in_dim3A_262 = vector.shape_cast %broadcast_in_dim3A_107 : vector<16xi32> to vector<16x1xi32>
      %gather3A_263 = vector.shape_cast %broadcast_in_dim3A_262 : vector<16x1xi32> to vector<16xi32>
      %gather3A_264 = tpu.dynamic_gather %mul3A_253[%gather3A_263] in [0] : vector<16xf32>, vector<16xi32> -> vector<16xf32>
      %mul3A_265 = arith.mulf %exp3A_24, %gather3A_264 : vector<16xf32>
      %broadcast_in_dim3A_266 = vector.shape_cast %broadcast_in_dim3A_109 : vector<16xi32> to vector<16x1xi32>
      %gather3A_267 = vector.shape_cast %broadcast_in_dim3A_266 : vector<16x1xi32> to vector<16xi32>
      %gather3A_268 = tpu.dynamic_gather %mul3A_253[%gather3A_267] in [0] : vector<16xf32>, vector<16xi32> -> vector<16xf32>
      %mul3A_269 = arith.mulf %exp3A_30, %gather3A_268 : vector<16xf32>
      %broadcast_in_dim3A_270 = vector.shape_cast %broadcast_in_dim3A_111 : vector<16xi32> to vector<16x1xi32>
      %gather3A_271 = vector.shape_cast %broadcast_in_dim3A_270 : vector<16x1xi32> to vector<16xi32>
      %gather3A_272 = tpu.dynamic_gather %mul3A_253[%gather3A_271] in [0] : vector<16xf32>, vector<16xi32> -> vector<16xf32>
      %mul3A_273 = arith.mulf %exp3A_36, %gather3A_272 : vector<16xf32>
      %broadcast_in_dim3A_274 = vector.shape_cast %broadcast_in_dim3A_113 : vector<16xi32> to vector<16x1xi32>
      %gather3A_275 = vector.shape_cast %broadcast_in_dim3A_274 : vector<16x1xi32> to vector<16xi32>
      %gather3A_276 = tpu.dynamic_gather %mul3A_253[%gather3A_275] in [0] : vector<16xf32>, vector<16xi32> -> vector<16xf32>
      %mul3A_277 = arith.mulf %exp3A_42, %gather3A_276 : vector<16xf32>
      %broadcast_in_dim3A_278 = vector.shape_cast %broadcast_in_dim3A_115 : vector<16xi32> to vector<16x1xi32>
      %gather3A_279 = vector.shape_cast %broadcast_in_dim3A_278 : vector<16x1xi32> to vector<16xi32>
      %gather3A_280 = tpu.dynamic_gather %mul3A_253[%gather3A_279] in [0] : vector<16xf32>, vector<16xi32> -> vector<16xf32>
      %mul3A_281 = arith.mulf %exp3A_48, %gather3A_280 : vector<16xf32>
      %broadcast_in_dim3A_282 = vector.shape_cast %broadcast_in_dim3A_117 : vector<16xi32> to vector<16x1xi32>
      %gather3A_283 = vector.shape_cast %broadcast_in_dim3A_282 : vector<16x1xi32> to vector<16xi32>
      %gather3A_284 = tpu.dynamic_gather %mul3A_253[%gather3A_283] in [0] : vector<16xf32>, vector<16xi32> -> vector<16xf32>
      %mul3A_285 = arith.mulf %exp3A_54, %gather3A_284 : vector<16xf32>
      %broadcast_in_dim3A_286 = vector.shape_cast %broadcast_in_dim3A_119 : vector<16xi32> to vector<16x1xi32>
      %gather3A_287 = vector.shape_cast %broadcast_in_dim3A_286 : vector<16x1xi32> to vector<16xi32>
      %gather3A_288 = tpu.dynamic_gather %mul3A_253[%gather3A_287] in [0] : vector<16xf32>, vector<16xi32> -> vector<16xf32>
      %mul3A_289 = arith.mulf %exp3A_60, %gather3A_288 : vector<16xf32>
      %broadcast_in_dim3A_290 = vector.shape_cast %broadcast_in_dim3A_121 : vector<16xi32> to vector<16x1xi32>
      %gather3A_291 = vector.shape_cast %broadcast_in_dim3A_290 : vector<16x1xi32> to vector<16xi32>
      %gather3A_292 = tpu.dynamic_gather %mul3A_253[%gather3A_291] in [0] : vector<16xf32>, vector<16xi32> -> vector<16xf32>
      %mul3A_293 = arith.mulf %exp3A_66, %gather3A_292 : vector<16xf32>
      %broadcast_in_dim3A_294 = vector.shape_cast %broadcast_in_dim3A_123 : vector<16xi32> to vector<16x1xi32>
      %gather3A_295 = vector.shape_cast %broadcast_in_dim3A_294 : vector<16x1xi32> to vector<16xi32>
      %gather3A_296 = tpu.dynamic_gather %mul3A_253[%gather3A_295] in [0] : vector<16xf32>, vector<16xi32> -> vector<16xf32>
      %mul3A_297 = arith.mulf %exp3A_72, %gather3A_296 : vector<16xf32>
      %broadcast_in_dim3A_298 = vector.shape_cast %broadcast_in_dim3A_125 : vector<16xi32> to vector<16x1xi32>
      %gather3A_299 = vector.shape_cast %broadcast_in_dim3A_298 : vector<16x1xi32> to vector<16xi32>
      %gather3A_300 = tpu.dynamic_gather %mul3A_253[%gather3A_299] in [0] : vector<16xf32>, vector<16xi32> -> vector<16xf32>
      %mul3A_301 = arith.mulf %exp3A_78, %gather3A_300 : vector<16xf32>
      %broadcast_in_dim3A_302 = vector.shape_cast %broadcast_in_dim3A_127 : vector<16xi32> to vector<16x1xi32>
      %gather3A_303 = vector.shape_cast %broadcast_in_dim3A_302 : vector<16x1xi32> to vector<16xi32>
      %gather3A_304 = tpu.dynamic_gather %mul3A_253[%gather3A_303] in [0] : vector<16xf32>, vector<16xi32> -> vector<16xf32>
      %mul3A_305 = arith.mulf %exp3A_84, %gather3A_304 : vector<16xf32>
      %broadcast_in_dim3A_306 = vector.shape_cast %broadcast_in_dim3A_129 : vector<16xi32> to vector<16x1xi32>
      %gather3A_307 = vector.shape_cast %broadcast_in_dim3A_306 : vector<16x1xi32> to vector<16xi32>
      %gather3A_308 = tpu.dynamic_gather %mul3A_253[%gather3A_307] in [0] : vector<16xf32>, vector<16xi32> -> vector<16xf32>
      %mul3A_309 = arith.mulf %exp3A_90, %gather3A_308 : vector<16xf32>
      %broadcast_in_dim3A_310 = vector.shape_cast %broadcast_in_dim3A_131 : vector<16xi32> to vector<16x1xi32>
      %gather3A_311 = vector.shape_cast %broadcast_in_dim3A_310 : vector<16x1xi32> to vector<16xi32>
      %gather3A_312 = tpu.dynamic_gather %mul3A_253[%gather3A_311] in [0] : vector<16xf32>, vector<16xi32> -> vector<16xf32>
      %mul3A_313 = arith.mulf %exp3A_96, %gather3A_312 : vector<16xf32>
      %broadcast_in_dim3A_314 = vector.shape_cast %broadcast_in_dim3A_133 : vector<16xi32> to vector<16x1xi32>
      %gather3A_315 = vector.shape_cast %broadcast_in_dim3A_314 : vector<16x1xi32> to vector<16xi32>
      %gather3A_316 = tpu.dynamic_gather %mul3A_253[%gather3A_315] in [0] : vector<16xf32>, vector<16xi32> -> vector<16xf32>
      %mul3A_317 = arith.mulf %exp3A_102, %gather3A_316 : vector<16xf32>
      %add3A_318 = arith.addf %mul3A_257, %mul3A_261 : vector<16xf32>
      %add3A_319 = arith.addf %mul3A_265, %mul3A_269 : vector<16xf32>
      %add3A_320 = arith.addf %mul3A_273, %mul3A_277 : vector<16xf32>
      %add3A_321 = arith.addf %mul3A_281, %mul3A_285 : vector<16xf32>
      %add3A_322 = arith.addf %mul3A_289, %mul3A_293 : vector<16xf32>
      %add3A_323 = arith.addf %mul3A_297, %mul3A_301 : vector<16xf32>
      %add3A_324 = arith.addf %mul3A_305, %mul3A_309 : vector<16xf32>
      %add3A_325 = arith.addf %mul3A_313, %mul3A_317 : vector<16xf32>
      %add3A_326 = arith.addf %add3A_318, %add3A_319 : vector<16xf32>
      %add3A_327 = arith.addf %add3A_320, %add3A_321 : vector<16xf32>
      %add3A_328 = arith.addf %add3A_322, %add3A_323 : vector<16xf32>
      %add3A_329 = arith.addf %add3A_324, %add3A_325 : vector<16xf32>
      %add3A_330 = arith.addf %add3A_326, %add3A_327 : vector<16xf32>
      %add3A_331 = arith.addf %add3A_328, %add3A_329 : vector<16xf32>
      %add3A_332 = arith.addf %add3A_330, %add3A_331 : vector<16xf32>
      %get3A_333 = arith.constant 0 : i32
      %get3A_334 = arith.index_cast %get3A_333 : i32 to index
      %get3A_335 = arith.constant 16 : index
      %get3A_336 = tpu.vector_load %arg6[%get3A_334, %get3A_335] {strides = array<i32>} : memref<256x128xf32, #tpu.memory_space<vmem>>, vector<1x16xf32>,
      %get3A_337 = vector.shape_cast %get3A_336 : vector<1x16xf32> to vector<16xf32>
      %mul3A_338 = arith.mulf %add3A_332, %get3A_337 : vector<16xf32>
      %broadcast_in_dim3A_339 = vector.shape_cast %broadcast_in_dim3A_103 : vector<16xi32> to vector<16x1xi32>
      %gather3A_340 = vector.shape_cast %broadcast_in_dim3A_339 : vector<16x1xi32> to vector<16xi32>
      %gather3A_341 = tpu.dynamic_gather %mul3A_338[%gather3A_340] in [0] : vector<16xf32>, vector<16xi32> -> vector<16xf32>
      %mul3A_342 = arith.mulf %exp3A_12, %gather3A_341 : vector<16xf32>
      %broadcast_in_dim3A_343 = vector.shape_cast %broadcast_in_dim3A_105 : vector<16xi32> to vector<16x1xi32>
      %gather3A_344 = vector.shape_cast %broadcast_in_dim3A_343 : vector<16x1xi32> to vector<16xi32>
      %gather3A_345 = tpu.dynamic_gather %mul3A_338[%gather3A_344] in [0] : vector<16xf32>, vector<16xi32> -> vector<16xf32>
      %mul3A_346 = arith.mulf %exp3A_18, %gather3A_345 : vector<16xf32>
      %broadcast_in_dim3A_347 = vector.shape_cast %broadcast_in_dim3A_107 : vector<16xi32> to vector<16x1xi32>
      %gather3A_348 = vector.shape_cast %broadcast_in_dim3A_347 : vector<16x1xi32> to vector<16xi32>
      %gather3A_349 = tpu.dynamic_gather %mul3A_338[%gather3A_348] in [0] : vector<16xf32>, vector<16xi32> -> vector<16xf32>
      %mul3A_350 = arith.mulf %exp3A_24, %gather3A_349 : vector<16xf32>
      %broadcast_in_dim3A_351 = vector.shape_cast %broadcast_in_dim3A_109 : vector<16xi32> to vector<16x1xi32>
      %gather3A_352 = vector.shape_cast %broadcast_in_dim3A_351 : vector<16x1xi32> to vector<16xi32>
      %gather3A_353 = tpu.dynamic_gather %mul3A_338[%gather3A_352] in [0] : vector<16xf32>, vector<16xi32> -> vector<16xf32>
      %mul3A_354 = arith.mulf %exp3A_30, %gather3A_353 : vector<16xf32>
      %broadcast_in_dim3A_355 = vector.shape_cast %broadcast_in_dim3A_111 : vector<16xi32> to vector<16x1xi32>
      %gather3A_356 = vector.shape_cast %broadcast_in_dim3A_355 : vector<16x1xi32> to vector<16xi32>
      %gather3A_357 = tpu.dynamic_gather %mul3A_338[%gather3A_356] in [0] : vector<16xf32>, vector<16xi32> -> vector<16xf32>
      %mul3A_358 = arith.mulf %exp3A_36, %gather3A_357 : vector<16xf32>
      %broadcast_in_dim3A_359 = vector.shape_cast %broadcast_in_dim3A_113 : vector<16xi32> to vector<16x1xi32>
      %gather3A_360 = vector.shape_cast %broadcast_in_dim3A_359 : vector<16x1xi32> to vector<16xi32>
      %gather3A_361 = tpu.dynamic_gather %mul3A_338[%gather3A_360] in [0] : vector<16xf32>, vector<16xi32> -> vector<16xf32>
      %mul3A_362 = arith.mulf %exp3A_42, %gather3A_361 : vector<16xf32>
      %broadcast_in_dim3A_363 = vector.shape_cast %broadcast_in_dim3A_115 : vector<16xi32> to vector<16x1xi32>
      %gather3A_364 = vector.shape_cast %broadcast_in_dim3A_363 : vector<16x1xi32> to vector<16xi32>
      %gather3A_365 = tpu.dynamic_gather %mul3A_338[%gather3A_364] in [0] : vector<16xf32>, vector<16xi32> -> vector<16xf32>
      %mul3A_366 = arith.mulf %exp3A_48, %gather3A_365 : vector<16xf32>
      %broadcast_in_dim3A_367 = vector.shape_cast %broadcast_in_dim3A_117 : vector<16xi32> to vector<16x1xi32>
      %gather3A_368 = vector.shape_cast %broadcast_in_dim3A_367 : vector<16x1xi32> to vector<16xi32>
      %gather3A_369 = tpu.dynamic_gather %mul3A_338[%gather3A_368] in [0] : vector<16xf32>, vector<16xi32> -> vector<16xf32>
      %mul3A_370 = arith.mulf %exp3A_54, %gather3A_369 : vector<16xf32>
      %broadcast_in_dim3A_371 = vector.shape_cast %broadcast_in_dim3A_119 : vector<16xi32> to vector<16x1xi32>
      %gather3A_372 = vector.shape_cast %broadcast_in_dim3A_371 : vector<16x1xi32> to vector<16xi32>
      %gather3A_373 = tpu.dynamic_gather %mul3A_338[%gather3A_372] in [0] : vector<16xf32>, vector<16xi32> -> vector<16xf32>
      %mul3A_374 = arith.mulf %exp3A_60, %gather3A_373 : vector<16xf32>
      %broadcast_in_dim3A_375 = vector.shape_cast %broadcast_in_dim3A_121 : vector<16xi32> to vector<16x1xi32>
      %gather3A_376 = vector.shape_cast %broadcast_in_dim3A_375 : vector<16x1xi32> to vector<16xi32>
      %gather3A_377 = tpu.dynamic_gather %mul3A_338[%gather3A_376] in [0] : vector<16xf32>, vector<16xi32> -> vector<16xf32>
      %mul3A_378 = arith.mulf %exp3A_66, %gather3A_377 : vector<16xf32>
      %broadcast_in_dim3A_379 = vector.shape_cast %broadcast_in_dim3A_123 : vector<16xi32> to vector<16x1xi32>
      %gather3A_380 = vector.shape_cast %broadcast_in_dim3A_379 : vector<16x1xi32> to vector<16xi32>
      %gather3A_381 = tpu.dynamic_gather %mul3A_338[%gather3A_380] in [0] : vector<16xf32>, vector<16xi32> -> vector<16xf32>
      %mul3A_382 = arith.mulf %exp3A_72, %gather3A_381 : vector<16xf32>
      %broadcast_in_dim3A_383 = vector.shape_cast %broadcast_in_dim3A_125 : vector<16xi32> to vector<16x1xi32>
      %gather3A_384 = vector.shape_cast %broadcast_in_dim3A_383 : vector<16x1xi32> to vector<16xi32>
      %gather3A_385 = tpu.dynamic_gather %mul3A_338[%gather3A_384] in [0] : vector<16xf32>, vector<16xi32> -> vector<16xf32>
      %mul3A_386 = arith.mulf %exp3A_78, %gather3A_385 : vector<16xf32>
      %broadcast_in_dim3A_387 = vector.shape_cast %broadcast_in_dim3A_127 : vector<16xi32> to vector<16x1xi32>
      %gather3A_388 = vector.shape_cast %broadcast_in_dim3A_387 : vector<16x1xi32> to vector<16xi32>
      %gather3A_389 = tpu.dynamic_gather %mul3A_338[%gather3A_388] in [0] : vector<16xf32>, vector<16xi32> -> vector<16xf32>
      %mul3A_390 = arith.mulf %exp3A_84, %gather3A_389 : vector<16xf32>
      %broadcast_in_dim3A_391 = vector.shape_cast %broadcast_in_dim3A_129 : vector<16xi32> to vector<16x1xi32>
      %gather3A_392 = vector.shape_cast %broadcast_in_dim3A_391 : vector<16x1xi32> to vector<16xi32>
      %gather3A_393 = tpu.dynamic_gather %mul3A_338[%gather3A_392] in [0] : vector<16xf32>, vector<16xi32> -> vector<16xf32>
      %mul3A_394 = arith.mulf %exp3A_90, %gather3A_393 : vector<16xf32>
      %broadcast_in_dim3A_395 = vector.shape_cast %broadcast_in_dim3A_131 : vector<16xi32> to vector<16x1xi32>
      %gather3A_396 = vector.shape_cast %broadcast_in_dim3A_395 : vector<16x1xi32> to vector<16xi32>
      %gather3A_397 = tpu.dynamic_gather %mul3A_338[%gather3A_396] in [0] : vector<16xf32>, vector<16xi32> -> vector<16xf32>
      %mul3A_398 = arith.mulf %exp3A_96, %gather3A_397 : vector<16xf32>
      %broadcast_in_dim3A_399 = vector.shape_cast %broadcast_in_dim3A_133 : vector<16xi32> to vector<16x1xi32>
      %gather3A_400 = vector.shape_cast %broadcast_in_dim3A_399 : vector<16x1xi32> to vector<16xi32>
      %gather3A_401 = tpu.dynamic_gather %mul3A_338[%gather3A_400] in [0] : vector<16xf32>, vector<16xi32> -> vector<16xf32>
      %mul3A_402 = arith.mulf %exp3A_102, %gather3A_401 : vector<16xf32>
      %add3A_403 = arith.addf %mul3A_342, %mul3A_346 : vector<16xf32>
      %add3A_404 = arith.addf %mul3A_350, %mul3A_354 : vector<16xf32>
      %add3A_405 = arith.addf %mul3A_358, %mul3A_362 : vector<16xf32>
      %add3A_406 = arith.addf %mul3A_366, %mul3A_370 : vector<16xf32>
      %add3A_407 = arith.addf %mul3A_374, %mul3A_378 : vector<16xf32>
      %add3A_408 = arith.addf %mul3A_382, %mul3A_386 : vector<16xf32>
      %add3A_409 = arith.addf %mul3A_390, %mul3A_394 : vector<16xf32>
      %add3A_410 = arith.addf %mul3A_398, %mul3A_402 : vector<16xf32>
      %add3A_411 = arith.addf %add3A_403, %add3A_404 : vector<16xf32>
      %add3A_412 = arith.addf %add3A_405, %add3A_406 : vector<16xf32>
      %add3A_413 = arith.addf %add3A_407, %add3A_408 : vector<16xf32>
      %add3A_414 = arith.addf %add3A_409, %add3A_410 : vector<16xf32>
      %add3A_415 = arith.addf %add3A_411, %add3A_412 : vector<16xf32>
      %add3A_416 = arith.addf %add3A_413, %add3A_414 : vector<16xf32>
      %add3A_417 = arith.addf %add3A_415, %add3A_416 : vector<16xf32>
      %get3A_418 = arith.constant 0 : i32
      %get3A_419 = arith.index_cast %get3A_418 : i32 to index
      %get3A_420 = arith.constant 32 : index
      %get3A_421 = tpu.vector_load %arg6[%get3A_419, %get3A_420] {strides = array<i32>} : memref<256x128xf32, #tpu.memory_space<vmem>>, vector<1x16xf32>,
      %get3A_422 = vector.shape_cast %get3A_421 : vector<1x16xf32> to vector<16xf32>
      %mul3A_423 = arith.mulf %add3A_417, %get3A_422 : vector<16xf32>
      %broadcast_in_dim3A_424 = vector.shape_cast %broadcast_in_dim3A_103 : vector<16xi32> to vector<16x1xi32>
      %gather3A_425 = vector.shape_cast %broadcast_in_dim3A_424 : vector<16x1xi32> to vector<16xi32>
      %gather3A_426 = tpu.dynamic_gather %mul3A_423[%gather3A_425] in [0] : vector<16xf32>, vector<16xi32> -> vector<16xf32>
      %mul3A_427 = arith.mulf %exp3A_12, %gather3A_426 : vector<16xf32>
      %broadcast_in_dim3A_428 = vector.shape_cast %broadcast_in_dim3A_105 : vector<16xi32> to vector<16x1xi32>
      %gather3A_429 = vector.shape_cast %broadcast_in_dim3A_428 : vector<16x1xi32> to vector<16xi32>
      %gather3A_430 = tpu.dynamic_gather %mul3A_423[%gather3A_429] in [0] : vector<16xf32>, vector<16xi32> -> vector<16xf32>
      %mul3A_431 = arith.mulf %exp3A_18, %gather3A_430 : vector<16xf32>
      %broadcast_in_dim3A_432 = vector.shape_cast %broadcast_in_dim3A_107 : vector<16xi32> to vector<16x1xi32>
      %gather3A_433 = vector.shape_cast %broadcast_in_dim3A_432 : vector<16x1xi32> to vector<16xi32>
      %gather3A_434 = tpu.dynamic_gather %mul3A_423[%gather3A_433] in [0] : vector<16xf32>, vector<16xi32> -> vector<16xf32>
      %mul3A_435 = arith.mulf %exp3A_24, %gather3A_434 : vector<16xf32>
      %broadcast_in_dim3A_436 = vector.shape_cast %broadcast_in_dim3A_109 : vector<16xi32> to vector<16x1xi32>
      %gather3A_437 = vector.shape_cast %broadcast_in_dim3A_436 : vector<16x1xi32> to vector<16xi32>
      %gather3A_438 = tpu.dynamic_gather %mul3A_423[%gather3A_437] in [0] : vector<16xf32>, vector<16xi32> -> vector<16xf32>
      %mul3A_439 = arith.mulf %exp3A_30, %gather3A_438 : vector<16xf32>
      %broadcast_in_dim3A_440 = vector.shape_cast %broadcast_in_dim3A_111 : vector<16xi32> to vector<16x1xi32>
      %gather3A_441 = vector.shape_cast %broadcast_in_dim3A_440 : vector<16x1xi32> to vector<16xi32>
      %gather3A_442 = tpu.dynamic_gather %mul3A_423[%gather3A_441] in [0] : vector<16xf32>, vector<16xi32> -> vector<16xf32>
      %mul3A_443 = arith.mulf %exp3A_36, %gather3A_442 : vector<16xf32>
      %broadcast_in_dim3A_444 = vector.shape_cast %broadcast_in_dim3A_113 : vector<16xi32> to vector<16x1xi32>
      %gather3A_445 = vector.shape_cast %broadcast_in_dim3A_444 : vector<16x1xi32> to vector<16xi32>
      %gather3A_446 = tpu.dynamic_gather %mul3A_423[%gather3A_445] in [0] : vector<16xf32>, vector<16xi32> -> vector<16xf32>
      %mul3A_447 = arith.mulf %exp3A_42, %gather3A_446 : vector<16xf32>
      %broadcast_in_dim3A_448 = vector.shape_cast %broadcast_in_dim3A_115 : vector<16xi32> to vector<16x1xi32>
      %gather3A_449 = vector.shape_cast %broadcast_in_dim3A_448 : vector<16x1xi32> to vector<16xi32>
      %gather3A_450 = tpu.dynamic_gather %mul3A_423[%gather3A_449] in [0] : vector<16xf32>, vector<16xi32> -> vector<16xf32>
      %mul3A_451 = arith.mulf %exp3A_48, %gather3A_450 : vector<16xf32>
      %broadcast_in_dim3A_452 = vector.shape_cast %broadcast_in_dim3A_117 : vector<16xi32> to vector<16x1xi32>
      %gather3A_453 = vector.shape_cast %broadcast_in_dim3A_452 : vector<16x1xi32> to vector<16xi32>
      %gather3A_454 = tpu.dynamic_gather %mul3A_423[%gather3A_453] in [0] : vector<16xf32>, vector<16xi32> -> vector<16xf32>
      %mul3A_455 = arith.mulf %exp3A_54, %gather3A_454 : vector<16xf32>
      %broadcast_in_dim3A_456 = vector.shape_cast %broadcast_in_dim3A_119 : vector<16xi32> to vector<16x1xi32>
      %gather3A_457 = vector.shape_cast %broadcast_in_dim3A_456 : vector<16x1xi32> to vector<16xi32>
      %gather3A_458 = tpu.dynamic_gather %mul3A_423[%gather3A_457] in [0] : vector<16xf32>, vector<16xi32> -> vector<16xf32>
      %mul3A_459 = arith.mulf %exp3A_60, %gather3A_458 : vector<16xf32>
      %broadcast_in_dim3A_460 = vector.shape_cast %broadcast_in_dim3A_121 : vector<16xi32> to vector<16x1xi32>
      %gather3A_461 = vector.shape_cast %broadcast_in_dim3A_460 : vector<16x1xi32> to vector<16xi32>
      %gather3A_462 = tpu.dynamic_gather %mul3A_423[%gather3A_461] in [0] : vector<16xf32>, vector<16xi32> -> vector<16xf32>
      %mul3A_463 = arith.mulf %exp3A_66, %gather3A_462 : vector<16xf32>
      %broadcast_in_dim3A_464 = vector.shape_cast %broadcast_in_dim3A_123 : vector<16xi32> to vector<16x1xi32>
      %gather3A_465 = vector.shape_cast %broadcast_in_dim3A_464 : vector<16x1xi32> to vector<16xi32>
      %gather3A_466 = tpu.dynamic_gather %mul3A_423[%gather3A_465] in [0] : vector<16xf32>, vector<16xi32> -> vector<16xf32>
      %mul3A_467 = arith.mulf %exp3A_72, %gather3A_466 : vector<16xf32>
      %broadcast_in_dim3A_468 = vector.shape_cast %broadcast_in_dim3A_125 : vector<16xi32> to vector<16x1xi32>
      %gather3A_469 = vector.shape_cast %broadcast_in_dim3A_468 : vector<16x1xi32> to vector<16xi32>
      %gather3A_470 = tpu.dynamic_gather %mul3A_423[%gather3A_469] in [0] : vector<16xf32>, vector<16xi32> -> vector<16xf32>
      %mul3A_471 = arith.mulf %exp3A_78, %gather3A_470 : vector<16xf32>
      %broadcast_in_dim3A_472 = vector.shape_cast %broadcast_in_dim3A_127 : vector<16xi32> to vector<16x1xi32>
      %gather3A_473 = vector.shape_cast %broadcast_in_dim3A_472 : vector<16x1xi32> to vector<16xi32>
      %gather3A_474 = tpu.dynamic_gather %mul3A_423[%gather3A_473] in [0] : vector<16xf32>, vector<16xi32> -> vector<16xf32>
      %mul3A_475 = arith.mulf %exp3A_84, %gather3A_474 : vector<16xf32>
      %broadcast_in_dim3A_476 = vector.shape_cast %broadcast_in_dim3A_129 : vector<16xi32> to vector<16x1xi32>
      %gather3A_477 = vector.shape_cast %broadcast_in_dim3A_476 : vector<16x1xi32> to vector<16xi32>
      %gather3A_478 = tpu.dynamic_gather %mul3A_423[%gather3A_477] in [0] : vector<16xf32>, vector<16xi32> -> vector<16xf32>
      %mul3A_479 = arith.mulf %exp3A_90, %gather3A_478 : vector<16xf32>
      %broadcast_in_dim3A_480 = vector.shape_cast %broadcast_in_dim3A_131 : vector<16xi32> to vector<16x1xi32>
      %gather3A_481 = vector.shape_cast %broadcast_in_dim3A_480 : vector<16x1xi32> to vector<16xi32>
      %gather3A_482 = tpu.dynamic_gather %mul3A_423[%gather3A_481] in [0] : vector<16xf32>, vector<16xi32> -> vector<16xf32>
      %mul3A_483 = arith.mulf %exp3A_96, %gather3A_482 : vector<16xf32>
      %broadcast_in_dim3A_484 = vector.shape_cast %broadcast_in_dim3A_133 : vector<16xi32> to vector<16x1xi32>
      %gather3A_485 = vector.shape_cast %broadcast_in_dim3A_484 : vector<16x1xi32> to vector<16xi32>
      %gather3A_486 = tpu.dynamic_gather %mul3A_423[%gather3A_485] in [0] : vector<16xf32>, vector<16xi32> -> vector<16xf32>
      %mul3A_487 = arith.mulf %exp3A_102, %gather3A_486 : vector<16xf32>
      %add3A_488 = arith.addf %mul3A_427, %mul3A_431 : vector<16xf32>
      %add3A_489 = arith.addf %mul3A_435, %mul3A_439 : vector<16xf32>
      %add3A_490 = arith.addf %mul3A_443, %mul3A_447 : vector<16xf32>
      %add3A_491 = arith.addf %mul3A_451, %mul3A_455 : vector<16xf32>
      %add3A_492 = arith.addf %mul3A_459, %mul3A_463 : vector<16xf32>
      %add3A_493 = arith.addf %mul3A_467, %mul3A_471 : vector<16xf32>
      %add3A_494 = arith.addf %mul3A_475, %mul3A_479 : vector<16xf32>
      %add3A_495 = arith.addf %mul3A_483, %mul3A_487 : vector<16xf32>
      %add3A_496 = arith.addf %add3A_488, %add3A_489 : vector<16xf32>
      %add3A_497 = arith.addf %add3A_490, %add3A_491 : vector<16xf32>
      %add3A_498 = arith.addf %add3A_492, %add3A_493 : vector<16xf32>
      %add3A_499 = arith.addf %add3A_494, %add3A_495 : vector<16xf32>
      %add3A_500 = arith.addf %add3A_496, %add3A_497 : vector<16xf32>
      %add3A_501 = arith.addf %add3A_498, %add3A_499 : vector<16xf32>
      %add3A_502 = arith.addf %add3A_500, %add3A_501 : vector<16xf32>
      %get3A_503 = arith.constant 0 : i32
      %get3A_504 = arith.index_cast %get3A_503 : i32 to index
      %get3A_505 = arith.constant 48 : index
      %get3A_506 = tpu.vector_load %arg6[%get3A_504, %get3A_505] {strides = array<i32>} : memref<256x128xf32, #tpu.memory_space<vmem>>, vector<1x16xf32>,
      %get3A_507 = vector.shape_cast %get3A_506 : vector<1x16xf32> to vector<16xf32>
      %mul3A_508 = arith.mulf %add3A_502, %get3A_507 : vector<16xf32>
      %broadcast_in_dim3A_509 = vector.shape_cast %broadcast_in_dim3A_103 : vector<16xi32> to vector<16x1xi32>
      %gather3A_510 = vector.shape_cast %broadcast_in_dim3A_509 : vector<16x1xi32> to vector<16xi32>
      %gather3A_511 = tpu.dynamic_gather %mul3A_508[%gather3A_510] in [0] : vector<16xf32>, vector<16xi32> -> vector<16xf32>
      %mul3A_512 = arith.mulf %exp3A_12, %gather3A_511 : vector<16xf32>
      %broadcast_in_dim3A_513 = vector.shape_cast %broadcast_in_dim3A_105 : vector<16xi32> to vector<16x1xi32>
      %gather3A_514 = vector.shape_cast %broadcast_in_dim3A_513 : vector<16x1xi32> to vector<16xi32>
      %gather3A_515 = tpu.dynamic_gather %mul3A_508[%gather3A_514] in [0] : vector<16xf32>, vector<16xi32> -> vector<16xf32>
      %mul3A_516 = arith.mulf %exp3A_18, %gather3A_515 : vector<16xf32>
      %broadcast_in_dim3A_517 = vector.shape_cast %broadcast_in_dim3A_107 : vector<16xi32> to vector<16x1xi32>
      %gather3A_518 = vector.shape_cast %broadcast_in_dim3A_517 : vector<16x1xi32> to vector<16xi32>
      %gather3A_519 = tpu.dynamic_gather %mul3A_508[%gather3A_518] in [0] : vector<16xf32>, vector<16xi32> -> vector<16xf32>
      %mul3A_520 = arith.mulf %exp3A_24, %gather3A_519 : vector<16xf32>
      %broadcast_in_dim3A_521 = vector.shape_cast %broadcast_in_dim3A_109 : vector<16xi32> to vector<16x1xi32>
      %gather3A_522 = vector.shape_cast %broadcast_in_dim3A_521 : vector<16x1xi32> to vector<16xi32>
      %gather3A_523 = tpu.dynamic_gather %mul3A_508[%gather3A_522] in [0] : vector<16xf32>, vector<16xi32> -> vector<16xf32>
      %mul3A_524 = arith.mulf %exp3A_30, %gather3A_523 : vector<16xf32>
      %broadcast_in_dim3A_525 = vector.shape_cast %broadcast_in_dim3A_111 : vector<16xi32> to vector<16x1xi32>
      %gather3A_526 = vector.shape_cast %broadcast_in_dim3A_525 : vector<16x1xi32> to vector<16xi32>
      %gather3A_527 = tpu.dynamic_gather %mul3A_508[%gather3A_526] in [0] : vector<16xf32>, vector<16xi32> -> vector<16xf32>
      %mul3A_528 = arith.mulf %exp3A_36, %gather3A_527 : vector<16xf32>
      %broadcast_in_dim3A_529 = vector.shape_cast %broadcast_in_dim3A_113 : vector<16xi32> to vector<16x1xi32>
      %gather3A_530 = vector.shape_cast %broadcast_in_dim3A_529 : vector<16x1xi32> to vector<16xi32>
      %gather3A_531 = tpu.dynamic_gather %mul3A_508[%gather3A_530] in [0] : vector<16xf32>, vector<16xi32> -> vector<16xf32>
      %mul3A_532 = arith.mulf %exp3A_42, %gather3A_531 : vector<16xf32>
      %broadcast_in_dim3A_533 = vector.shape_cast %broadcast_in_dim3A_115 : vector<16xi32> to vector<16x1xi32>
      %gather3A_534 = vector.shape_cast %broadcast_in_dim3A_533 : vector<16x1xi32> to vector<16xi32>
      %gather3A_535 = tpu.dynamic_gather %mul3A_508[%gather3A_534] in [0] : vector<16xf32>, vector<16xi32> -> vector<16xf32>
      %mul3A_536 = arith.mulf %exp3A_48, %gather3A_535 : vector<16xf32>
      %broadcast_in_dim3A_537 = vector.shape_cast %broadcast_in_dim3A_117 : vector<16xi32> to vector<16x1xi32>
      %gather3A_538 = vector.shape_cast %broadcast_in_dim3A_537 : vector<16x1xi32> to vector<16xi32>
      %gather3A_539 = tpu.dynamic_gather %mul3A_508[%gather3A_538] in [0] : vector<16xf32>, vector<16xi32> -> vector<16xf32>
      %mul3A_540 = arith.mulf %exp3A_54, %gather3A_539 : vector<16xf32>
      %broadcast_in_dim3A_541 = vector.shape_cast %broadcast_in_dim3A_119 : vector<16xi32> to vector<16x1xi32>
      %gather3A_542 = vector.shape_cast %broadcast_in_dim3A_541 : vector<16x1xi32> to vector<16xi32>
      %gather3A_543 = tpu.dynamic_gather %mul3A_508[%gather3A_542] in [0] : vector<16xf32>, vector<16xi32> -> vector<16xf32>
      %mul3A_544 = arith.mulf %exp3A_60, %gather3A_543 : vector<16xf32>
      %broadcast_in_dim3A_545 = vector.shape_cast %broadcast_in_dim3A_121 : vector<16xi32> to vector<16x1xi32>
      %gather3A_546 = vector.shape_cast %broadcast_in_dim3A_545 : vector<16x1xi32> to vector<16xi32>
      %gather3A_547 = tpu.dynamic_gather %mul3A_508[%gather3A_546] in [0] : vector<16xf32>, vector<16xi32> -> vector<16xf32>
      %mul3A_548 = arith.mulf %exp3A_66, %gather3A_547 : vector<16xf32>
      %broadcast_in_dim3A_549 = vector.shape_cast %broadcast_in_dim3A_123 : vector<16xi32> to vector<16x1xi32>
      %gather3A_550 = vector.shape_cast %broadcast_in_dim3A_549 : vector<16x1xi32> to vector<16xi32>
      %gather3A_551 = tpu.dynamic_gather %mul3A_508[%gather3A_550] in [0] : vector<16xf32>, vector<16xi32> -> vector<16xf32>
      %mul3A_552 = arith.mulf %exp3A_72, %gather3A_551 : vector<16xf32>
      %broadcast_in_dim3A_553 = vector.shape_cast %broadcast_in_dim3A_125 : vector<16xi32> to vector<16x1xi32>
      %gather3A_554 = vector.shape_cast %broadcast_in_dim3A_553 : vector<16x1xi32> to vector<16xi32>
      %gather3A_555 = tpu.dynamic_gather %mul3A_508[%gather3A_554] in [0] : vector<16xf32>, vector<16xi32> -> vector<16xf32>
      %mul3A_556 = arith.mulf %exp3A_78, %gather3A_555 : vector<16xf32>
      %broadcast_in_dim3A_557 = vector.shape_cast %broadcast_in_dim3A_127 : vector<16xi32> to vector<16x1xi32>
      %gather3A_558 = vector.shape_cast %broadcast_in_dim3A_557 : vector<16x1xi32> to vector<16xi32>
      %gather3A_559 = tpu.dynamic_gather %mul3A_508[%gather3A_558] in [0] : vector<16xf32>, vector<16xi32> -> vector<16xf32>
      %mul3A_560 = arith.mulf %exp3A_84, %gather3A_559 : vector<16xf32>
      %broadcast_in_dim3A_561 = vector.shape_cast %broadcast_in_dim3A_129 : vector<16xi32> to vector<16x1xi32>
      %gather3A_562 = vector.shape_cast %broadcast_in_dim3A_561 : vector<16x1xi32> to vector<16xi32>
      %gather3A_563 = tpu.dynamic_gather %mul3A_508[%gather3A_562] in [0] : vector<16xf32>, vector<16xi32> -> vector<16xf32>
      %mul3A_564 = arith.mulf %exp3A_90, %gather3A_563 : vector<16xf32>
      %broadcast_in_dim3A_565 = vector.shape_cast %broadcast_in_dim3A_131 : vector<16xi32> to vector<16x1xi32>
      %gather3A_566 = vector.shape_cast %broadcast_in_dim3A_565 : vector<16x1xi32> to vector<16xi32>
      %gather3A_567 = tpu.dynamic_gather %mul3A_508[%gather3A_566] in [0] : vector<16xf32>, vector<16xi32> -> vector<16xf32>
      %mul3A_568 = arith.mulf %exp3A_96, %gather3A_567 : vector<16xf32>
      %broadcast_in_dim3A_569 = vector.shape_cast %broadcast_in_dim3A_133 : vector<16xi32> to vector<16x1xi32>
      %gather3A_570 = vector.shape_cast %broadcast_in_dim3A_569 : vector<16x1xi32> to vector<16xi32>
      %gather3A_571 = tpu.dynamic_gather %mul3A_508[%gather3A_570] in [0] : vector<16xf32>, vector<16xi32> -> vector<16xf32>
      %mul3A_572 = arith.mulf %exp3A_102, %gather3A_571 : vector<16xf32>
      %add3A_573 = arith.addf %mul3A_512, %mul3A_516 : vector<16xf32>
      %add3A_574 = arith.addf %mul3A_520, %mul3A_524 : vector<16xf32>
      %add3A_575 = arith.addf %mul3A_528, %mul3A_532 : vector<16xf32>
      %add3A_576 = arith.addf %mul3A_536, %mul3A_540 : vector<16xf32>
      %add3A_577 = arith.addf %mul3A_544, %mul3A_548 : vector<16xf32>
      %add3A_578 = arith.addf %mul3A_552, %mul3A_556 : vector<16xf32>
      %add3A_579 = arith.addf %mul3A_560, %mul3A_564 : vector<16xf32>
      %add3A_580 = arith.addf %mul3A_568, %mul3A_572 : vector<16xf32>
      %add3A_581 = arith.addf %add3A_573, %add3A_574 : vector<16xf32>
      %add3A_582 = arith.addf %add3A_575, %add3A_576 : vector<16xf32>
      %add3A_583 = arith.addf %add3A_577, %add3A_578 : vector<16xf32>
      %add3A_584 = arith.addf %add3A_579, %add3A_580 : vector<16xf32>
      %add3A_585 = arith.addf %add3A_581, %add3A_582 : vector<16xf32>
      %add3A_586 = arith.addf %add3A_583, %add3A_584 : vector<16xf32>
      %add3A_587 = arith.addf %add3A_585, %add3A_586 : vector<16xf32>
      %get3A_588 = arith.constant 0 : i32
      %get3A_589 = arith.index_cast %get3A_588 : i32 to index
      %get3A_590 = arith.constant 64 : index
      %get3A_591 = tpu.vector_load %arg6[%get3A_589, %get3A_590] {strides = array<i32>} : memref<256x128xf32, #tpu.memory_space<vmem>>, vector<1x16xf32>,
      %get3A_592 = vector.shape_cast %get3A_591 : vector<1x16xf32> to vector<16xf32>
      %mul3A_593 = arith.mulf %add3A_587, %get3A_592 : vector<16xf32>
      %broadcast_in_dim3A_594 = vector.shape_cast %xor3A_135 : vector<16xi32> to vector<16x1xi32>
      %gather3A_595 = vector.shape_cast %broadcast_in_dim3A_594 : vector<16x1xi32> to vector<16xi32>
      %gather3A_596 = tpu.dynamic_gather %mul3A_593[%gather3A_595] in [0] : vector<16xf32>, vector<16xi32> -> vector<16xf32>
      %add3A_597 = arith.addf %mul3A_593, %gather3A_596 : vector<16xf32>
      %broadcast_in_dim3A_598 = vector.shape_cast %xor3A_138 : vector<16xi32> to vector<16x1xi32>
      %gather3A_599 = vector.shape_cast %broadcast_in_dim3A_598 : vector<16x1xi32> to vector<16xi32>
      %gather3A_600 = tpu.dynamic_gather %add3A_597[%gather3A_599] in [0] : vector<16xf32>, vector<16xi32> -> vector<16xf32>
      %add3A_601 = arith.addf %add3A_597, %gather3A_600 : vector<16xf32>
      %broadcast_in_dim3A_602 = vector.shape_cast %xor3A_141 : vector<16xi32> to vector<16x1xi32>
      %gather3A_603 = vector.shape_cast %broadcast_in_dim3A_602 : vector<16x1xi32> to vector<16xi32>
      %gather3A_604 = tpu.dynamic_gather %add3A_601[%gather3A_603] in [0] : vector<16xf32>, vector<16xi32> -> vector<16xf32>
      %add3A_605 = arith.addf %add3A_601, %gather3A_604 : vector<16xf32>
      %broadcast_in_dim3A_606 = vector.shape_cast %xor3A_144 : vector<16xi32> to vector<16x1xi32>
      %gather3A_607 = vector.shape_cast %broadcast_in_dim3A_606 : vector<16x1xi32> to vector<16xi32>
      %gather3A_608 = tpu.dynamic_gather %add3A_605[%gather3A_607] in [0] : vector<16xf32>, vector<16xi32> -> vector<16xf32>
      %add3A_609 = arith.addf %add3A_605, %gather3A_608 : vector<16xf32>
      %broadcast_in_dim3A_610 = arith.constant 1.000000e+00 : f32
      %broadcast_in_dim3A_611 = vector.broadcast %broadcast_in_dim3A_610 : f32 to vector<16xf32>
      %broadcast_in_dim3A_612 = arith.constant 0.000000e+00 : f32
      %broadcast_in_dim3A_613 = vector.broadcast %broadcast_in_dim3A_612 : f32 to vector<16xf32>
      %mul3A_614 = arith.mulf %add3A_609, %broadcast_in_dim3A_611 : vector<16xf32>
      %lt3A_615 = arith.constant 5.42101086E-20 : f32
      %lt3A_616 = vector.broadcast %lt3A_615 : f32 to vector<16xf32>
      %lt3A_617 = arith.cmpf olt, %mul3A_614, %lt3A_616 : vector<16xf32>
      %mul3A_618 = arith.constant 1.84467441E+19 : f32
      %mul3A_619 = vector.broadcast %mul3A_618 : f32 to vector<16xf32>
      %mul3A_620 = arith.mulf %broadcast_in_dim3A_611, %mul3A_619 : vector<16xf32>
      %select_n3A_621 = arith.select %lt3A_617, %mul3A_620, %broadcast_in_dim3A_611 : vector<16xi1>, vector<16xf32>
      %add3A_622 = arith.constant 6.400000e+01 : f32
      %add3A_623 = vector.broadcast %add3A_622 : f32 to vector<16xf32>
      %add3A_624 = arith.addf %broadcast_in_dim3A_613, %add3A_623 : vector<16xf32>
      %select_n3A_625 = arith.select %lt3A_617, %add3A_624, %broadcast_in_dim3A_613 : vector<16xi1>, vector<16xf32>
      %mul3A_626 = arith.mulf %add3A_609, %select_n3A_621 : vector<16xf32>
      %lt3A_627 = arith.constant 2.32830644E-10 : f32
      %lt3A_628 = vector.broadcast %lt3A_627 : f32 to vector<16xf32>
      %lt3A_629 = arith.cmpf olt, %mul3A_626, %lt3A_628 : vector<16xf32>
      %mul3A_630 = arith.constant 4.2949673E+9 : f32
      %mul3A_631 = vector.broadcast %mul3A_630 : f32 to vector<16xf32>
      %mul3A_632 = arith.mulf %select_n3A_621, %mul3A_631 : vector<16xf32>
      %select_n3A_633 = arith.select %lt3A_629, %mul3A_632, %select_n3A_621 : vector<16xi1>, vector<16xf32>
      %add3A_634 = arith.constant 3.200000e+01 : f32
      %add3A_635 = vector.broadcast %add3A_634 : f32 to vector<16xf32>
      %add3A_636 = arith.addf %select_n3A_625, %add3A_635 : vector<16xf32>
      %select_n3A_637 = arith.select %lt3A_629, %add3A_636, %select_n3A_625 : vector<16xi1>, vector<16xf32>
      %mul3A_638 = arith.mulf %add3A_609, %select_n3A_633 : vector<16xf32>
      %lt3A_639 = arith.constant 1.52587891E-5 : f32
      %lt3A_640 = vector.broadcast %lt3A_639 : f32 to vector<16xf32>
      %lt3A_641 = arith.cmpf olt, %mul3A_638, %lt3A_640 : vector<16xf32>
      %mul3A_642 = arith.constant 6.553600e+04 : f32
      %mul3A_643 = vector.broadcast %mul3A_642 : f32 to vector<16xf32>
      %mul3A_644 = arith.mulf %select_n3A_633, %mul3A_643 : vector<16xf32>
      %select_n3A_645 = arith.select %lt3A_641, %mul3A_644, %select_n3A_633 : vector<16xi1>, vector<16xf32>
      %add3A_646 = arith.constant 1.600000e+01 : f32
      %add3A_647 = vector.broadcast %add3A_646 : f32 to vector<16xf32>
      %add3A_648 = arith.addf %select_n3A_637, %add3A_647 : vector<16xf32>
      %select_n3A_649 = arith.select %lt3A_641, %add3A_648, %select_n3A_637 : vector<16xi1>, vector<16xf32>
      %mul3A_650 = arith.mulf %add3A_609, %select_n3A_645 : vector<16xf32>
      %lt3A_651 = arith.constant 3.906250e-03 : f32
      %lt3A_652 = vector.broadcast %lt3A_651 : f32 to vector<16xf32>
      %lt3A_653 = arith.cmpf olt, %mul3A_650, %lt3A_652 : vector<16xf32>
      %mul3A_654 = arith.constant 2.560000e+02 : f32
      %mul3A_655 = vector.broadcast %mul3A_654 : f32 to vector<16xf32>
      %mul3A_656 = arith.mulf %select_n3A_645, %mul3A_655 : vector<16xf32>
      %select_n3A_657 = arith.select %lt3A_653, %mul3A_656, %select_n3A_645 : vector<16xi1>, vector<16xf32>
      %add3A_658 = arith.constant 8.000000e+00 : f32
      %add3A_659 = vector.broadcast %add3A_658 : f32 to vector<16xf32>
      %add3A_660 = arith.addf %select_n3A_649, %add3A_659 : vector<16xf32>
      %select_n3A_661 = arith.select %lt3A_653, %add3A_660, %select_n3A_649 : vector<16xi1>, vector<16xf32>
      %mul3A_662 = arith.mulf %add3A_609, %select_n3A_657 : vector<16xf32>
      %lt3A_663 = arith.constant 6.250000e-02 : f32
      %lt3A_664 = vector.broadcast %lt3A_663 : f32 to vector<16xf32>
      %lt3A_665 = arith.cmpf olt, %mul3A_662, %lt3A_664 : vector<16xf32>
      %mul3A_666 = arith.constant 1.600000e+01 : f32
      %mul3A_667 = vector.broadcast %mul3A_666 : f32 to vector<16xf32>
      %mul3A_668 = arith.mulf %select_n3A_657, %mul3A_667 : vector<16xf32>
      %select_n3A_669 = arith.select %lt3A_665, %mul3A_668, %select_n3A_657 : vector<16xi1>, vector<16xf32>
      %add3A_670 = arith.constant 4.000000e+00 : f32
      %add3A_671 = vector.broadcast %add3A_670 : f32 to vector<16xf32>
      %add3A_672 = arith.addf %select_n3A_661, %add3A_671 : vector<16xf32>
      %select_n3A_673 = arith.select %lt3A_665, %add3A_672, %select_n3A_661 : vector<16xi1>, vector<16xf32>
      %mul3A_674 = arith.mulf %add3A_609, %select_n3A_669 : vector<16xf32>
      %lt3A_675 = arith.constant 2.500000e-01 : f32
      %lt3A_676 = vector.broadcast %lt3A_675 : f32 to vector<16xf32>
      %lt3A_677 = arith.cmpf olt, %mul3A_674, %lt3A_676 : vector<16xf32>
      %mul3A_678 = arith.constant 4.000000e+00 : f32
      %mul3A_679 = vector.broadcast %mul3A_678 : f32 to vector<16xf32>
      %mul3A_680 = arith.mulf %select_n3A_669, %mul3A_679 : vector<16xf32>
      %select_n3A_681 = arith.select %lt3A_677, %mul3A_680, %select_n3A_669 : vector<16xi1>, vector<16xf32>
      %add3A_682 = arith.constant 2.000000e+00 : f32
      %add3A_683 = vector.broadcast %add3A_682 : f32 to vector<16xf32>
      %add3A_684 = arith.addf %select_n3A_673, %add3A_683 : vector<16xf32>
      %select_n3A_685 = arith.select %lt3A_677, %add3A_684, %select_n3A_673 : vector<16xi1>, vector<16xf32>
      %mul3A_686 = arith.mulf %add3A_609, %select_n3A_681 : vector<16xf32>
      %lt3A_687 = arith.constant 5.000000e-01 : f32
      %lt3A_688 = vector.broadcast %lt3A_687 : f32 to vector<16xf32>
      %lt3A_689 = arith.cmpf olt, %mul3A_686, %lt3A_688 : vector<16xf32>
      %mul3A_690 = arith.constant 2.000000e+00 : f32
      %mul3A_691 = vector.broadcast %mul3A_690 : f32 to vector<16xf32>
      %mul3A_692 = arith.mulf %select_n3A_681, %mul3A_691 : vector<16xf32>
      %select_n3A_693 = arith.select %lt3A_689, %mul3A_692, %select_n3A_681 : vector<16xi1>, vector<16xf32>
      %add3A_694 = arith.constant 1.000000e+00 : f32
      %add3A_695 = vector.broadcast %add3A_694 : f32 to vector<16xf32>
      %add3A_696 = arith.addf %select_n3A_685, %add3A_695 : vector<16xf32>
      %select_n3A_697 = arith.select %lt3A_689, %add3A_696, %select_n3A_685 : vector<16xi1>, vector<16xf32>
      %mul3A_698 = arith.mulf %mul3A_593, %select_n3A_693 : vector<16xf32>
      %sub3A_699 = arith.subf %sub3A, %select_n3A_697 : vector<16xf32>
      %broadcast_in_dim3A_700 = vector.shape_cast %broadcast_in_dim3A_103 : vector<16xi32> to vector<16x1xi32>
      %gather3A_701 = vector.shape_cast %broadcast_in_dim3A_700 : vector<16x1xi32> to vector<16xi32>
      %gather3A_702 = tpu.dynamic_gather %mul3A_698[%gather3A_701] in [0] : vector<16xf32>, vector<16xi32> -> vector<16xf32>
      %mul3A_703 = arith.mulf %exp3A_12, %gather3A_702 : vector<16xf32>
      %broadcast_in_dim3A_704 = vector.shape_cast %broadcast_in_dim3A_105 : vector<16xi32> to vector<16x1xi32>
      %gather3A_705 = vector.shape_cast %broadcast_in_dim3A_704 : vector<16x1xi32> to vector<16xi32>
      %gather3A_706 = tpu.dynamic_gather %mul3A_698[%gather3A_705] in [0] : vector<16xf32>, vector<16xi32> -> vector<16xf32>
      %mul3A_707 = arith.mulf %exp3A_18, %gather3A_706 : vector<16xf32>
      %broadcast_in_dim3A_708 = vector.shape_cast %broadcast_in_dim3A_107 : vector<16xi32> to vector<16x1xi32>
      %gather3A_709 = vector.shape_cast %broadcast_in_dim3A_708 : vector<16x1xi32> to vector<16xi32>
      %gather3A_710 = tpu.dynamic_gather %mul3A_698[%gather3A_709] in [0] : vector<16xf32>, vector<16xi32> -> vector<16xf32>
      %mul3A_711 = arith.mulf %exp3A_24, %gather3A_710 : vector<16xf32>
      %broadcast_in_dim3A_712 = vector.shape_cast %broadcast_in_dim3A_109 : vector<16xi32> to vector<16x1xi32>
      %gather3A_713 = vector.shape_cast %broadcast_in_dim3A_712 : vector<16x1xi32> to vector<16xi32>
      %gather3A_714 = tpu.dynamic_gather %mul3A_698[%gather3A_713] in [0] : vector<16xf32>, vector<16xi32> -> vector<16xf32>
      %mul3A_715 = arith.mulf %exp3A_30, %gather3A_714 : vector<16xf32>
      %broadcast_in_dim3A_716 = vector.shape_cast %broadcast_in_dim3A_111 : vector<16xi32> to vector<16x1xi32>
      %gather3A_717 = vector.shape_cast %broadcast_in_dim3A_716 : vector<16x1xi32> to vector<16xi32>
      %gather3A_718 = tpu.dynamic_gather %mul3A_698[%gather3A_717] in [0] : vector<16xf32>, vector<16xi32> -> vector<16xf32>
      %mul3A_719 = arith.mulf %exp3A_36, %gather3A_718 : vector<16xf32>
      %broadcast_in_dim3A_720 = vector.shape_cast %broadcast_in_dim3A_113 : vector<16xi32> to vector<16x1xi32>
      %gather3A_721 = vector.shape_cast %broadcast_in_dim3A_720 : vector<16x1xi32> to vector<16xi32>
      %gather3A_722 = tpu.dynamic_gather %mul3A_698[%gather3A_721] in [0] : vector<16xf32>, vector<16xi32> -> vector<16xf32>
      %mul3A_723 = arith.mulf %exp3A_42, %gather3A_722 : vector<16xf32>
      %broadcast_in_dim3A_724 = vector.shape_cast %broadcast_in_dim3A_115 : vector<16xi32> to vector<16x1xi32>
      %gather3A_725 = vector.shape_cast %broadcast_in_dim3A_724 : vector<16x1xi32> to vector<16xi32>
      %gather3A_726 = tpu.dynamic_gather %mul3A_698[%gather3A_725] in [0] : vector<16xf32>, vector<16xi32> -> vector<16xf32>
      %mul3A_727 = arith.mulf %exp3A_48, %gather3A_726 : vector<16xf32>
      %broadcast_in_dim3A_728 = vector.shape_cast %broadcast_in_dim3A_117 : vector<16xi32> to vector<16x1xi32>
      %gather3A_729 = vector.shape_cast %broadcast_in_dim3A_728 : vector<16x1xi32> to vector<16xi32>
      %gather3A_730 = tpu.dynamic_gather %mul3A_698[%gather3A_729] in [0] : vector<16xf32>, vector<16xi32> -> vector<16xf32>
      %mul3A_731 = arith.mulf %exp3A_54, %gather3A_730 : vector<16xf32>
      %broadcast_in_dim3A_732 = vector.shape_cast %broadcast_in_dim3A_119 : vector<16xi32> to vector<16x1xi32>
      %gather3A_733 = vector.shape_cast %broadcast_in_dim3A_732 : vector<16x1xi32> to vector<16xi32>
      %gather3A_734 = tpu.dynamic_gather %mul3A_698[%gather3A_733] in [0] : vector<16xf32>, vector<16xi32> -> vector<16xf32>
      %mul3A_735 = arith.mulf %exp3A_60, %gather3A_734 : vector<16xf32>
      %broadcast_in_dim3A_736 = vector.shape_cast %broadcast_in_dim3A_121 : vector<16xi32> to vector<16x1xi32>
      %gather3A_737 = vector.shape_cast %broadcast_in_dim3A_736 : vector<16x1xi32> to vector<16xi32>
      %gather3A_738 = tpu.dynamic_gather %mul3A_698[%gather3A_737] in [0] : vector<16xf32>, vector<16xi32> -> vector<16xf32>
      %mul3A_739 = arith.mulf %exp3A_66, %gather3A_738 : vector<16xf32>
      %broadcast_in_dim3A_740 = vector.shape_cast %broadcast_in_dim3A_123 : vector<16xi32> to vector<16x1xi32>
      %gather3A_741 = vector.shape_cast %broadcast_in_dim3A_740 : vector<16x1xi32> to vector<16xi32>
      %gather3A_742 = tpu.dynamic_gather %mul3A_698[%gather3A_741] in [0] : vector<16xf32>, vector<16xi32> -> vector<16xf32>
      %mul3A_743 = arith.mulf %exp3A_72, %gather3A_742 : vector<16xf32>
      %broadcast_in_dim3A_744 = vector.shape_cast %broadcast_in_dim3A_125 : vector<16xi32> to vector<16x1xi32>
      %gather3A_745 = vector.shape_cast %broadcast_in_dim3A_744 : vector<16x1xi32> to vector<16xi32>
      %gather3A_746 = tpu.dynamic_gather %mul3A_698[%gather3A_745] in [0] : vector<16xf32>, vector<16xi32> -> vector<16xf32>
      %mul3A_747 = arith.mulf %exp3A_78, %gather3A_746 : vector<16xf32>
      %broadcast_in_dim3A_748 = vector.shape_cast %broadcast_in_dim3A_127 : vector<16xi32> to vector<16x1xi32>
      %gather3A_749 = vector.shape_cast %broadcast_in_dim3A_748 : vector<16x1xi32> to vector<16xi32>
      %gather3A_750 = tpu.dynamic_gather %mul3A_698[%gather3A_749] in [0] : vector<16xf32>, vector<16xi32> -> vector<16xf32>
      %mul3A_751 = arith.mulf %exp3A_84, %gather3A_750 : vector<16xf32>
      %broadcast_in_dim3A_752 = vector.shape_cast %broadcast_in_dim3A_129 : vector<16xi32> to vector<16x1xi32>
      %gather3A_753 = vector.shape_cast %broadcast_in_dim3A_752 : vector<16x1xi32> to vector<16xi32>
      %gather3A_754 = tpu.dynamic_gather %mul3A_698[%gather3A_753] in [0] : vector<16xf32>, vector<16xi32> -> vector<16xf32>
      %mul3A_755 = arith.mulf %exp3A_90, %gather3A_754 : vector<16xf32>
      %broadcast_in_dim3A_756 = vector.shape_cast %broadcast_in_dim3A_131 : vector<16xi32> to vector<16x1xi32>
      %gather3A_757 = vector.shape_cast %broadcast_in_dim3A_756 : vector<16x1xi32> to vector<16xi32>
      %gather3A_758 = tpu.dynamic_gather %mul3A_698[%gather3A_757] in [0] : vector<16xf32>, vector<16xi32> -> vector<16xf32>
      %mul3A_759 = arith.mulf %exp3A_96, %gather3A_758 : vector<16xf32>
      %broadcast_in_dim3A_760 = vector.shape_cast %broadcast_in_dim3A_133 : vector<16xi32> to vector<16x1xi32>
      %gather3A_761 = vector.shape_cast %broadcast_in_dim3A_760 : vector<16x1xi32> to vector<16xi32>
      %gather3A_762 = tpu.dynamic_gather %mul3A_698[%gather3A_761] in [0] : vector<16xf32>, vector<16xi32> -> vector<16xf32>
      %mul3A_763 = arith.mulf %exp3A_102, %gather3A_762 : vector<16xf32>
      %add3A_764 = arith.addf %mul3A_703, %mul3A_707 : vector<16xf32>
      %add3A_765 = arith.addf %mul3A_711, %mul3A_715 : vector<16xf32>
      %add3A_766 = arith.addf %mul3A_719, %mul3A_723 : vector<16xf32>
      %add3A_767 = arith.addf %mul3A_727, %mul3A_731 : vector<16xf32>
      %add3A_768 = arith.addf %mul3A_735, %mul3A_739 : vector<16xf32>
      %add3A_769 = arith.addf %mul3A_743, %mul3A_747 : vector<16xf32>
      %add3A_770 = arith.addf %mul3A_751, %mul3A_755 : vector<16xf32>
      %add3A_771 = arith.addf %mul3A_759, %mul3A_763 : vector<16xf32>
      %add3A_772 = arith.addf %add3A_764, %add3A_765 : vector<16xf32>
      %add3A_773 = arith.addf %add3A_766, %add3A_767 : vector<16xf32>
      %add3A_774 = arith.addf %add3A_768, %add3A_769 : vector<16xf32>
      %add3A_775 = arith.addf %add3A_770, %add3A_771 : vector<16xf32>
      %add3A_776 = arith.addf %add3A_772, %add3A_773 : vector<16xf32>
      %add3A_777 = arith.addf %add3A_774, %add3A_775 : vector<16xf32>
      %add3A_778 = arith.addf %add3A_776, %add3A_777 : vector<16xf32>
      %get3A_779 = arith.constant 0 : i32
      %get3A_780 = arith.index_cast %get3A_779 : i32 to index
      %get3A_781 = arith.constant 80 : index
      %get3A_782 = tpu.vector_load %arg6[%get3A_780, %get3A_781] {strides = array<i32>} : memref<256x128xf32, #tpu.memory_space<vmem>>, vector<1x16xf32>,
      %get3A_783 = vector.shape_cast %get3A_782 : vector<1x16xf32> to vector<16xf32>
      %mul3A_784 = arith.mulf %add3A_778, %get3A_783 : vector<16xf32>
      %broadcast_in_dim3A_785 = vector.shape_cast %broadcast_in_dim3A_103 : vector<16xi32> to vector<16x1xi32>
      %gather3A_786 = vector.shape_cast %broadcast_in_dim3A_785 : vector<16x1xi32> to vector<16xi32>
      %gather3A_787 = tpu.dynamic_gather %mul3A_784[%gather3A_786] in [0] : vector<16xf32>, vector<16xi32> -> vector<16xf32>
      %mul3A_788 = arith.mulf %exp3A_12, %gather3A_787 : vector<16xf32>
      %broadcast_in_dim3A_789 = vector.shape_cast %broadcast_in_dim3A_105 : vector<16xi32> to vector<16x1xi32>
      %gather3A_790 = vector.shape_cast %broadcast_in_dim3A_789 : vector<16x1xi32> to vector<16xi32>
      %gather3A_791 = tpu.dynamic_gather %mul3A_784[%gather3A_790] in [0] : vector<16xf32>, vector<16xi32> -> vector<16xf32>
      %mul3A_792 = arith.mulf %exp3A_18, %gather3A_791 : vector<16xf32>
      %broadcast_in_dim3A_793 = vector.shape_cast %broadcast_in_dim3A_107 : vector<16xi32> to vector<16x1xi32>
      %gather3A_794 = vector.shape_cast %broadcast_in_dim3A_793 : vector<16x1xi32> to vector<16xi32>
      %gather3A_795 = tpu.dynamic_gather %mul3A_784[%gather3A_794] in [0] : vector<16xf32>, vector<16xi32> -> vector<16xf32>
      %mul3A_796 = arith.mulf %exp3A_24, %gather3A_795 : vector<16xf32>
      %broadcast_in_dim3A_797 = vector.shape_cast %broadcast_in_dim3A_109 : vector<16xi32> to vector<16x1xi32>
      %gather3A_798 = vector.shape_cast %broadcast_in_dim3A_797 : vector<16x1xi32> to vector<16xi32>
      %gather3A_799 = tpu.dynamic_gather %mul3A_784[%gather3A_798] in [0] : vector<16xf32>, vector<16xi32> -> vector<16xf32>
      %mul3A_800 = arith.mulf %exp3A_30, %gather3A_799 : vector<16xf32>
      %broadcast_in_dim3A_801 = vector.shape_cast %broadcast_in_dim3A_111 : vector<16xi32> to vector<16x1xi32>
      %gather3A_802 = vector.shape_cast %broadcast_in_dim3A_801 : vector<16x1xi32> to vector<16xi32>
      %gather3A_803 = tpu.dynamic_gather %mul3A_784[%gather3A_802] in [0] : vector<16xf32>, vector<16xi32> -> vector<16xf32>
      %mul3A_804 = arith.mulf %exp3A_36, %gather3A_803 : vector<16xf32>
      %broadcast_in_dim3A_805 = vector.shape_cast %broadcast_in_dim3A_113 : vector<16xi32> to vector<16x1xi32>
      %gather3A_806 = vector.shape_cast %broadcast_in_dim3A_805 : vector<16x1xi32> to vector<16xi32>
      %gather3A_807 = tpu.dynamic_gather %mul3A_784[%gather3A_806] in [0] : vector<16xf32>, vector<16xi32> -> vector<16xf32>
      %mul3A_808 = arith.mulf %exp3A_42, %gather3A_807 : vector<16xf32>
      %broadcast_in_dim3A_809 = vector.shape_cast %broadcast_in_dim3A_115 : vector<16xi32> to vector<16x1xi32>
      %gather3A_810 = vector.shape_cast %broadcast_in_dim3A_809 : vector<16x1xi32> to vector<16xi32>
      %gather3A_811 = tpu.dynamic_gather %mul3A_784[%gather3A_810] in [0] : vector<16xf32>, vector<16xi32> -> vector<16xf32>
      %mul3A_812 = arith.mulf %exp3A_48, %gather3A_811 : vector<16xf32>
      %broadcast_in_dim3A_813 = vector.shape_cast %broadcast_in_dim3A_117 : vector<16xi32> to vector<16x1xi32>
      %gather3A_814 = vector.shape_cast %broadcast_in_dim3A_813 : vector<16x1xi32> to vector<16xi32>
      %gather3A_815 = tpu.dynamic_gather %mul3A_784[%gather3A_814] in [0] : vector<16xf32>, vector<16xi32> -> vector<16xf32>
      %mul3A_816 = arith.mulf %exp3A_54, %gather3A_815 : vector<16xf32>
      %broadcast_in_dim3A_817 = vector.shape_cast %broadcast_in_dim3A_119 : vector<16xi32> to vector<16x1xi32>
      %gather3A_818 = vector.shape_cast %broadcast_in_dim3A_817 : vector<16x1xi32> to vector<16xi32>
      %gather3A_819 = tpu.dynamic_gather %mul3A_784[%gather3A_818] in [0] : vector<16xf32>, vector<16xi32> -> vector<16xf32>
      %mul3A_820 = arith.mulf %exp3A_60, %gather3A_819 : vector<16xf32>
      %broadcast_in_dim3A_821 = vector.shape_cast %broadcast_in_dim3A_121 : vector<16xi32> to vector<16x1xi32>
      %gather3A_822 = vector.shape_cast %broadcast_in_dim3A_821 : vector<16x1xi32> to vector<16xi32>
      %gather3A_823 = tpu.dynamic_gather %mul3A_784[%gather3A_822] in [0] : vector<16xf32>, vector<16xi32> -> vector<16xf32>
      %mul3A_824 = arith.mulf %exp3A_66, %gather3A_823 : vector<16xf32>
      %broadcast_in_dim3A_825 = vector.shape_cast %broadcast_in_dim3A_123 : vector<16xi32> to vector<16x1xi32>
      %gather3A_826 = vector.shape_cast %broadcast_in_dim3A_825 : vector<16x1xi32> to vector<16xi32>
      %gather3A_827 = tpu.dynamic_gather %mul3A_784[%gather3A_826] in [0] : vector<16xf32>, vector<16xi32> -> vector<16xf32>
      %mul3A_828 = arith.mulf %exp3A_72, %gather3A_827 : vector<16xf32>
      %broadcast_in_dim3A_829 = vector.shape_cast %broadcast_in_dim3A_125 : vector<16xi32> to vector<16x1xi32>
      %gather3A_830 = vector.shape_cast %broadcast_in_dim3A_829 : vector<16x1xi32> to vector<16xi32>
      %gather3A_831 = tpu.dynamic_gather %mul3A_784[%gather3A_830] in [0] : vector<16xf32>, vector<16xi32> -> vector<16xf32>
      %mul3A_832 = arith.mulf %exp3A_78, %gather3A_831 : vector<16xf32>
      %broadcast_in_dim3A_833 = vector.shape_cast %broadcast_in_dim3A_127 : vector<16xi32> to vector<16x1xi32>
      %gather3A_834 = vector.shape_cast %broadcast_in_dim3A_833 : vector<16x1xi32> to vector<16xi32>
      %gather3A_835 = tpu.dynamic_gather %mul3A_784[%gather3A_834] in [0] : vector<16xf32>, vector<16xi32> -> vector<16xf32>
      %mul3A_836 = arith.mulf %exp3A_84, %gather3A_835 : vector<16xf32>
      %broadcast_in_dim3A_837 = vector.shape_cast %broadcast_in_dim3A_129 : vector<16xi32> to vector<16x1xi32>
      %gather3A_838 = vector.shape_cast %broadcast_in_dim3A_837 : vector<16x1xi32> to vector<16xi32>
      %gather3A_839 = tpu.dynamic_gather %mul3A_784[%gather3A_838] in [0] : vector<16xf32>, vector<16xi32> -> vector<16xf32>
      %mul3A_840 = arith.mulf %exp3A_90, %gather3A_839 : vector<16xf32>
      %broadcast_in_dim3A_841 = vector.shape_cast %broadcast_in_dim3A_131 : vector<16xi32> to vector<16x1xi32>
      %gather3A_842 = vector.shape_cast %broadcast_in_dim3A_841 : vector<16x1xi32> to vector<16xi32>
      %gather3A_843 = tpu.dynamic_gather %mul3A_784[%gather3A_842] in [0] : vector<16xf32>, vector<16xi32> -> vector<16xf32>
      %mul3A_844 = arith.mulf %exp3A_96, %gather3A_843 : vector<16xf32>
      %broadcast_in_dim3A_845 = vector.shape_cast %broadcast_in_dim3A_133 : vector<16xi32> to vector<16x1xi32>
      %gather3A_846 = vector.shape_cast %broadcast_in_dim3A_845 : vector<16x1xi32> to vector<16xi32>
      %gather3A_847 = tpu.dynamic_gather %mul3A_784[%gather3A_846] in [0] : vector<16xf32>, vector<16xi32> -> vector<16xf32>
      %mul3A_848 = arith.mulf %exp3A_102, %gather3A_847 : vector<16xf32>
      %add3A_849 = arith.addf %mul3A_788, %mul3A_792 : vector<16xf32>
      %add3A_850 = arith.addf %mul3A_796, %mul3A_800 : vector<16xf32>
      %add3A_851 = arith.addf %mul3A_804, %mul3A_808 : vector<16xf32>
      %add3A_852 = arith.addf %mul3A_812, %mul3A_816 : vector<16xf32>
      %add3A_853 = arith.addf %mul3A_820, %mul3A_824 : vector<16xf32>
      %add3A_854 = arith.addf %mul3A_828, %mul3A_832 : vector<16xf32>
      %add3A_855 = arith.addf %mul3A_836, %mul3A_840 : vector<16xf32>
      %add3A_856 = arith.addf %mul3A_844, %mul3A_848 : vector<16xf32>
      %add3A_857 = arith.addf %add3A_849, %add3A_850 : vector<16xf32>
      %add3A_858 = arith.addf %add3A_851, %add3A_852 : vector<16xf32>
      %add3A_859 = arith.addf %add3A_853, %add3A_854 : vector<16xf32>
      %add3A_860 = arith.addf %add3A_855, %add3A_856 : vector<16xf32>
      %add3A_861 = arith.addf %add3A_857, %add3A_858 : vector<16xf32>
      %add3A_862 = arith.addf %add3A_859, %add3A_860 : vector<16xf32>
      %add3A_863 = arith.addf %add3A_861, %add3A_862 : vector<16xf32>
      %get3A_864 = arith.constant 0 : i32
      %get3A_865 = arith.index_cast %get3A_864 : i32 to index
      %get3A_866 = arith.constant 96 : index
      %get3A_867 = tpu.vector_load %arg6[%get3A_865, %get3A_866] {strides = array<i32>} : memref<256x128xf32, #tpu.memory_space<vmem>>, vector<1x16xf32>,
      %get3A_868 = vector.shape_cast %get3A_867 : vector<1x16xf32> to vector<16xf32>
      %mul3A_869 = arith.mulf %add3A_863, %get3A_868 : vector<16xf32>
      %broadcast_in_dim3A_870 = vector.shape_cast %broadcast_in_dim3A_103 : vector<16xi32> to vector<16x1xi32>
      %gather3A_871 = vector.shape_cast %broadcast_in_dim3A_870 : vector<16x1xi32> to vector<16xi32>
      %gather3A_872 = tpu.dynamic_gather %mul3A_869[%gather3A_871] in [0] : vector<16xf32>, vector<16xi32> -> vector<16xf32>
      %mul3A_873 = arith.mulf %exp3A_12, %gather3A_872 : vector<16xf32>
      %broadcast_in_dim3A_874 = vector.shape_cast %broadcast_in_dim3A_105 : vector<16xi32> to vector<16x1xi32>
      %gather3A_875 = vector.shape_cast %broadcast_in_dim3A_874 : vector<16x1xi32> to vector<16xi32>
      %gather3A_876 = tpu.dynamic_gather %mul3A_869[%gather3A_875] in [0] : vector<16xf32>, vector<16xi32> -> vector<16xf32>
      %mul3A_877 = arith.mulf %exp3A_18, %gather3A_876 : vector<16xf32>
      %broadcast_in_dim3A_878 = vector.shape_cast %broadcast_in_dim3A_107 : vector<16xi32> to vector<16x1xi32>
      %gather3A_879 = vector.shape_cast %broadcast_in_dim3A_878 : vector<16x1xi32> to vector<16xi32>
      %gather3A_880 = tpu.dynamic_gather %mul3A_869[%gather3A_879] in [0] : vector<16xf32>, vector<16xi32> -> vector<16xf32>
      %mul3A_881 = arith.mulf %exp3A_24, %gather3A_880 : vector<16xf32>
      %broadcast_in_dim3A_882 = vector.shape_cast %broadcast_in_dim3A_109 : vector<16xi32> to vector<16x1xi32>
      %gather3A_883 = vector.shape_cast %broadcast_in_dim3A_882 : vector<16x1xi32> to vector<16xi32>
      %gather3A_884 = tpu.dynamic_gather %mul3A_869[%gather3A_883] in [0] : vector<16xf32>, vector<16xi32> -> vector<16xf32>
      %mul3A_885 = arith.mulf %exp3A_30, %gather3A_884 : vector<16xf32>
      %broadcast_in_dim3A_886 = vector.shape_cast %broadcast_in_dim3A_111 : vector<16xi32> to vector<16x1xi32>
      %gather3A_887 = vector.shape_cast %broadcast_in_dim3A_886 : vector<16x1xi32> to vector<16xi32>
      %gather3A_888 = tpu.dynamic_gather %mul3A_869[%gather3A_887] in [0] : vector<16xf32>, vector<16xi32> -> vector<16xf32>
      %mul3A_889 = arith.mulf %exp3A_36, %gather3A_888 : vector<16xf32>
      %broadcast_in_dim3A_890 = vector.shape_cast %broadcast_in_dim3A_113 : vector<16xi32> to vector<16x1xi32>
      %gather3A_891 = vector.shape_cast %broadcast_in_dim3A_890 : vector<16x1xi32> to vector<16xi32>
      %gather3A_892 = tpu.dynamic_gather %mul3A_869[%gather3A_891] in [0] : vector<16xf32>, vector<16xi32> -> vector<16xf32>
      %mul3A_893 = arith.mulf %exp3A_42, %gather3A_892 : vector<16xf32>
      %broadcast_in_dim3A_894 = vector.shape_cast %broadcast_in_dim3A_115 : vector<16xi32> to vector<16x1xi32>
      %gather3A_895 = vector.shape_cast %broadcast_in_dim3A_894 : vector<16x1xi32> to vector<16xi32>
      %gather3A_896 = tpu.dynamic_gather %mul3A_869[%gather3A_895] in [0] : vector<16xf32>, vector<16xi32> -> vector<16xf32>
      %mul3A_897 = arith.mulf %exp3A_48, %gather3A_896 : vector<16xf32>
      %broadcast_in_dim3A_898 = vector.shape_cast %broadcast_in_dim3A_117 : vector<16xi32> to vector<16x1xi32>
      %gather3A_899 = vector.shape_cast %broadcast_in_dim3A_898 : vector<16x1xi32> to vector<16xi32>
      %gather3A_900 = tpu.dynamic_gather %mul3A_869[%gather3A_899] in [0] : vector<16xf32>, vector<16xi32> -> vector<16xf32>
      %mul3A_901 = arith.mulf %exp3A_54, %gather3A_900 : vector<16xf32>
      %broadcast_in_dim3A_902 = vector.shape_cast %broadcast_in_dim3A_119 : vector<16xi32> to vector<16x1xi32>
      %gather3A_903 = vector.shape_cast %broadcast_in_dim3A_902 : vector<16x1xi32> to vector<16xi32>
      %gather3A_904 = tpu.dynamic_gather %mul3A_869[%gather3A_903] in [0] : vector<16xf32>, vector<16xi32> -> vector<16xf32>
      %mul3A_905 = arith.mulf %exp3A_60, %gather3A_904 : vector<16xf32>
      %broadcast_in_dim3A_906 = vector.shape_cast %broadcast_in_dim3A_121 : vector<16xi32> to vector<16x1xi32>
      %gather3A_907 = vector.shape_cast %broadcast_in_dim3A_906 : vector<16x1xi32> to vector<16xi32>
      %gather3A_908 = tpu.dynamic_gather %mul3A_869[%gather3A_907] in [0] : vector<16xf32>, vector<16xi32> -> vector<16xf32>
      %mul3A_909 = arith.mulf %exp3A_66, %gather3A_908 : vector<16xf32>
      %broadcast_in_dim3A_910 = vector.shape_cast %broadcast_in_dim3A_123 : vector<16xi32> to vector<16x1xi32>
      %gather3A_911 = vector.shape_cast %broadcast_in_dim3A_910 : vector<16x1xi32> to vector<16xi32>
      %gather3A_912 = tpu.dynamic_gather %mul3A_869[%gather3A_911] in [0] : vector<16xf32>, vector<16xi32> -> vector<16xf32>
      %mul3A_913 = arith.mulf %exp3A_72, %gather3A_912 : vector<16xf32>
      %broadcast_in_dim3A_914 = vector.shape_cast %broadcast_in_dim3A_125 : vector<16xi32> to vector<16x1xi32>
      %gather3A_915 = vector.shape_cast %broadcast_in_dim3A_914 : vector<16x1xi32> to vector<16xi32>
      %gather3A_916 = tpu.dynamic_gather %mul3A_869[%gather3A_915] in [0] : vector<16xf32>, vector<16xi32> -> vector<16xf32>
      %mul3A_917 = arith.mulf %exp3A_78, %gather3A_916 : vector<16xf32>
      %broadcast_in_dim3A_918 = vector.shape_cast %broadcast_in_dim3A_127 : vector<16xi32> to vector<16x1xi32>
      %gather3A_919 = vector.shape_cast %broadcast_in_dim3A_918 : vector<16x1xi32> to vector<16xi32>
      %gather3A_920 = tpu.dynamic_gather %mul3A_869[%gather3A_919] in [0] : vector<16xf32>, vector<16xi32> -> vector<16xf32>
      %mul3A_921 = arith.mulf %exp3A_84, %gather3A_920 : vector<16xf32>
      %broadcast_in_dim3A_922 = vector.shape_cast %broadcast_in_dim3A_129 : vector<16xi32> to vector<16x1xi32>
      %gather3A_923 = vector.shape_cast %broadcast_in_dim3A_922 : vector<16x1xi32> to vector<16xi32>
      %gather3A_924 = tpu.dynamic_gather %mul3A_869[%gather3A_923] in [0] : vector<16xf32>, vector<16xi32> -> vector<16xf32>
      %mul3A_925 = arith.mulf %exp3A_90, %gather3A_924 : vector<16xf32>
      %broadcast_in_dim3A_926 = vector.shape_cast %broadcast_in_dim3A_131 : vector<16xi32> to vector<16x1xi32>
      %gather3A_927 = vector.shape_cast %broadcast_in_dim3A_926 : vector<16x1xi32> to vector<16xi32>
      %gather3A_928 = tpu.dynamic_gather %mul3A_869[%gather3A_927] in [0] : vector<16xf32>, vector<16xi32> -> vector<16xf32>
      %mul3A_929 = arith.mulf %exp3A_96, %gather3A_928 : vector<16xf32>
      %broadcast_in_dim3A_930 = vector.shape_cast %broadcast_in_dim3A_133 : vector<16xi32> to vector<16x1xi32>
      %gather3A_931 = vector.shape_cast %broadcast_in_dim3A_930 : vector<16x1xi32> to vector<16xi32>
      %gather3A_932 = tpu.dynamic_gather %mul3A_869[%gather3A_931] in [0] : vector<16xf32>, vector<16xi32> -> vector<16xf32>
      %mul3A_933 = arith.mulf %exp3A_102, %gather3A_932 : vector<16xf32>
      %add3A_934 = arith.addf %mul3A_873, %mul3A_877 : vector<16xf32>
      %add3A_935 = arith.addf %mul3A_881, %mul3A_885 : vector<16xf32>
      %add3A_936 = arith.addf %mul3A_889, %mul3A_893 : vector<16xf32>
      %add3A_937 = arith.addf %mul3A_897, %mul3A_901 : vector<16xf32>
      %add3A_938 = arith.addf %mul3A_905, %mul3A_909 : vector<16xf32>
      %add3A_939 = arith.addf %mul3A_913, %mul3A_917 : vector<16xf32>
      %add3A_940 = arith.addf %mul3A_921, %mul3A_925 : vector<16xf32>
      %add3A_941 = arith.addf %mul3A_929, %mul3A_933 : vector<16xf32>
      %add3A_942 = arith.addf %add3A_934, %add3A_935 : vector<16xf32>
      %add3A_943 = arith.addf %add3A_936, %add3A_937 : vector<16xf32>
      %add3A_944 = arith.addf %add3A_938, %add3A_939 : vector<16xf32>
      %add3A_945 = arith.addf %add3A_940, %add3A_941 : vector<16xf32>
      %add3A_946 = arith.addf %add3A_942, %add3A_943 : vector<16xf32>
      %add3A_947 = arith.addf %add3A_944, %add3A_945 : vector<16xf32>
      %add3A_948 = arith.addf %add3A_946, %add3A_947 : vector<16xf32>
      %get3A_949 = arith.constant 0 : i32
      %get3A_950 = arith.index_cast %get3A_949 : i32 to index
      %get3A_951 = arith.constant 112 : index
      %get3A_952 = tpu.vector_load %arg6[%get3A_950, %get3A_951] {strides = array<i32>} : memref<256x128xf32, #tpu.memory_space<vmem>>, vector<1x16xf32>,
      %get3A_953 = vector.shape_cast %get3A_952 : vector<1x16xf32> to vector<16xf32>
      %mul3A_954 = arith.mulf %add3A_948, %get3A_953 : vector<16xf32>
      %broadcast_in_dim3A_955 = vector.shape_cast %xor3A_135 : vector<16xi32> to vector<16x1xi32>
      %gather3A_956 = vector.shape_cast %broadcast_in_dim3A_955 : vector<16x1xi32> to vector<16xi32>
      %gather3A_957 = tpu.dynamic_gather %mul3A_954[%gather3A_956] in [0] : vector<16xf32>, vector<16xi32> -> vector<16xf32>
      %add3A_958 = arith.addf %mul3A_954, %gather3A_957 : vector<16xf32>
      %broadcast_in_dim3A_959 = vector.shape_cast %xor3A_138 : vector<16xi32> to vector<16x1xi32>
      %gather3A_960 = vector.shape_cast %broadcast_in_dim3A_959 : vector<16x1xi32> to vector<16xi32>
      %gather3A_961 = tpu.dynamic_gather %add3A_958[%gather3A_960] in [0] : vector<16xf32>, vector<16xi32> -> vector<16xf32>
      %add3A_962 = arith.addf %add3A_958, %gather3A_961 : vector<16xf32>
      %broadcast_in_dim3A_963 = vector.shape_cast %xor3A_141 : vector<16xi32> to vector<16x1xi32>
      %gather3A_964 = vector.shape_cast %broadcast_in_dim3A_963 : vector<16x1xi32> to vector<16xi32>
      %gather3A_965 = tpu.dynamic_gather %add3A_962[%gather3A_964] in [0] : vector<16xf32>, vector<16xi32> -> vector<16xf32>
      %add3A_966 = arith.addf %add3A_962, %gather3A_965 : vector<16xf32>
      %broadcast_in_dim3A_967 = vector.shape_cast %xor3A_144 : vector<16xi32> to vector<16x1xi32>
      %gather3A_968 = vector.shape_cast %broadcast_in_dim3A_967 : vector<16x1xi32> to vector<16xi32>
      %gather3A_969 = tpu.dynamic_gather %add3A_966[%gather3A_968] in [0] : vector<16xf32>, vector<16xi32> -> vector<16xf32>
      %add3A_970 = arith.addf %add3A_966, %gather3A_969 : vector<16xf32>
      %broadcast_in_dim3A_971 = arith.constant 1.000000e+00 : f32
      %broadcast_in_dim3A_972 = vector.broadcast %broadcast_in_dim3A_971 : f32 to vector<16xf32>
      %broadcast_in_dim3A_973 = arith.constant 0.000000e+00 : f32
      %broadcast_in_dim3A_974 = vector.broadcast %broadcast_in_dim3A_973 : f32 to vector<16xf32>
      %mul3A_975 = arith.mulf %add3A_970, %broadcast_in_dim3A_972 : vector<16xf32>
      %lt3A_976 = arith.constant 5.42101086E-20 : f32
      %lt3A_977 = vector.broadcast %lt3A_976 : f32 to vector<16xf32>
      %lt3A_978 = arith.cmpf olt, %mul3A_975, %lt3A_977 : vector<16xf32>
      %mul3A_979 = arith.constant 1.84467441E+19 : f32
      %mul3A_980 = vector.broadcast %mul3A_979 : f32 to vector<16xf32>
      %mul3A_981 = arith.mulf %broadcast_in_dim3A_972, %mul3A_980 : vector<16xf32>
      %select_n3A_982 = arith.select %lt3A_978, %mul3A_981, %broadcast_in_dim3A_972 : vector<16xi1>, vector<16xf32>
      %add3A_983 = arith.constant 6.400000e+01 : f32
      %add3A_984 = vector.broadcast %add3A_983 : f32 to vector<16xf32>
      %add3A_985 = arith.addf %broadcast_in_dim3A_974, %add3A_984 : vector<16xf32>
      %select_n3A_986 = arith.select %lt3A_978, %add3A_985, %broadcast_in_dim3A_974 : vector<16xi1>, vector<16xf32>
      %mul3A_987 = arith.mulf %add3A_970, %select_n3A_982 : vector<16xf32>
      %lt3A_988 = arith.constant 2.32830644E-10 : f32
      %lt3A_989 = vector.broadcast %lt3A_988 : f32 to vector<16xf32>
      %lt3A_990 = arith.cmpf olt, %mul3A_987, %lt3A_989 : vector<16xf32>
      %mul3A_991 = arith.constant 4.2949673E+9 : f32
      %mul3A_992 = vector.broadcast %mul3A_991 : f32 to vector<16xf32>
      %mul3A_993 = arith.mulf %select_n3A_982, %mul3A_992 : vector<16xf32>
      %select_n3A_994 = arith.select %lt3A_990, %mul3A_993, %select_n3A_982 : vector<16xi1>, vector<16xf32>
      %add3A_995 = arith.constant 3.200000e+01 : f32
      %add3A_996 = vector.broadcast %add3A_995 : f32 to vector<16xf32>
      %add3A_997 = arith.addf %select_n3A_986, %add3A_996 : vector<16xf32>
      %select_n3A_998 = arith.select %lt3A_990, %add3A_997, %select_n3A_986 : vector<16xi1>, vector<16xf32>
      %mul3A_999 = arith.mulf %add3A_970, %select_n3A_994 : vector<16xf32>
      %lt3A_1000 = arith.constant 1.52587891E-5 : f32
      %lt3A_1001 = vector.broadcast %lt3A_1000 : f32 to vector<16xf32>
      %lt3A_1002 = arith.cmpf olt, %mul3A_999, %lt3A_1001 : vector<16xf32>
      %mul3A_1003 = arith.constant 6.553600e+04 : f32
      %mul3A_1004 = vector.broadcast %mul3A_1003 : f32 to vector<16xf32>
      %mul3A_1005 = arith.mulf %select_n3A_994, %mul3A_1004 : vector<16xf32>
      %select_n3A_1006 = arith.select %lt3A_1002, %mul3A_1005, %select_n3A_994 : vector<16xi1>, vector<16xf32>
      %add3A_1007 = arith.constant 1.600000e+01 : f32
      %add3A_1008 = vector.broadcast %add3A_1007 : f32 to vector<16xf32>
      %add3A_1009 = arith.addf %select_n3A_998, %add3A_1008 : vector<16xf32>
      %select_n3A_1010 = arith.select %lt3A_1002, %add3A_1009, %select_n3A_998 : vector<16xi1>, vector<16xf32>
      %mul3A_1011 = arith.mulf %add3A_970, %select_n3A_1006 : vector<16xf32>
      %lt3A_1012 = arith.constant 3.906250e-03 : f32
      %lt3A_1013 = vector.broadcast %lt3A_1012 : f32 to vector<16xf32>
      %lt3A_1014 = arith.cmpf olt, %mul3A_1011, %lt3A_1013 : vector<16xf32>
      %mul3A_1015 = arith.constant 2.560000e+02 : f32
      %mul3A_1016 = vector.broadcast %mul3A_1015 : f32 to vector<16xf32>
      %mul3A_1017 = arith.mulf %select_n3A_1006, %mul3A_1016 : vector<16xf32>
      %select_n3A_1018 = arith.select %lt3A_1014, %mul3A_1017, %select_n3A_1006 : vector<16xi1>, vector<16xf32>
      %add3A_1019 = arith.constant 8.000000e+00 : f32
      %add3A_1020 = vector.broadcast %add3A_1019 : f32 to vector<16xf32>
      %add3A_1021 = arith.addf %select_n3A_1010, %add3A_1020 : vector<16xf32>
      %select_n3A_1022 = arith.select %lt3A_1014, %add3A_1021, %select_n3A_1010 : vector<16xi1>, vector<16xf32>
      %mul3A_1023 = arith.mulf %add3A_970, %select_n3A_1018 : vector<16xf32>
      %lt3A_1024 = arith.constant 6.250000e-02 : f32
      %lt3A_1025 = vector.broadcast %lt3A_1024 : f32 to vector<16xf32>
      %lt3A_1026 = arith.cmpf olt, %mul3A_1023, %lt3A_1025 : vector<16xf32>
      %mul3A_1027 = arith.constant 1.600000e+01 : f32
      %mul3A_1028 = vector.broadcast %mul3A_1027 : f32 to vector<16xf32>
      %mul3A_1029 = arith.mulf %select_n3A_1018, %mul3A_1028 : vector<16xf32>
      %select_n3A_1030 = arith.select %lt3A_1026, %mul3A_1029, %select_n3A_1018 : vector<16xi1>, vector<16xf32>
      %add3A_1031 = arith.constant 4.000000e+00 : f32
      %add3A_1032 = vector.broadcast %add3A_1031 : f32 to vector<16xf32>
      %add3A_1033 = arith.addf %select_n3A_1022, %add3A_1032 : vector<16xf32>
      %select_n3A_1034 = arith.select %lt3A_1026, %add3A_1033, %select_n3A_1022 : vector<16xi1>, vector<16xf32>
      %mul3A_1035 = arith.mulf %add3A_970, %select_n3A_1030 : vector<16xf32>
      %lt3A_1036 = arith.constant 2.500000e-01 : f32
      %lt3A_1037 = vector.broadcast %lt3A_1036 : f32 to vector<16xf32>
      %lt3A_1038 = arith.cmpf olt, %mul3A_1035, %lt3A_1037 : vector<16xf32>
      %mul3A_1039 = arith.constant 4.000000e+00 : f32
      %mul3A_1040 = vector.broadcast %mul3A_1039 : f32 to vector<16xf32>
      %mul3A_1041 = arith.mulf %select_n3A_1030, %mul3A_1040 : vector<16xf32>
      %select_n3A_1042 = arith.select %lt3A_1038, %mul3A_1041, %select_n3A_1030 : vector<16xi1>, vector<16xf32>
      %add3A_1043 = arith.constant 2.000000e+00 : f32
      %add3A_1044 = vector.broadcast %add3A_1043 : f32 to vector<16xf32>
      %add3A_1045 = arith.addf %select_n3A_1034, %add3A_1044 : vector<16xf32>
      %select_n3A_1046 = arith.select %lt3A_1038, %add3A_1045, %select_n3A_1034 : vector<16xi1>, vector<16xf32>
      %mul3A_1047 = arith.mulf %add3A_970, %select_n3A_1042 : vector<16xf32>
      %lt3A_1048 = arith.constant 5.000000e-01 : f32
      %lt3A_1049 = vector.broadcast %lt3A_1048 : f32 to vector<16xf32>
      %lt3A_1050 = arith.cmpf olt, %mul3A_1047, %lt3A_1049 : vector<16xf32>
      %mul3A_1051 = arith.constant 2.000000e+00 : f32
      %mul3A_1052 = vector.broadcast %mul3A_1051 : f32 to vector<16xf32>
      %mul3A_1053 = arith.mulf %select_n3A_1042, %mul3A_1052 : vector<16xf32>
      %select_n3A_1054 = arith.select %lt3A_1050, %mul3A_1053, %select_n3A_1042 : vector<16xi1>, vector<16xf32>
      %add3A_1055 = arith.constant 1.000000e+00 : f32
      %add3A_1056 = vector.broadcast %add3A_1055 : f32 to vector<16xf32>
      %add3A_1057 = arith.addf %select_n3A_1046, %add3A_1056 : vector<16xf32>
      %select_n3A_1058 = arith.select %lt3A_1050, %add3A_1057, %select_n3A_1046 : vector<16xi1>, vector<16xf32>
      %mul3A_1059 = arith.mulf %mul3A_954, %select_n3A_1054 : vector<16xf32>
      %sub3A_1060 = arith.subf %sub3A_699, %select_n3A_1058 : vector<16xf32>
      %scan3A = arith.constant 1 : i32
      %scan3A_1061 = arith.constant 255 : i32
      %scan3A_1062 = arith.addi %scan3A, %scan3A_1061 : i32
      %scan3A_1063 = arith.constant 1 : i32
      %scan3A_1064:2 = scf.for %scan3A_1129 = %scan3A to %scan3A_1062 step %scan3A_1063 iter_args(%scan3A_1130 = %mul3A_1059, %scan3A_1131 = %sub3A_1060) -> (vector<16xf32>, vector<16xf32>)  : i32 {
        %broadcast_in_dim3A_1132 = vector.shape_cast %broadcast_in_dim3A_103 : vector<16xi32> to vector<16x1xi32>
        %gather3A_1133 = vector.shape_cast %broadcast_in_dim3A_1132 : vector<16x1xi32> to vector<16xi32>
        %gather3A_1134 = tpu.dynamic_gather %scan3A_1130[%gather3A_1133] in [0] : vector<16xf32>, vector<16xi32> -> vector<16xf32>
        %mul3A_1135 = arith.mulf %exp3A_12, %gather3A_1134 : vector<16xf32>
        %broadcast_in_dim3A_1136 = vector.shape_cast %broadcast_in_dim3A_105 : vector<16xi32> to vector<16x1xi32>
        %gather3A_1137 = vector.shape_cast %broadcast_in_dim3A_1136 : vector<16x1xi32> to vector<16xi32>
        %gather3A_1138 = tpu.dynamic_gather %scan3A_1130[%gather3A_1137] in [0] : vector<16xf32>, vector<16xi32> -> vector<16xf32>
        %mul3A_1139 = arith.mulf %exp3A_18, %gather3A_1138 : vector<16xf32>
        %broadcast_in_dim3A_1140 = vector.shape_cast %broadcast_in_dim3A_107 : vector<16xi32> to vector<16x1xi32>
        %gather3A_1141 = vector.shape_cast %broadcast_in_dim3A_1140 : vector<16x1xi32> to vector<16xi32>
        %gather3A_1142 = tpu.dynamic_gather %scan3A_1130[%gather3A_1141] in [0] : vector<16xf32>, vector<16xi32> -> vector<16xf32>
        %mul3A_1143 = arith.mulf %exp3A_24, %gather3A_1142 : vector<16xf32>
        %broadcast_in_dim3A_1144 = vector.shape_cast %broadcast_in_dim3A_109 : vector<16xi32> to vector<16x1xi32>
        %gather3A_1145 = vector.shape_cast %broadcast_in_dim3A_1144 : vector<16x1xi32> to vector<16xi32>
        %gather3A_1146 = tpu.dynamic_gather %scan3A_1130[%gather3A_1145] in [0] : vector<16xf32>, vector<16xi32> -> vector<16xf32>
        %mul3A_1147 = arith.mulf %exp3A_30, %gather3A_1146 : vector<16xf32>
        %broadcast_in_dim3A_1148 = vector.shape_cast %broadcast_in_dim3A_111 : vector<16xi32> to vector<16x1xi32>
        %gather3A_1149 = vector.shape_cast %broadcast_in_dim3A_1148 : vector<16x1xi32> to vector<16xi32>
        %gather3A_1150 = tpu.dynamic_gather %scan3A_1130[%gather3A_1149] in [0] : vector<16xf32>, vector<16xi32> -> vector<16xf32>
        %mul3A_1151 = arith.mulf %exp3A_36, %gather3A_1150 : vector<16xf32>
        %broadcast_in_dim3A_1152 = vector.shape_cast %broadcast_in_dim3A_113 : vector<16xi32> to vector<16x1xi32>
        %gather3A_1153 = vector.shape_cast %broadcast_in_dim3A_1152 : vector<16x1xi32> to vector<16xi32>
        %gather3A_1154 = tpu.dynamic_gather %scan3A_1130[%gather3A_1153] in [0] : vector<16xf32>, vector<16xi32> -> vector<16xf32>
        %mul3A_1155 = arith.mulf %exp3A_42, %gather3A_1154 : vector<16xf32>
        %broadcast_in_dim3A_1156 = vector.shape_cast %broadcast_in_dim3A_115 : vector<16xi32> to vector<16x1xi32>
        %gather3A_1157 = vector.shape_cast %broadcast_in_dim3A_1156 : vector<16x1xi32> to vector<16xi32>
        %gather3A_1158 = tpu.dynamic_gather %scan3A_1130[%gather3A_1157] in [0] : vector<16xf32>, vector<16xi32> -> vector<16xf32>
        %mul3A_1159 = arith.mulf %exp3A_48, %gather3A_1158 : vector<16xf32>
        %broadcast_in_dim3A_1160 = vector.shape_cast %broadcast_in_dim3A_117 : vector<16xi32> to vector<16x1xi32>
        %gather3A_1161 = vector.shape_cast %broadcast_in_dim3A_1160 : vector<16x1xi32> to vector<16xi32>
        %gather3A_1162 = tpu.dynamic_gather %scan3A_1130[%gather3A_1161] in [0] : vector<16xf32>, vector<16xi32> -> vector<16xf32>
        %mul3A_1163 = arith.mulf %exp3A_54, %gather3A_1162 : vector<16xf32>
        %broadcast_in_dim3A_1164 = vector.shape_cast %broadcast_in_dim3A_119 : vector<16xi32> to vector<16x1xi32>
        %gather3A_1165 = vector.shape_cast %broadcast_in_dim3A_1164 : vector<16x1xi32> to vector<16xi32>
        %gather3A_1166 = tpu.dynamic_gather %scan3A_1130[%gather3A_1165] in [0] : vector<16xf32>, vector<16xi32> -> vector<16xf32>
        %mul3A_1167 = arith.mulf %exp3A_60, %gather3A_1166 : vector<16xf32>
        %broadcast_in_dim3A_1168 = vector.shape_cast %broadcast_in_dim3A_121 : vector<16xi32> to vector<16x1xi32>
        %gather3A_1169 = vector.shape_cast %broadcast_in_dim3A_1168 : vector<16x1xi32> to vector<16xi32>
        %gather3A_1170 = tpu.dynamic_gather %scan3A_1130[%gather3A_1169] in [0] : vector<16xf32>, vector<16xi32> -> vector<16xf32>
        %mul3A_1171 = arith.mulf %exp3A_66, %gather3A_1170 : vector<16xf32>
        %broadcast_in_dim3A_1172 = vector.shape_cast %broadcast_in_dim3A_123 : vector<16xi32> to vector<16x1xi32>
        %gather3A_1173 = vector.shape_cast %broadcast_in_dim3A_1172 : vector<16x1xi32> to vector<16xi32>
        %gather3A_1174 = tpu.dynamic_gather %scan3A_1130[%gather3A_1173] in [0] : vector<16xf32>, vector<16xi32> -> vector<16xf32>
        %mul3A_1175 = arith.mulf %exp3A_72, %gather3A_1174 : vector<16xf32>
        %broadcast_in_dim3A_1176 = vector.shape_cast %broadcast_in_dim3A_125 : vector<16xi32> to vector<16x1xi32>
        %gather3A_1177 = vector.shape_cast %broadcast_in_dim3A_1176 : vector<16x1xi32> to vector<16xi32>
        %gather3A_1178 = tpu.dynamic_gather %scan3A_1130[%gather3A_1177] in [0] : vector<16xf32>, vector<16xi32> -> vector<16xf32>
        %mul3A_1179 = arith.mulf %exp3A_78, %gather3A_1178 : vector<16xf32>
        %broadcast_in_dim3A_1180 = vector.shape_cast %broadcast_in_dim3A_127 : vector<16xi32> to vector<16x1xi32>
        %gather3A_1181 = vector.shape_cast %broadcast_in_dim3A_1180 : vector<16x1xi32> to vector<16xi32>
        %gather3A_1182 = tpu.dynamic_gather %scan3A_1130[%gather3A_1181] in [0] : vector<16xf32>, vector<16xi32> -> vector<16xf32>
        %mul3A_1183 = arith.mulf %exp3A_84, %gather3A_1182 : vector<16xf32>
        %broadcast_in_dim3A_1184 = vector.shape_cast %broadcast_in_dim3A_129 : vector<16xi32> to vector<16x1xi32>
        %gather3A_1185 = vector.shape_cast %broadcast_in_dim3A_1184 : vector<16x1xi32> to vector<16xi32>
        %gather3A_1186 = tpu.dynamic_gather %scan3A_1130[%gather3A_1185] in [0] : vector<16xf32>, vector<16xi32> -> vector<16xf32>
        %mul3A_1187 = arith.mulf %exp3A_90, %gather3A_1186 : vector<16xf32>
        %broadcast_in_dim3A_1188 = vector.shape_cast %broadcast_in_dim3A_131 : vector<16xi32> to vector<16x1xi32>
        %gather3A_1189 = vector.shape_cast %broadcast_in_dim3A_1188 : vector<16x1xi32> to vector<16xi32>
        %gather3A_1190 = tpu.dynamic_gather %scan3A_1130[%gather3A_1189] in [0] : vector<16xf32>, vector<16xi32> -> vector<16xf32>
        %mul3A_1191 = arith.mulf %exp3A_96, %gather3A_1190 : vector<16xf32>
        %broadcast_in_dim3A_1192 = vector.shape_cast %broadcast_in_dim3A_133 : vector<16xi32> to vector<16x1xi32>
        %gather3A_1193 = vector.shape_cast %broadcast_in_dim3A_1192 : vector<16x1xi32> to vector<16xi32>
        %gather3A_1194 = tpu.dynamic_gather %scan3A_1130[%gather3A_1193] in [0] : vector<16xf32>, vector<16xi32> -> vector<16xf32>
        %mul3A_1195 = arith.mulf %exp3A_102, %gather3A_1194 : vector<16xf32>
        %add3A_1196 = arith.addf %mul3A_1135, %mul3A_1139 : vector<16xf32>
        %add3A_1197 = arith.addf %mul3A_1143, %mul3A_1147 : vector<16xf32>
        %add3A_1198 = arith.addf %mul3A_1151, %mul3A_1155 : vector<16xf32>
        %add3A_1199 = arith.addf %mul3A_1159, %mul3A_1163 : vector<16xf32>
        %add3A_1200 = arith.addf %mul3A_1167, %mul3A_1171 : vector<16xf32>
        %add3A_1201 = arith.addf %mul3A_1175, %mul3A_1179 : vector<16xf32>
        %add3A_1202 = arith.addf %mul3A_1183, %mul3A_1187 : vector<16xf32>
        %add3A_1203 = arith.addf %mul3A_1191, %mul3A_1195 : vector<16xf32>
        %add3A_1204 = arith.addf %add3A_1196, %add3A_1197 : vector<16xf32>
        %add3A_1205 = arith.addf %add3A_1198, %add3A_1199 : vector<16xf32>
        %add3A_1206 = arith.addf %add3A_1200, %add3A_1201 : vector<16xf32>
        %add3A_1207 = arith.addf %add3A_1202, %add3A_1203 : vector<16xf32>
        %add3A_1208 = arith.addf %add3A_1204, %add3A_1205 : vector<16xf32>
        %add3A_1209 = arith.addf %add3A_1206, %add3A_1207 : vector<16xf32>
        %add3A_1210 = arith.addf %add3A_1208, %add3A_1209 : vector<16xf32>
        %get3A_1211 = arith.index_cast %scan3A_1129 : i32 to index
        %get3A_1212 = arith.constant 0 : index
        %get3A_1213 = tpu.vector_load %arg6[%get3A_1211, %get3A_1212] {strides = array<i32>} : memref<256x128xf32, #tpu.memory_space<vmem>>, vector<1x16xf32>,
        %get3A_1214 = vector.shape_cast %get3A_1213 : vector<1x16xf32> to vector<16xf32>
        %mul3A_1215 = arith.mulf %add3A_1210, %get3A_1214 : vector<16xf32>
        %broadcast_in_dim3A_1216 = vector.shape_cast %broadcast_in_dim3A_103 : vector<16xi32> to vector<16x1xi32>
        %gather3A_1217 = vector.shape_cast %broadcast_in_dim3A_1216 : vector<16x1xi32> to vector<16xi32>
        %gather3A_1218 = tpu.dynamic_gather %mul3A_1215[%gather3A_1217] in [0] : vector<16xf32>, vector<16xi32> -> vector<16xf32>
        %mul3A_1219 = arith.mulf %exp3A_12, %gather3A_1218 : vector<16xf32>
        %broadcast_in_dim3A_1220 = vector.shape_cast %broadcast_in_dim3A_105 : vector<16xi32> to vector<16x1xi32>
        %gather3A_1221 = vector.shape_cast %broadcast_in_dim3A_1220 : vector<16x1xi32> to vector<16xi32>
        %gather3A_1222 = tpu.dynamic_gather %mul3A_1215[%gather3A_1221] in [0] : vector<16xf32>, vector<16xi32> -> vector<16xf32>
        %mul3A_1223 = arith.mulf %exp3A_18, %gather3A_1222 : vector<16xf32>
        %broadcast_in_dim3A_1224 = vector.shape_cast %broadcast_in_dim3A_107 : vector<16xi32> to vector<16x1xi32>
        %gather3A_1225 = vector.shape_cast %broadcast_in_dim3A_1224 : vector<16x1xi32> to vector<16xi32>
        %gather3A_1226 = tpu.dynamic_gather %mul3A_1215[%gather3A_1225] in [0] : vector<16xf32>, vector<16xi32> -> vector<16xf32>
        %mul3A_1227 = arith.mulf %exp3A_24, %gather3A_1226 : vector<16xf32>
        %broadcast_in_dim3A_1228 = vector.shape_cast %broadcast_in_dim3A_109 : vector<16xi32> to vector<16x1xi32>
        %gather3A_1229 = vector.shape_cast %broadcast_in_dim3A_1228 : vector<16x1xi32> to vector<16xi32>
        %gather3A_1230 = tpu.dynamic_gather %mul3A_1215[%gather3A_1229] in [0] : vector<16xf32>, vector<16xi32> -> vector<16xf32>
        %mul3A_1231 = arith.mulf %exp3A_30, %gather3A_1230 : vector<16xf32>
        %broadcast_in_dim3A_1232 = vector.shape_cast %broadcast_in_dim3A_111 : vector<16xi32> to vector<16x1xi32>
        %gather3A_1233 = vector.shape_cast %broadcast_in_dim3A_1232 : vector<16x1xi32> to vector<16xi32>
        %gather3A_1234 = tpu.dynamic_gather %mul3A_1215[%gather3A_1233] in [0] : vector<16xf32>, vector<16xi32> -> vector<16xf32>
        %mul3A_1235 = arith.mulf %exp3A_36, %gather3A_1234 : vector<16xf32>
        %broadcast_in_dim3A_1236 = vector.shape_cast %broadcast_in_dim3A_113 : vector<16xi32> to vector<16x1xi32>
        %gather3A_1237 = vector.shape_cast %broadcast_in_dim3A_1236 : vector<16x1xi32> to vector<16xi32>
        %gather3A_1238 = tpu.dynamic_gather %mul3A_1215[%gather3A_1237] in [0] : vector<16xf32>, vector<16xi32> -> vector<16xf32>
        %mul3A_1239 = arith.mulf %exp3A_42, %gather3A_1238 : vector<16xf32>
        %broadcast_in_dim3A_1240 = vector.shape_cast %broadcast_in_dim3A_115 : vector<16xi32> to vector<16x1xi32>
        %gather3A_1241 = vector.shape_cast %broadcast_in_dim3A_1240 : vector<16x1xi32> to vector<16xi32>
        %gather3A_1242 = tpu.dynamic_gather %mul3A_1215[%gather3A_1241] in [0] : vector<16xf32>, vector<16xi32> -> vector<16xf32>
        %mul3A_1243 = arith.mulf %exp3A_48, %gather3A_1242 : vector<16xf32>
        %broadcast_in_dim3A_1244 = vector.shape_cast %broadcast_in_dim3A_117 : vector<16xi32> to vector<16x1xi32>
        %gather3A_1245 = vector.shape_cast %broadcast_in_dim3A_1244 : vector<16x1xi32> to vector<16xi32>
        %gather3A_1246 = tpu.dynamic_gather %mul3A_1215[%gather3A_1245] in [0] : vector<16xf32>, vector<16xi32> -> vector<16xf32>
        %mul3A_1247 = arith.mulf %exp3A_54, %gather3A_1246 : vector<16xf32>
        %broadcast_in_dim3A_1248 = vector.shape_cast %broadcast_in_dim3A_119 : vector<16xi32> to vector<16x1xi32>
        %gather3A_1249 = vector.shape_cast %broadcast_in_dim3A_1248 : vector<16x1xi32> to vector<16xi32>
        %gather3A_1250 = tpu.dynamic_gather %mul3A_1215[%gather3A_1249] in [0] : vector<16xf32>, vector<16xi32> -> vector<16xf32>
        %mul3A_1251 = arith.mulf %exp3A_60, %gather3A_1250 : vector<16xf32>
        %broadcast_in_dim3A_1252 = vector.shape_cast %broadcast_in_dim3A_121 : vector<16xi32> to vector<16x1xi32>
        %gather3A_1253 = vector.shape_cast %broadcast_in_dim3A_1252 : vector<16x1xi32> to vector<16xi32>
        %gather3A_1254 = tpu.dynamic_gather %mul3A_1215[%gather3A_1253] in [0] : vector<16xf32>, vector<16xi32> -> vector<16xf32>
        %mul3A_1255 = arith.mulf %exp3A_66, %gather3A_1254 : vector<16xf32>
        %broadcast_in_dim3A_1256 = vector.shape_cast %broadcast_in_dim3A_123 : vector<16xi32> to vector<16x1xi32>
        %gather3A_1257 = vector.shape_cast %broadcast_in_dim3A_1256 : vector<16x1xi32> to vector<16xi32>
        %gather3A_1258 = tpu.dynamic_gather %mul3A_1215[%gather3A_1257] in [0] : vector<16xf32>, vector<16xi32> -> vector<16xf32>
        %mul3A_1259 = arith.mulf %exp3A_72, %gather3A_1258 : vector<16xf32>
        %broadcast_in_dim3A_1260 = vector.shape_cast %broadcast_in_dim3A_125 : vector<16xi32> to vector<16x1xi32>
        %gather3A_1261 = vector.shape_cast %broadcast_in_dim3A_1260 : vector<16x1xi32> to vector<16xi32>
        %gather3A_1262 = tpu.dynamic_gather %mul3A_1215[%gather3A_1261] in [0] : vector<16xf32>, vector<16xi32> -> vector<16xf32>
        %mul3A_1263 = arith.mulf %exp3A_78, %gather3A_1262 : vector<16xf32>
        %broadcast_in_dim3A_1264 = vector.shape_cast %broadcast_in_dim3A_127 : vector<16xi32> to vector<16x1xi32>
        %gather3A_1265 = vector.shape_cast %broadcast_in_dim3A_1264 : vector<16x1xi32> to vector<16xi32>
        %gather3A_1266 = tpu.dynamic_gather %mul3A_1215[%gather3A_1265] in [0] : vector<16xf32>, vector<16xi32> -> vector<16xf32>
        %mul3A_1267 = arith.mulf %exp3A_84, %gather3A_1266 : vector<16xf32>
        %broadcast_in_dim3A_1268 = vector.shape_cast %broadcast_in_dim3A_129 : vector<16xi32> to vector<16x1xi32>
        %gather3A_1269 = vector.shape_cast %broadcast_in_dim3A_1268 : vector<16x1xi32> to vector<16xi32>
        %gather3A_1270 = tpu.dynamic_gather %mul3A_1215[%gather3A_1269] in [0] : vector<16xf32>, vector<16xi32> -> vector<16xf32>
        %mul3A_1271 = arith.mulf %exp3A_90, %gather3A_1270 : vector<16xf32>
        %broadcast_in_dim3A_1272 = vector.shape_cast %broadcast_in_dim3A_131 : vector<16xi32> to vector<16x1xi32>
        %gather3A_1273 = vector.shape_cast %broadcast_in_dim3A_1272 : vector<16x1xi32> to vector<16xi32>
        %gather3A_1274 = tpu.dynamic_gather %mul3A_1215[%gather3A_1273] in [0] : vector<16xf32>, vector<16xi32> -> vector<16xf32>
        %mul3A_1275 = arith.mulf %exp3A_96, %gather3A_1274 : vector<16xf32>
        %broadcast_in_dim3A_1276 = vector.shape_cast %broadcast_in_dim3A_133 : vector<16xi32> to vector<16x1xi32>
        %gather3A_1277 = vector.shape_cast %broadcast_in_dim3A_1276 : vector<16x1xi32> to vector<16xi32>
        %gather3A_1278 = tpu.dynamic_gather %mul3A_1215[%gather3A_1277] in [0] : vector<16xf32>, vector<16xi32> -> vector<16xf32>
        %mul3A_1279 = arith.mulf %exp3A_102, %gather3A_1278 : vector<16xf32>
        %add3A_1280 = arith.addf %mul3A_1219, %mul3A_1223 : vector<16xf32>
        %add3A_1281 = arith.addf %mul3A_1227, %mul3A_1231 : vector<16xf32>
        %add3A_1282 = arith.addf %mul3A_1235, %mul3A_1239 : vector<16xf32>
        %add3A_1283 = arith.addf %mul3A_1243, %mul3A_1247 : vector<16xf32>
        %add3A_1284 = arith.addf %mul3A_1251, %mul3A_1255 : vector<16xf32>
        %add3A_1285 = arith.addf %mul3A_1259, %mul3A_1263 : vector<16xf32>
        %add3A_1286 = arith.addf %mul3A_1267, %mul3A_1271 : vector<16xf32>
        %add3A_1287 = arith.addf %mul3A_1275, %mul3A_1279 : vector<16xf32>
        %add3A_1288 = arith.addf %add3A_1280, %add3A_1281 : vector<16xf32>
        %add3A_1289 = arith.addf %add3A_1282, %add3A_1283 : vector<16xf32>
        %add3A_1290 = arith.addf %add3A_1284, %add3A_1285 : vector<16xf32>
        %add3A_1291 = arith.addf %add3A_1286, %add3A_1287 : vector<16xf32>
        %add3A_1292 = arith.addf %add3A_1288, %add3A_1289 : vector<16xf32>
        %add3A_1293 = arith.addf %add3A_1290, %add3A_1291 : vector<16xf32>
        %add3A_1294 = arith.addf %add3A_1292, %add3A_1293 : vector<16xf32>
        %get3A_1295 = arith.index_cast %scan3A_1129 : i32 to index
        %get3A_1296 = arith.constant 16 : index
        %get3A_1297 = tpu.vector_load %arg6[%get3A_1295, %get3A_1296] {strides = array<i32>} : memref<256x128xf32, #tpu.memory_space<vmem>>, vector<1x16xf32>,
        %get3A_1298 = vector.shape_cast %get3A_1297 : vector<1x16xf32> to vector<16xf32>
        %mul3A_1299 = arith.mulf %add3A_1294, %get3A_1298 : vector<16xf32>
        %broadcast_in_dim3A_1300 = vector.shape_cast %broadcast_in_dim3A_103 : vector<16xi32> to vector<16x1xi32>
        %gather3A_1301 = vector.shape_cast %broadcast_in_dim3A_1300 : vector<16x1xi32> to vector<16xi32>
        %gather3A_1302 = tpu.dynamic_gather %mul3A_1299[%gather3A_1301] in [0] : vector<16xf32>, vector<16xi32> -> vector<16xf32>
        %mul3A_1303 = arith.mulf %exp3A_12, %gather3A_1302 : vector<16xf32>
        %broadcast_in_dim3A_1304 = vector.shape_cast %broadcast_in_dim3A_105 : vector<16xi32> to vector<16x1xi32>
        %gather3A_1305 = vector.shape_cast %broadcast_in_dim3A_1304 : vector<16x1xi32> to vector<16xi32>
        %gather3A_1306 = tpu.dynamic_gather %mul3A_1299[%gather3A_1305] in [0] : vector<16xf32>, vector<16xi32> -> vector<16xf32>
        %mul3A_1307 = arith.mulf %exp3A_18, %gather3A_1306 : vector<16xf32>
        %broadcast_in_dim3A_1308 = vector.shape_cast %broadcast_in_dim3A_107 : vector<16xi32> to vector<16x1xi32>
        %gather3A_1309 = vector.shape_cast %broadcast_in_dim3A_1308 : vector<16x1xi32> to vector<16xi32>
        %gather3A_1310 = tpu.dynamic_gather %mul3A_1299[%gather3A_1309] in [0] : vector<16xf32>, vector<16xi32> -> vector<16xf32>
        %mul3A_1311 = arith.mulf %exp3A_24, %gather3A_1310 : vector<16xf32>
        %broadcast_in_dim3A_1312 = vector.shape_cast %broadcast_in_dim3A_109 : vector<16xi32> to vector<16x1xi32>
        %gather3A_1313 = vector.shape_cast %broadcast_in_dim3A_1312 : vector<16x1xi32> to vector<16xi32>
        %gather3A_1314 = tpu.dynamic_gather %mul3A_1299[%gather3A_1313] in [0] : vector<16xf32>, vector<16xi32> -> vector<16xf32>
        %mul3A_1315 = arith.mulf %exp3A_30, %gather3A_1314 : vector<16xf32>
        %broadcast_in_dim3A_1316 = vector.shape_cast %broadcast_in_dim3A_111 : vector<16xi32> to vector<16x1xi32>
        %gather3A_1317 = vector.shape_cast %broadcast_in_dim3A_1316 : vector<16x1xi32> to vector<16xi32>
        %gather3A_1318 = tpu.dynamic_gather %mul3A_1299[%gather3A_1317] in [0] : vector<16xf32>, vector<16xi32> -> vector<16xf32>
        %mul3A_1319 = arith.mulf %exp3A_36, %gather3A_1318 : vector<16xf32>
        %broadcast_in_dim3A_1320 = vector.shape_cast %broadcast_in_dim3A_113 : vector<16xi32> to vector<16x1xi32>
        %gather3A_1321 = vector.shape_cast %broadcast_in_dim3A_1320 : vector<16x1xi32> to vector<16xi32>
        %gather3A_1322 = tpu.dynamic_gather %mul3A_1299[%gather3A_1321] in [0] : vector<16xf32>, vector<16xi32> -> vector<16xf32>
        %mul3A_1323 = arith.mulf %exp3A_42, %gather3A_1322 : vector<16xf32>
        %broadcast_in_dim3A_1324 = vector.shape_cast %broadcast_in_dim3A_115 : vector<16xi32> to vector<16x1xi32>
        %gather3A_1325 = vector.shape_cast %broadcast_in_dim3A_1324 : vector<16x1xi32> to vector<16xi32>
        %gather3A_1326 = tpu.dynamic_gather %mul3A_1299[%gather3A_1325] in [0] : vector<16xf32>, vector<16xi32> -> vector<16xf32>
        %mul3A_1327 = arith.mulf %exp3A_48, %gather3A_1326 : vector<16xf32>
        %broadcast_in_dim3A_1328 = vector.shape_cast %broadcast_in_dim3A_117 : vector<16xi32> to vector<16x1xi32>
        %gather3A_1329 = vector.shape_cast %broadcast_in_dim3A_1328 : vector<16x1xi32> to vector<16xi32>
        %gather3A_1330 = tpu.dynamic_gather %mul3A_1299[%gather3A_1329] in [0] : vector<16xf32>, vector<16xi32> -> vector<16xf32>
        %mul3A_1331 = arith.mulf %exp3A_54, %gather3A_1330 : vector<16xf32>
        %broadcast_in_dim3A_1332 = vector.shape_cast %broadcast_in_dim3A_119 : vector<16xi32> to vector<16x1xi32>
        %gather3A_1333 = vector.shape_cast %broadcast_in_dim3A_1332 : vector<16x1xi32> to vector<16xi32>
        %gather3A_1334 = tpu.dynamic_gather %mul3A_1299[%gather3A_1333] in [0] : vector<16xf32>, vector<16xi32> -> vector<16xf32>
        %mul3A_1335 = arith.mulf %exp3A_60, %gather3A_1334 : vector<16xf32>
        %broadcast_in_dim3A_1336 = vector.shape_cast %broadcast_in_dim3A_121 : vector<16xi32> to vector<16x1xi32>
        %gather3A_1337 = vector.shape_cast %broadcast_in_dim3A_1336 : vector<16x1xi32> to vector<16xi32>
        %gather3A_1338 = tpu.dynamic_gather %mul3A_1299[%gather3A_1337] in [0] : vector<16xf32>, vector<16xi32> -> vector<16xf32>
        %mul3A_1339 = arith.mulf %exp3A_66, %gather3A_1338 : vector<16xf32>
        %broadcast_in_dim3A_1340 = vector.shape_cast %broadcast_in_dim3A_123 : vector<16xi32> to vector<16x1xi32>
        %gather3A_1341 = vector.shape_cast %broadcast_in_dim3A_1340 : vector<16x1xi32> to vector<16xi32>
        %gather3A_1342 = tpu.dynamic_gather %mul3A_1299[%gather3A_1341] in [0] : vector<16xf32>, vector<16xi32> -> vector<16xf32>
        %mul3A_1343 = arith.mulf %exp3A_72, %gather3A_1342 : vector<16xf32>
        %broadcast_in_dim3A_1344 = vector.shape_cast %broadcast_in_dim3A_125 : vector<16xi32> to vector<16x1xi32>
        %gather3A_1345 = vector.shape_cast %broadcast_in_dim3A_1344 : vector<16x1xi32> to vector<16xi32>
        %gather3A_1346 = tpu.dynamic_gather %mul3A_1299[%gather3A_1345] in [0] : vector<16xf32>, vector<16xi32> -> vector<16xf32>
        %mul3A_1347 = arith.mulf %exp3A_78, %gather3A_1346 : vector<16xf32>
        %broadcast_in_dim3A_1348 = vector.shape_cast %broadcast_in_dim3A_127 : vector<16xi32> to vector<16x1xi32>
        %gather3A_1349 = vector.shape_cast %broadcast_in_dim3A_1348 : vector<16x1xi32> to vector<16xi32>
        %gather3A_1350 = tpu.dynamic_gather %mul3A_1299[%gather3A_1349] in [0] : vector<16xf32>, vector<16xi32> -> vector<16xf32>
        %mul3A_1351 = arith.mulf %exp3A_84, %gather3A_1350 : vector<16xf32>
        %broadcast_in_dim3A_1352 = vector.shape_cast %broadcast_in_dim3A_129 : vector<16xi32> to vector<16x1xi32>
        %gather3A_1353 = vector.shape_cast %broadcast_in_dim3A_1352 : vector<16x1xi32> to vector<16xi32>
        %gather3A_1354 = tpu.dynamic_gather %mul3A_1299[%gather3A_1353] in [0] : vector<16xf32>, vector<16xi32> -> vector<16xf32>
        %mul3A_1355 = arith.mulf %exp3A_90, %gather3A_1354 : vector<16xf32>
        %broadcast_in_dim3A_1356 = vector.shape_cast %broadcast_in_dim3A_131 : vector<16xi32> to vector<16x1xi32>
        %gather3A_1357 = vector.shape_cast %broadcast_in_dim3A_1356 : vector<16x1xi32> to vector<16xi32>
        %gather3A_1358 = tpu.dynamic_gather %mul3A_1299[%gather3A_1357] in [0] : vector<16xf32>, vector<16xi32> -> vector<16xf32>
        %mul3A_1359 = arith.mulf %exp3A_96, %gather3A_1358 : vector<16xf32>
        %broadcast_in_dim3A_1360 = vector.shape_cast %broadcast_in_dim3A_133 : vector<16xi32> to vector<16x1xi32>
        %gather3A_1361 = vector.shape_cast %broadcast_in_dim3A_1360 : vector<16x1xi32> to vector<16xi32>
        %gather3A_1362 = tpu.dynamic_gather %mul3A_1299[%gather3A_1361] in [0] : vector<16xf32>, vector<16xi32> -> vector<16xf32>
        %mul3A_1363 = arith.mulf %exp3A_102, %gather3A_1362 : vector<16xf32>
        %add3A_1364 = arith.addf %mul3A_1303, %mul3A_1307 : vector<16xf32>
        %add3A_1365 = arith.addf %mul3A_1311, %mul3A_1315 : vector<16xf32>
        %add3A_1366 = arith.addf %mul3A_1319, %mul3A_1323 : vector<16xf32>
        %add3A_1367 = arith.addf %mul3A_1327, %mul3A_1331 : vector<16xf32>
        %add3A_1368 = arith.addf %mul3A_1335, %mul3A_1339 : vector<16xf32>
        %add3A_1369 = arith.addf %mul3A_1343, %mul3A_1347 : vector<16xf32>
        %add3A_1370 = arith.addf %mul3A_1351, %mul3A_1355 : vector<16xf32>
        %add3A_1371 = arith.addf %mul3A_1359, %mul3A_1363 : vector<16xf32>
        %add3A_1372 = arith.addf %add3A_1364, %add3A_1365 : vector<16xf32>
        %add3A_1373 = arith.addf %add3A_1366, %add3A_1367 : vector<16xf32>
        %add3A_1374 = arith.addf %add3A_1368, %add3A_1369 : vector<16xf32>
        %add3A_1375 = arith.addf %add3A_1370, %add3A_1371 : vector<16xf32>
        %add3A_1376 = arith.addf %add3A_1372, %add3A_1373 : vector<16xf32>
        %add3A_1377 = arith.addf %add3A_1374, %add3A_1375 : vector<16xf32>
        %add3A_1378 = arith.addf %add3A_1376, %add3A_1377 : vector<16xf32>
        %get3A_1379 = arith.index_cast %scan3A_1129 : i32 to index
        %get3A_1380 = arith.constant 32 : index
        %get3A_1381 = tpu.vector_load %arg6[%get3A_1379, %get3A_1380] {strides = array<i32>} : memref<256x128xf32, #tpu.memory_space<vmem>>, vector<1x16xf32>,
        %get3A_1382 = vector.shape_cast %get3A_1381 : vector<1x16xf32> to vector<16xf32>
        %mul3A_1383 = arith.mulf %add3A_1378, %get3A_1382 : vector<16xf32>
        %broadcast_in_dim3A_1384 = vector.shape_cast %broadcast_in_dim3A_103 : vector<16xi32> to vector<16x1xi32>
        %gather3A_1385 = vector.shape_cast %broadcast_in_dim3A_1384 : vector<16x1xi32> to vector<16xi32>
        %gather3A_1386 = tpu.dynamic_gather %mul3A_1383[%gather3A_1385] in [0] : vector<16xf32>, vector<16xi32> -> vector<16xf32>
        %mul3A_1387 = arith.mulf %exp3A_12, %gather3A_1386 : vector<16xf32>
        %broadcast_in_dim3A_1388 = vector.shape_cast %broadcast_in_dim3A_105 : vector<16xi32> to vector<16x1xi32>
        %gather3A_1389 = vector.shape_cast %broadcast_in_dim3A_1388 : vector<16x1xi32> to vector<16xi32>
        %gather3A_1390 = tpu.dynamic_gather %mul3A_1383[%gather3A_1389] in [0] : vector<16xf32>, vector<16xi32> -> vector<16xf32>
        %mul3A_1391 = arith.mulf %exp3A_18, %gather3A_1390 : vector<16xf32>
        %broadcast_in_dim3A_1392 = vector.shape_cast %broadcast_in_dim3A_107 : vector<16xi32> to vector<16x1xi32>
        %gather3A_1393 = vector.shape_cast %broadcast_in_dim3A_1392 : vector<16x1xi32> to vector<16xi32>
        %gather3A_1394 = tpu.dynamic_gather %mul3A_1383[%gather3A_1393] in [0] : vector<16xf32>, vector<16xi32> -> vector<16xf32>
        %mul3A_1395 = arith.mulf %exp3A_24, %gather3A_1394 : vector<16xf32>
        %broadcast_in_dim3A_1396 = vector.shape_cast %broadcast_in_dim3A_109 : vector<16xi32> to vector<16x1xi32>
        %gather3A_1397 = vector.shape_cast %broadcast_in_dim3A_1396 : vector<16x1xi32> to vector<16xi32>
        %gather3A_1398 = tpu.dynamic_gather %mul3A_1383[%gather3A_1397] in [0] : vector<16xf32>, vector<16xi32> -> vector<16xf32>
        %mul3A_1399 = arith.mulf %exp3A_30, %gather3A_1398 : vector<16xf32>
        %broadcast_in_dim3A_1400 = vector.shape_cast %broadcast_in_dim3A_111 : vector<16xi32> to vector<16x1xi32>
        %gather3A_1401 = vector.shape_cast %broadcast_in_dim3A_1400 : vector<16x1xi32> to vector<16xi32>
        %gather3A_1402 = tpu.dynamic_gather %mul3A_1383[%gather3A_1401] in [0] : vector<16xf32>, vector<16xi32> -> vector<16xf32>
        %mul3A_1403 = arith.mulf %exp3A_36, %gather3A_1402 : vector<16xf32>
        %broadcast_in_dim3A_1404 = vector.shape_cast %broadcast_in_dim3A_113 : vector<16xi32> to vector<16x1xi32>
        %gather3A_1405 = vector.shape_cast %broadcast_in_dim3A_1404 : vector<16x1xi32> to vector<16xi32>
        %gather3A_1406 = tpu.dynamic_gather %mul3A_1383[%gather3A_1405] in [0] : vector<16xf32>, vector<16xi32> -> vector<16xf32>
        %mul3A_1407 = arith.mulf %exp3A_42, %gather3A_1406 : vector<16xf32>
        %broadcast_in_dim3A_1408 = vector.shape_cast %broadcast_in_dim3A_115 : vector<16xi32> to vector<16x1xi32>
        %gather3A_1409 = vector.shape_cast %broadcast_in_dim3A_1408 : vector<16x1xi32> to vector<16xi32>
        %gather3A_1410 = tpu.dynamic_gather %mul3A_1383[%gather3A_1409] in [0] : vector<16xf32>, vector<16xi32> -> vector<16xf32>
        %mul3A_1411 = arith.mulf %exp3A_48, %gather3A_1410 : vector<16xf32>
        %broadcast_in_dim3A_1412 = vector.shape_cast %broadcast_in_dim3A_117 : vector<16xi32> to vector<16x1xi32>
        %gather3A_1413 = vector.shape_cast %broadcast_in_dim3A_1412 : vector<16x1xi32> to vector<16xi32>
        %gather3A_1414 = tpu.dynamic_gather %mul3A_1383[%gather3A_1413] in [0] : vector<16xf32>, vector<16xi32> -> vector<16xf32>
        %mul3A_1415 = arith.mulf %exp3A_54, %gather3A_1414 : vector<16xf32>
        %broadcast_in_dim3A_1416 = vector.shape_cast %broadcast_in_dim3A_119 : vector<16xi32> to vector<16x1xi32>
        %gather3A_1417 = vector.shape_cast %broadcast_in_dim3A_1416 : vector<16x1xi32> to vector<16xi32>
        %gather3A_1418 = tpu.dynamic_gather %mul3A_1383[%gather3A_1417] in [0] : vector<16xf32>, vector<16xi32> -> vector<16xf32>
        %mul3A_1419 = arith.mulf %exp3A_60, %gather3A_1418 : vector<16xf32>
        %broadcast_in_dim3A_1420 = vector.shape_cast %broadcast_in_dim3A_121 : vector<16xi32> to vector<16x1xi32>
        %gather3A_1421 = vector.shape_cast %broadcast_in_dim3A_1420 : vector<16x1xi32> to vector<16xi32>
        %gather3A_1422 = tpu.dynamic_gather %mul3A_1383[%gather3A_1421] in [0] : vector<16xf32>, vector<16xi32> -> vector<16xf32>
        %mul3A_1423 = arith.mulf %exp3A_66, %gather3A_1422 : vector<16xf32>
        %broadcast_in_dim3A_1424 = vector.shape_cast %broadcast_in_dim3A_123 : vector<16xi32> to vector<16x1xi32>
        %gather3A_1425 = vector.shape_cast %broadcast_in_dim3A_1424 : vector<16x1xi32> to vector<16xi32>
        %gather3A_1426 = tpu.dynamic_gather %mul3A_1383[%gather3A_1425] in [0] : vector<16xf32>, vector<16xi32> -> vector<16xf32>
        %mul3A_1427 = arith.mulf %exp3A_72, %gather3A_1426 : vector<16xf32>
        %broadcast_in_dim3A_1428 = vector.shape_cast %broadcast_in_dim3A_125 : vector<16xi32> to vector<16x1xi32>
        %gather3A_1429 = vector.shape_cast %broadcast_in_dim3A_1428 : vector<16x1xi32> to vector<16xi32>
        %gather3A_1430 = tpu.dynamic_gather %mul3A_1383[%gather3A_1429] in [0] : vector<16xf32>, vector<16xi32> -> vector<16xf32>
        %mul3A_1431 = arith.mulf %exp3A_78, %gather3A_1430 : vector<16xf32>
        %broadcast_in_dim3A_1432 = vector.shape_cast %broadcast_in_dim3A_127 : vector<16xi32> to vector<16x1xi32>
        %gather3A_1433 = vector.shape_cast %broadcast_in_dim3A_1432 : vector<16x1xi32> to vector<16xi32>
        %gather3A_1434 = tpu.dynamic_gather %mul3A_1383[%gather3A_1433] in [0] : vector<16xf32>, vector<16xi32> -> vector<16xf32>
        %mul3A_1435 = arith.mulf %exp3A_84, %gather3A_1434 : vector<16xf32>
        %broadcast_in_dim3A_1436 = vector.shape_cast %broadcast_in_dim3A_129 : vector<16xi32> to vector<16x1xi32>
        %gather3A_1437 = vector.shape_cast %broadcast_in_dim3A_1436 : vector<16x1xi32> to vector<16xi32>
        %gather3A_1438 = tpu.dynamic_gather %mul3A_1383[%gather3A_1437] in [0] : vector<16xf32>, vector<16xi32> -> vector<16xf32>
        %mul3A_1439 = arith.mulf %exp3A_90, %gather3A_1438 : vector<16xf32>
        %broadcast_in_dim3A_1440 = vector.shape_cast %broadcast_in_dim3A_131 : vector<16xi32> to vector<16x1xi32>
        %gather3A_1441 = vector.shape_cast %broadcast_in_dim3A_1440 : vector<16x1xi32> to vector<16xi32>
        %gather3A_1442 = tpu.dynamic_gather %mul3A_1383[%gather3A_1441] in [0] : vector<16xf32>, vector<16xi32> -> vector<16xf32>
        %mul3A_1443 = arith.mulf %exp3A_96, %gather3A_1442 : vector<16xf32>
        %broadcast_in_dim3A_1444 = vector.shape_cast %broadcast_in_dim3A_133 : vector<16xi32> to vector<16x1xi32>
        %gather3A_1445 = vector.shape_cast %broadcast_in_dim3A_1444 : vector<16x1xi32> to vector<16xi32>
        %gather3A_1446 = tpu.dynamic_gather %mul3A_1383[%gather3A_1445] in [0] : vector<16xf32>, vector<16xi32> -> vector<16xf32>
        %mul3A_1447 = arith.mulf %exp3A_102, %gather3A_1446 : vector<16xf32>
        %add3A_1448 = arith.addf %mul3A_1387, %mul3A_1391 : vector<16xf32>
        %add3A_1449 = arith.addf %mul3A_1395, %mul3A_1399 : vector<16xf32>
        %add3A_1450 = arith.addf %mul3A_1403, %mul3A_1407 : vector<16xf32>
        %add3A_1451 = arith.addf %mul3A_1411, %mul3A_1415 : vector<16xf32>
        %add3A_1452 = arith.addf %mul3A_1419, %mul3A_1423 : vector<16xf32>
        %add3A_1453 = arith.addf %mul3A_1427, %mul3A_1431 : vector<16xf32>
        %add3A_1454 = arith.addf %mul3A_1435, %mul3A_1439 : vector<16xf32>
        %add3A_1455 = arith.addf %mul3A_1443, %mul3A_1447 : vector<16xf32>
        %add3A_1456 = arith.addf %add3A_1448, %add3A_1449 : vector<16xf32>
        %add3A_1457 = arith.addf %add3A_1450, %add3A_1451 : vector<16xf32>
        %add3A_1458 = arith.addf %add3A_1452, %add3A_1453 : vector<16xf32>
        %add3A_1459 = arith.addf %add3A_1454, %add3A_1455 : vector<16xf32>
        %add3A_1460 = arith.addf %add3A_1456, %add3A_1457 : vector<16xf32>
        %add3A_1461 = arith.addf %add3A_1458, %add3A_1459 : vector<16xf32>
        %add3A_1462 = arith.addf %add3A_1460, %add3A_1461 : vector<16xf32>
        %get3A_1463 = arith.index_cast %scan3A_1129 : i32 to index
        %get3A_1464 = arith.constant 48 : index
        %get3A_1465 = tpu.vector_load %arg6[%get3A_1463, %get3A_1464] {strides = array<i32>} : memref<256x128xf32, #tpu.memory_space<vmem>>, vector<1x16xf32>,
        %get3A_1466 = vector.shape_cast %get3A_1465 : vector<1x16xf32> to vector<16xf32>
        %mul3A_1467 = arith.mulf %add3A_1462, %get3A_1466 : vector<16xf32>
        %broadcast_in_dim3A_1468 = vector.shape_cast %xor3A_135 : vector<16xi32> to vector<16x1xi32>
        %gather3A_1469 = vector.shape_cast %broadcast_in_dim3A_1468 : vector<16x1xi32> to vector<16xi32>
        %gather3A_1470 = tpu.dynamic_gather %mul3A_1467[%gather3A_1469] in [0] : vector<16xf32>, vector<16xi32> -> vector<16xf32>
        %add3A_1471 = arith.addf %mul3A_1467, %gather3A_1470 : vector<16xf32>
        %broadcast_in_dim3A_1472 = vector.shape_cast %xor3A_138 : vector<16xi32> to vector<16x1xi32>
        %gather3A_1473 = vector.shape_cast %broadcast_in_dim3A_1472 : vector<16x1xi32> to vector<16xi32>
        %gather3A_1474 = tpu.dynamic_gather %add3A_1471[%gather3A_1473] in [0] : vector<16xf32>, vector<16xi32> -> vector<16xf32>
        %add3A_1475 = arith.addf %add3A_1471, %gather3A_1474 : vector<16xf32>
        %broadcast_in_dim3A_1476 = vector.shape_cast %xor3A_141 : vector<16xi32> to vector<16x1xi32>
        %gather3A_1477 = vector.shape_cast %broadcast_in_dim3A_1476 : vector<16x1xi32> to vector<16xi32>
        %gather3A_1478 = tpu.dynamic_gather %add3A_1475[%gather3A_1477] in [0] : vector<16xf32>, vector<16xi32> -> vector<16xf32>
        %add3A_1479 = arith.addf %add3A_1475, %gather3A_1478 : vector<16xf32>
        %broadcast_in_dim3A_1480 = vector.shape_cast %xor3A_144 : vector<16xi32> to vector<16x1xi32>
        %gather3A_1481 = vector.shape_cast %broadcast_in_dim3A_1480 : vector<16x1xi32> to vector<16xi32>
        %gather3A_1482 = tpu.dynamic_gather %add3A_1479[%gather3A_1481] in [0] : vector<16xf32>, vector<16xi32> -> vector<16xf32>
        %add3A_1483 = arith.addf %add3A_1479, %gather3A_1482 : vector<16xf32>
        %broadcast_in_dim3A_1484 = arith.constant 1.000000e+00 : f32
        %broadcast_in_dim3A_1485 = vector.broadcast %broadcast_in_dim3A_1484 : f32 to vector<16xf32>
        %broadcast_in_dim3A_1486 = arith.constant 0.000000e+00 : f32
        %broadcast_in_dim3A_1487 = vector.broadcast %broadcast_in_dim3A_1486 : f32 to vector<16xf32>
        %mul3A_1488 = arith.mulf %add3A_1483, %broadcast_in_dim3A_1485 : vector<16xf32>
        %lt3A_1489 = arith.constant 5.42101086E-20 : f32
        %lt3A_1490 = vector.broadcast %lt3A_1489 : f32 to vector<16xf32>
        %lt3A_1491 = arith.cmpf olt, %mul3A_1488, %lt3A_1490 : vector<16xf32>
        %mul3A_1492 = arith.constant 1.84467441E+19 : f32
        %mul3A_1493 = vector.broadcast %mul3A_1492 : f32 to vector<16xf32>
        %mul3A_1494 = arith.mulf %broadcast_in_dim3A_1485, %mul3A_1493 : vector<16xf32>
        %select_n3A_1495 = arith.select %lt3A_1491, %mul3A_1494, %broadcast_in_dim3A_1485 : vector<16xi1>, vector<16xf32>
        %add3A_1496 = arith.constant 6.400000e+01 : f32
        %add3A_1497 = vector.broadcast %add3A_1496 : f32 to vector<16xf32>
        %add3A_1498 = arith.addf %broadcast_in_dim3A_1487, %add3A_1497 : vector<16xf32>
        %select_n3A_1499 = arith.select %lt3A_1491, %add3A_1498, %broadcast_in_dim3A_1487 : vector<16xi1>, vector<16xf32>
        %mul3A_1500 = arith.mulf %add3A_1483, %select_n3A_1495 : vector<16xf32>
        %lt3A_1501 = arith.constant 2.32830644E-10 : f32
        %lt3A_1502 = vector.broadcast %lt3A_1501 : f32 to vector<16xf32>
        %lt3A_1503 = arith.cmpf olt, %mul3A_1500, %lt3A_1502 : vector<16xf32>
        %mul3A_1504 = arith.constant 4.2949673E+9 : f32
        %mul3A_1505 = vector.broadcast %mul3A_1504 : f32 to vector<16xf32>
        %mul3A_1506 = arith.mulf %select_n3A_1495, %mul3A_1505 : vector<16xf32>
        %select_n3A_1507 = arith.select %lt3A_1503, %mul3A_1506, %select_n3A_1495 : vector<16xi1>, vector<16xf32>
        %add3A_1508 = arith.constant 3.200000e+01 : f32
        %add3A_1509 = vector.broadcast %add3A_1508 : f32 to vector<16xf32>
        %add3A_1510 = arith.addf %select_n3A_1499, %add3A_1509 : vector<16xf32>
        %select_n3A_1511 = arith.select %lt3A_1503, %add3A_1510, %select_n3A_1499 : vector<16xi1>, vector<16xf32>
        %mul3A_1512 = arith.mulf %add3A_1483, %select_n3A_1507 : vector<16xf32>
        %lt3A_1513 = arith.constant 1.52587891E-5 : f32
        %lt3A_1514 = vector.broadcast %lt3A_1513 : f32 to vector<16xf32>
        %lt3A_1515 = arith.cmpf olt, %mul3A_1512, %lt3A_1514 : vector<16xf32>
        %mul3A_1516 = arith.constant 6.553600e+04 : f32
        %mul3A_1517 = vector.broadcast %mul3A_1516 : f32 to vector<16xf32>
        %mul3A_1518 = arith.mulf %select_n3A_1507, %mul3A_1517 : vector<16xf32>
        %select_n3A_1519 = arith.select %lt3A_1515, %mul3A_1518, %select_n3A_1507 : vector<16xi1>, vector<16xf32>
        %add3A_1520 = arith.constant 1.600000e+01 : f32
        %add3A_1521 = vector.broadcast %add3A_1520 : f32 to vector<16xf32>
        %add3A_1522 = arith.addf %select_n3A_1511, %add3A_1521 : vector<16xf32>
        %select_n3A_1523 = arith.select %lt3A_1515, %add3A_1522, %select_n3A_1511 : vector<16xi1>, vector<16xf32>
        %mul3A_1524 = arith.mulf %add3A_1483, %select_n3A_1519 : vector<16xf32>
        %lt3A_1525 = arith.constant 3.906250e-03 : f32
        %lt3A_1526 = vector.broadcast %lt3A_1525 : f32 to vector<16xf32>
        %lt3A_1527 = arith.cmpf olt, %mul3A_1524, %lt3A_1526 : vector<16xf32>
        %mul3A_1528 = arith.constant 2.560000e+02 : f32
        %mul3A_1529 = vector.broadcast %mul3A_1528 : f32 to vector<16xf32>
        %mul3A_1530 = arith.mulf %select_n3A_1519, %mul3A_1529 : vector<16xf32>
        %select_n3A_1531 = arith.select %lt3A_1527, %mul3A_1530, %select_n3A_1519 : vector<16xi1>, vector<16xf32>
        %add3A_1532 = arith.constant 8.000000e+00 : f32
        %add3A_1533 = vector.broadcast %add3A_1532 : f32 to vector<16xf32>
        %add3A_1534 = arith.addf %select_n3A_1523, %add3A_1533 : vector<16xf32>
        %select_n3A_1535 = arith.select %lt3A_1527, %add3A_1534, %select_n3A_1523 : vector<16xi1>, vector<16xf32>
        %mul3A_1536 = arith.mulf %add3A_1483, %select_n3A_1531 : vector<16xf32>
        %lt3A_1537 = arith.constant 6.250000e-02 : f32
        %lt3A_1538 = vector.broadcast %lt3A_1537 : f32 to vector<16xf32>
        %lt3A_1539 = arith.cmpf olt, %mul3A_1536, %lt3A_1538 : vector<16xf32>
        %mul3A_1540 = arith.constant 1.600000e+01 : f32
        %mul3A_1541 = vector.broadcast %mul3A_1540 : f32 to vector<16xf32>
        %mul3A_1542 = arith.mulf %select_n3A_1531, %mul3A_1541 : vector<16xf32>
        %select_n3A_1543 = arith.select %lt3A_1539, %mul3A_1542, %select_n3A_1531 : vector<16xi1>, vector<16xf32>
        %add3A_1544 = arith.constant 4.000000e+00 : f32
        %add3A_1545 = vector.broadcast %add3A_1544 : f32 to vector<16xf32>
        %add3A_1546 = arith.addf %select_n3A_1535, %add3A_1545 : vector<16xf32>
        %select_n3A_1547 = arith.select %lt3A_1539, %add3A_1546, %select_n3A_1535 : vector<16xi1>, vector<16xf32>
        %mul3A_1548 = arith.mulf %add3A_1483, %select_n3A_1543 : vector<16xf32>
        %lt3A_1549 = arith.constant 2.500000e-01 : f32
        %lt3A_1550 = vector.broadcast %lt3A_1549 : f32 to vector<16xf32>
        %lt3A_1551 = arith.cmpf olt, %mul3A_1548, %lt3A_1550 : vector<16xf32>
        %mul3A_1552 = arith.constant 4.000000e+00 : f32
        %mul3A_1553 = vector.broadcast %mul3A_1552 : f32 to vector<16xf32>
        %mul3A_1554 = arith.mulf %select_n3A_1543, %mul3A_1553 : vector<16xf32>
        %select_n3A_1555 = arith.select %lt3A_1551, %mul3A_1554, %select_n3A_1543 : vector<16xi1>, vector<16xf32>
        %add3A_1556 = arith.constant 2.000000e+00 : f32
        %add3A_1557 = vector.broadcast %add3A_1556 : f32 to vector<16xf32>
        %add3A_1558 = arith.addf %select_n3A_1547, %add3A_1557 : vector<16xf32>
        %select_n3A_1559 = arith.select %lt3A_1551, %add3A_1558, %select_n3A_1547 : vector<16xi1>, vector<16xf32>
        %mul3A_1560 = arith.mulf %add3A_1483, %select_n3A_1555 : vector<16xf32>
        %lt3A_1561 = arith.constant 5.000000e-01 : f32
        %lt3A_1562 = vector.broadcast %lt3A_1561 : f32 to vector<16xf32>
        %lt3A_1563 = arith.cmpf olt, %mul3A_1560, %lt3A_1562 : vector<16xf32>
        %mul3A_1564 = arith.constant 2.000000e+00 : f32
        %mul3A_1565 = vector.broadcast %mul3A_1564 : f32 to vector<16xf32>
        %mul3A_1566 = arith.mulf %select_n3A_1555, %mul3A_1565 : vector<16xf32>
        %select_n3A_1567 = arith.select %lt3A_1563, %mul3A_1566, %select_n3A_1555 : vector<16xi1>, vector<16xf32>
        %add3A_1568 = arith.constant 1.000000e+00 : f32
        %add3A_1569 = vector.broadcast %add3A_1568 : f32 to vector<16xf32>
        %add3A_1570 = arith.addf %select_n3A_1559, %add3A_1569 : vector<16xf32>
        %select_n3A_1571 = arith.select %lt3A_1563, %add3A_1570, %select_n3A_1559 : vector<16xi1>, vector<16xf32>
        %mul3A_1572 = arith.mulf %mul3A_1467, %select_n3A_1567 : vector<16xf32>
        %sub3A_1573 = arith.subf %scan3A_1131, %select_n3A_1571 : vector<16xf32>
        %broadcast_in_dim3A_1574 = vector.shape_cast %broadcast_in_dim3A_103 : vector<16xi32> to vector<16x1xi32>
        %gather3A_1575 = vector.shape_cast %broadcast_in_dim3A_1574 : vector<16x1xi32> to vector<16xi32>
        %gather3A_1576 = tpu.dynamic_gather %mul3A_1572[%gather3A_1575] in [0] : vector<16xf32>, vector<16xi32> -> vector<16xf32>
        %mul3A_1577 = arith.mulf %exp3A_12, %gather3A_1576 : vector<16xf32>
        %broadcast_in_dim3A_1578 = vector.shape_cast %broadcast_in_dim3A_105 : vector<16xi32> to vector<16x1xi32>
        %gather3A_1579 = vector.shape_cast %broadcast_in_dim3A_1578 : vector<16x1xi32> to vector<16xi32>
        %gather3A_1580 = tpu.dynamic_gather %mul3A_1572[%gather3A_1579] in [0] : vector<16xf32>, vector<16xi32> -> vector<16xf32>
        %mul3A_1581 = arith.mulf %exp3A_18, %gather3A_1580 : vector<16xf32>
        %broadcast_in_dim3A_1582 = vector.shape_cast %broadcast_in_dim3A_107 : vector<16xi32> to vector<16x1xi32>
        %gather3A_1583 = vector.shape_cast %broadcast_in_dim3A_1582 : vector<16x1xi32> to vector<16xi32>
        %gather3A_1584 = tpu.dynamic_gather %mul3A_1572[%gather3A_1583] in [0] : vector<16xf32>, vector<16xi32> -> vector<16xf32>
        %mul3A_1585 = arith.mulf %exp3A_24, %gather3A_1584 : vector<16xf32>
        %broadcast_in_dim3A_1586 = vector.shape_cast %broadcast_in_dim3A_109 : vector<16xi32> to vector<16x1xi32>
        %gather3A_1587 = vector.shape_cast %broadcast_in_dim3A_1586 : vector<16x1xi32> to vector<16xi32>
        %gather3A_1588 = tpu.dynamic_gather %mul3A_1572[%gather3A_1587] in [0] : vector<16xf32>, vector<16xi32> -> vector<16xf32>
        %mul3A_1589 = arith.mulf %exp3A_30, %gather3A_1588 : vector<16xf32>
        %broadcast_in_dim3A_1590 = vector.shape_cast %broadcast_in_dim3A_111 : vector<16xi32> to vector<16x1xi32>
        %gather3A_1591 = vector.shape_cast %broadcast_in_dim3A_1590 : vector<16x1xi32> to vector<16xi32>
        %gather3A_1592 = tpu.dynamic_gather %mul3A_1572[%gather3A_1591] in [0] : vector<16xf32>, vector<16xi32> -> vector<16xf32>
        %mul3A_1593 = arith.mulf %exp3A_36, %gather3A_1592 : vector<16xf32>
        %broadcast_in_dim3A_1594 = vector.shape_cast %broadcast_in_dim3A_113 : vector<16xi32> to vector<16x1xi32>
        %gather3A_1595 = vector.shape_cast %broadcast_in_dim3A_1594 : vector<16x1xi32> to vector<16xi32>
        %gather3A_1596 = tpu.dynamic_gather %mul3A_1572[%gather3A_1595] in [0] : vector<16xf32>, vector<16xi32> -> vector<16xf32>
        %mul3A_1597 = arith.mulf %exp3A_42, %gather3A_1596 : vector<16xf32>
        %broadcast_in_dim3A_1598 = vector.shape_cast %broadcast_in_dim3A_115 : vector<16xi32> to vector<16x1xi32>
        %gather3A_1599 = vector.shape_cast %broadcast_in_dim3A_1598 : vector<16x1xi32> to vector<16xi32>
        %gather3A_1600 = tpu.dynamic_gather %mul3A_1572[%gather3A_1599] in [0] : vector<16xf32>, vector<16xi32> -> vector<16xf32>
        %mul3A_1601 = arith.mulf %exp3A_48, %gather3A_1600 : vector<16xf32>
        %broadcast_in_dim3A_1602 = vector.shape_cast %broadcast_in_dim3A_117 : vector<16xi32> to vector<16x1xi32>
        %gather3A_1603 = vector.shape_cast %broadcast_in_dim3A_1602 : vector<16x1xi32> to vector<16xi32>
        %gather3A_1604 = tpu.dynamic_gather %mul3A_1572[%gather3A_1603] in [0] : vector<16xf32>, vector<16xi32> -> vector<16xf32>
        %mul3A_1605 = arith.mulf %exp3A_54, %gather3A_1604 : vector<16xf32>
        %broadcast_in_dim3A_1606 = vector.shape_cast %broadcast_in_dim3A_119 : vector<16xi32> to vector<16x1xi32>
        %gather3A_1607 = vector.shape_cast %broadcast_in_dim3A_1606 : vector<16x1xi32> to vector<16xi32>
        %gather3A_1608 = tpu.dynamic_gather %mul3A_1572[%gather3A_1607] in [0] : vector<16xf32>, vector<16xi32> -> vector<16xf32>
        %mul3A_1609 = arith.mulf %exp3A_60, %gather3A_1608 : vector<16xf32>
        %broadcast_in_dim3A_1610 = vector.shape_cast %broadcast_in_dim3A_121 : vector<16xi32> to vector<16x1xi32>
        %gather3A_1611 = vector.shape_cast %broadcast_in_dim3A_1610 : vector<16x1xi32> to vector<16xi32>
        %gather3A_1612 = tpu.dynamic_gather %mul3A_1572[%gather3A_1611] in [0] : vector<16xf32>, vector<16xi32> -> vector<16xf32>
        %mul3A_1613 = arith.mulf %exp3A_66, %gather3A_1612 : vector<16xf32>
        %broadcast_in_dim3A_1614 = vector.shape_cast %broadcast_in_dim3A_123 : vector<16xi32> to vector<16x1xi32>
        %gather3A_1615 = vector.shape_cast %broadcast_in_dim3A_1614 : vector<16x1xi32> to vector<16xi32>
        %gather3A_1616 = tpu.dynamic_gather %mul3A_1572[%gather3A_1615] in [0] : vector<16xf32>, vector<16xi32> -> vector<16xf32>
        %mul3A_1617 = arith.mulf %exp3A_72, %gather3A_1616 : vector<16xf32>
        %broadcast_in_dim3A_1618 = vector.shape_cast %broadcast_in_dim3A_125 : vector<16xi32> to vector<16x1xi32>
        %gather3A_1619 = vector.shape_cast %broadcast_in_dim3A_1618 : vector<16x1xi32> to vector<16xi32>
        %gather3A_1620 = tpu.dynamic_gather %mul3A_1572[%gather3A_1619] in [0] : vector<16xf32>, vector<16xi32> -> vector<16xf32>
        %mul3A_1621 = arith.mulf %exp3A_78, %gather3A_1620 : vector<16xf32>
        %broadcast_in_dim3A_1622 = vector.shape_cast %broadcast_in_dim3A_127 : vector<16xi32> to vector<16x1xi32>
        %gather3A_1623 = vector.shape_cast %broadcast_in_dim3A_1622 : vector<16x1xi32> to vector<16xi32>
        %gather3A_1624 = tpu.dynamic_gather %mul3A_1572[%gather3A_1623] in [0] : vector<16xf32>, vector<16xi32> -> vector<16xf32>
        %mul3A_1625 = arith.mulf %exp3A_84, %gather3A_1624 : vector<16xf32>
        %broadcast_in_dim3A_1626 = vector.shape_cast %broadcast_in_dim3A_129 : vector<16xi32> to vector<16x1xi32>
        %gather3A_1627 = vector.shape_cast %broadcast_in_dim3A_1626 : vector<16x1xi32> to vector<16xi32>
        %gather3A_1628 = tpu.dynamic_gather %mul3A_1572[%gather3A_1627] in [0] : vector<16xf32>, vector<16xi32> -> vector<16xf32>
        %mul3A_1629 = arith.mulf %exp3A_90, %gather3A_1628 : vector<16xf32>
        %broadcast_in_dim3A_1630 = vector.shape_cast %broadcast_in_dim3A_131 : vector<16xi32> to vector<16x1xi32>
        %gather3A_1631 = vector.shape_cast %broadcast_in_dim3A_1630 : vector<16x1xi32> to vector<16xi32>
        %gather3A_1632 = tpu.dynamic_gather %mul3A_1572[%gather3A_1631] in [0] : vector<16xf32>, vector<16xi32> -> vector<16xf32>
        %mul3A_1633 = arith.mulf %exp3A_96, %gather3A_1632 : vector<16xf32>
        %broadcast_in_dim3A_1634 = vector.shape_cast %broadcast_in_dim3A_133 : vector<16xi32> to vector<16x1xi32>
        %gather3A_1635 = vector.shape_cast %broadcast_in_dim3A_1634 : vector<16x1xi32> to vector<16xi32>
        %gather3A_1636 = tpu.dynamic_gather %mul3A_1572[%gather3A_1635] in [0] : vector<16xf32>, vector<16xi32> -> vector<16xf32>
        %mul3A_1637 = arith.mulf %exp3A_102, %gather3A_1636 : vector<16xf32>
        %add3A_1638 = arith.addf %mul3A_1577, %mul3A_1581 : vector<16xf32>
        %add3A_1639 = arith.addf %mul3A_1585, %mul3A_1589 : vector<16xf32>
        %add3A_1640 = arith.addf %mul3A_1593, %mul3A_1597 : vector<16xf32>
        %add3A_1641 = arith.addf %mul3A_1601, %mul3A_1605 : vector<16xf32>
        %add3A_1642 = arith.addf %mul3A_1609, %mul3A_1613 : vector<16xf32>
        %add3A_1643 = arith.addf %mul3A_1617, %mul3A_1621 : vector<16xf32>
        %add3A_1644 = arith.addf %mul3A_1625, %mul3A_1629 : vector<16xf32>
        %add3A_1645 = arith.addf %mul3A_1633, %mul3A_1637 : vector<16xf32>
        %add3A_1646 = arith.addf %add3A_1638, %add3A_1639 : vector<16xf32>
        %add3A_1647 = arith.addf %add3A_1640, %add3A_1641 : vector<16xf32>
        %add3A_1648 = arith.addf %add3A_1642, %add3A_1643 : vector<16xf32>
        %add3A_1649 = arith.addf %add3A_1644, %add3A_1645 : vector<16xf32>
        %add3A_1650 = arith.addf %add3A_1646, %add3A_1647 : vector<16xf32>
        %add3A_1651 = arith.addf %add3A_1648, %add3A_1649 : vector<16xf32>
        %add3A_1652 = arith.addf %add3A_1650, %add3A_1651 : vector<16xf32>
        %get3A_1653 = arith.index_cast %scan3A_1129 : i32 to index
        %get3A_1654 = arith.constant 64 : index
        %get3A_1655 = tpu.vector_load %arg6[%get3A_1653, %get3A_1654] {strides = array<i32>} : memref<256x128xf32, #tpu.memory_space<vmem>>, vector<1x16xf32>,
        %get3A_1656 = vector.shape_cast %get3A_1655 : vector<1x16xf32> to vector<16xf32>
        %mul3A_1657 = arith.mulf %add3A_1652, %get3A_1656 : vector<16xf32>
        %broadcast_in_dim3A_1658 = vector.shape_cast %broadcast_in_dim3A_103 : vector<16xi32> to vector<16x1xi32>
        %gather3A_1659 = vector.shape_cast %broadcast_in_dim3A_1658 : vector<16x1xi32> to vector<16xi32>
        %gather3A_1660 = tpu.dynamic_gather %mul3A_1657[%gather3A_1659] in [0] : vector<16xf32>, vector<16xi32> -> vector<16xf32>
        %mul3A_1661 = arith.mulf %exp3A_12, %gather3A_1660 : vector<16xf32>
        %broadcast_in_dim3A_1662 = vector.shape_cast %broadcast_in_dim3A_105 : vector<16xi32> to vector<16x1xi32>
        %gather3A_1663 = vector.shape_cast %broadcast_in_dim3A_1662 : vector<16x1xi32> to vector<16xi32>
        %gather3A_1664 = tpu.dynamic_gather %mul3A_1657[%gather3A_1663] in [0] : vector<16xf32>, vector<16xi32> -> vector<16xf32>
        %mul3A_1665 = arith.mulf %exp3A_18, %gather3A_1664 : vector<16xf32>
        %broadcast_in_dim3A_1666 = vector.shape_cast %broadcast_in_dim3A_107 : vector<16xi32> to vector<16x1xi32>
        %gather3A_1667 = vector.shape_cast %broadcast_in_dim3A_1666 : vector<16x1xi32> to vector<16xi32>
        %gather3A_1668 = tpu.dynamic_gather %mul3A_1657[%gather3A_1667] in [0] : vector<16xf32>, vector<16xi32> -> vector<16xf32>
        %mul3A_1669 = arith.mulf %exp3A_24, %gather3A_1668 : vector<16xf32>
        %broadcast_in_dim3A_1670 = vector.shape_cast %broadcast_in_dim3A_109 : vector<16xi32> to vector<16x1xi32>
        %gather3A_1671 = vector.shape_cast %broadcast_in_dim3A_1670 : vector<16x1xi32> to vector<16xi32>
        %gather3A_1672 = tpu.dynamic_gather %mul3A_1657[%gather3A_1671] in [0] : vector<16xf32>, vector<16xi32> -> vector<16xf32>
        %mul3A_1673 = arith.mulf %exp3A_30, %gather3A_1672 : vector<16xf32>
        %broadcast_in_dim3A_1674 = vector.shape_cast %broadcast_in_dim3A_111 : vector<16xi32> to vector<16x1xi32>
        %gather3A_1675 = vector.shape_cast %broadcast_in_dim3A_1674 : vector<16x1xi32> to vector<16xi32>
        %gather3A_1676 = tpu.dynamic_gather %mul3A_1657[%gather3A_1675] in [0] : vector<16xf32>, vector<16xi32> -> vector<16xf32>
        %mul3A_1677 = arith.mulf %exp3A_36, %gather3A_1676 : vector<16xf32>
        %broadcast_in_dim3A_1678 = vector.shape_cast %broadcast_in_dim3A_113 : vector<16xi32> to vector<16x1xi32>
        %gather3A_1679 = vector.shape_cast %broadcast_in_dim3A_1678 : vector<16x1xi32> to vector<16xi32>
        %gather3A_1680 = tpu.dynamic_gather %mul3A_1657[%gather3A_1679] in [0] : vector<16xf32>, vector<16xi32> -> vector<16xf32>
        %mul3A_1681 = arith.mulf %exp3A_42, %gather3A_1680 : vector<16xf32>
        %broadcast_in_dim3A_1682 = vector.shape_cast %broadcast_in_dim3A_115 : vector<16xi32> to vector<16x1xi32>
        %gather3A_1683 = vector.shape_cast %broadcast_in_dim3A_1682 : vector<16x1xi32> to vector<16xi32>
        %gather3A_1684 = tpu.dynamic_gather %mul3A_1657[%gather3A_1683] in [0] : vector<16xf32>, vector<16xi32> -> vector<16xf32>
        %mul3A_1685 = arith.mulf %exp3A_48, %gather3A_1684 : vector<16xf32>
        %broadcast_in_dim3A_1686 = vector.shape_cast %broadcast_in_dim3A_117 : vector<16xi32> to vector<16x1xi32>
        %gather3A_1687 = vector.shape_cast %broadcast_in_dim3A_1686 : vector<16x1xi32> to vector<16xi32>
        %gather3A_1688 = tpu.dynamic_gather %mul3A_1657[%gather3A_1687] in [0] : vector<16xf32>, vector<16xi32> -> vector<16xf32>
        %mul3A_1689 = arith.mulf %exp3A_54, %gather3A_1688 : vector<16xf32>
        %broadcast_in_dim3A_1690 = vector.shape_cast %broadcast_in_dim3A_119 : vector<16xi32> to vector<16x1xi32>
        %gather3A_1691 = vector.shape_cast %broadcast_in_dim3A_1690 : vector<16x1xi32> to vector<16xi32>
        %gather3A_1692 = tpu.dynamic_gather %mul3A_1657[%gather3A_1691] in [0] : vector<16xf32>, vector<16xi32> -> vector<16xf32>
        %mul3A_1693 = arith.mulf %exp3A_60, %gather3A_1692 : vector<16xf32>
        %broadcast_in_dim3A_1694 = vector.shape_cast %broadcast_in_dim3A_121 : vector<16xi32> to vector<16x1xi32>
        %gather3A_1695 = vector.shape_cast %broadcast_in_dim3A_1694 : vector<16x1xi32> to vector<16xi32>
        %gather3A_1696 = tpu.dynamic_gather %mul3A_1657[%gather3A_1695] in [0] : vector<16xf32>, vector<16xi32> -> vector<16xf32>
        %mul3A_1697 = arith.mulf %exp3A_66, %gather3A_1696 : vector<16xf32>
        %broadcast_in_dim3A_1698 = vector.shape_cast %broadcast_in_dim3A_123 : vector<16xi32> to vector<16x1xi32>
        %gather3A_1699 = vector.shape_cast %broadcast_in_dim3A_1698 : vector<16x1xi32> to vector<16xi32>
        %gather3A_1700 = tpu.dynamic_gather %mul3A_1657[%gather3A_1699] in [0] : vector<16xf32>, vector<16xi32> -> vector<16xf32>
        %mul3A_1701 = arith.mulf %exp3A_72, %gather3A_1700 : vector<16xf32>
        %broadcast_in_dim3A_1702 = vector.shape_cast %broadcast_in_dim3A_125 : vector<16xi32> to vector<16x1xi32>
        %gather3A_1703 = vector.shape_cast %broadcast_in_dim3A_1702 : vector<16x1xi32> to vector<16xi32>
        %gather3A_1704 = tpu.dynamic_gather %mul3A_1657[%gather3A_1703] in [0] : vector<16xf32>, vector<16xi32> -> vector<16xf32>
        %mul3A_1705 = arith.mulf %exp3A_78, %gather3A_1704 : vector<16xf32>
        %broadcast_in_dim3A_1706 = vector.shape_cast %broadcast_in_dim3A_127 : vector<16xi32> to vector<16x1xi32>
        %gather3A_1707 = vector.shape_cast %broadcast_in_dim3A_1706 : vector<16x1xi32> to vector<16xi32>
        %gather3A_1708 = tpu.dynamic_gather %mul3A_1657[%gather3A_1707] in [0] : vector<16xf32>, vector<16xi32> -> vector<16xf32>
        %mul3A_1709 = arith.mulf %exp3A_84, %gather3A_1708 : vector<16xf32>
        %broadcast_in_dim3A_1710 = vector.shape_cast %broadcast_in_dim3A_129 : vector<16xi32> to vector<16x1xi32>
        %gather3A_1711 = vector.shape_cast %broadcast_in_dim3A_1710 : vector<16x1xi32> to vector<16xi32>
        %gather3A_1712 = tpu.dynamic_gather %mul3A_1657[%gather3A_1711] in [0] : vector<16xf32>, vector<16xi32> -> vector<16xf32>
        %mul3A_1713 = arith.mulf %exp3A_90, %gather3A_1712 : vector<16xf32>
        %broadcast_in_dim3A_1714 = vector.shape_cast %broadcast_in_dim3A_131 : vector<16xi32> to vector<16x1xi32>
        %gather3A_1715 = vector.shape_cast %broadcast_in_dim3A_1714 : vector<16x1xi32> to vector<16xi32>
        %gather3A_1716 = tpu.dynamic_gather %mul3A_1657[%gather3A_1715] in [0] : vector<16xf32>, vector<16xi32> -> vector<16xf32>
        %mul3A_1717 = arith.mulf %exp3A_96, %gather3A_1716 : vector<16xf32>
        %broadcast_in_dim3A_1718 = vector.shape_cast %broadcast_in_dim3A_133 : vector<16xi32> to vector<16x1xi32>
        %gather3A_1719 = vector.shape_cast %broadcast_in_dim3A_1718 : vector<16x1xi32> to vector<16xi32>
        %gather3A_1720 = tpu.dynamic_gather %mul3A_1657[%gather3A_1719] in [0] : vector<16xf32>, vector<16xi32> -> vector<16xf32>
        %mul3A_1721 = arith.mulf %exp3A_102, %gather3A_1720 : vector<16xf32>
        %add3A_1722 = arith.addf %mul3A_1661, %mul3A_1665 : vector<16xf32>
        %add3A_1723 = arith.addf %mul3A_1669, %mul3A_1673 : vector<16xf32>
        %add3A_1724 = arith.addf %mul3A_1677, %mul3A_1681 : vector<16xf32>
        %add3A_1725 = arith.addf %mul3A_1685, %mul3A_1689 : vector<16xf32>
        %add3A_1726 = arith.addf %mul3A_1693, %mul3A_1697 : vector<16xf32>
        %add3A_1727 = arith.addf %mul3A_1701, %mul3A_1705 : vector<16xf32>
        %add3A_1728 = arith.addf %mul3A_1709, %mul3A_1713 : vector<16xf32>
        %add3A_1729 = arith.addf %mul3A_1717, %mul3A_1721 : vector<16xf32>
        %add3A_1730 = arith.addf %add3A_1722, %add3A_1723 : vector<16xf32>
        %add3A_1731 = arith.addf %add3A_1724, %add3A_1725 : vector<16xf32>
        %add3A_1732 = arith.addf %add3A_1726, %add3A_1727 : vector<16xf32>
        %add3A_1733 = arith.addf %add3A_1728, %add3A_1729 : vector<16xf32>
        %add3A_1734 = arith.addf %add3A_1730, %add3A_1731 : vector<16xf32>
        %add3A_1735 = arith.addf %add3A_1732, %add3A_1733 : vector<16xf32>
        %add3A_1736 = arith.addf %add3A_1734, %add3A_1735 : vector<16xf32>
        %get3A_1737 = arith.index_cast %scan3A_1129 : i32 to index
        %get3A_1738 = arith.constant 80 : index
        %get3A_1739 = tpu.vector_load %arg6[%get3A_1737, %get3A_1738] {strides = array<i32>} : memref<256x128xf32, #tpu.memory_space<vmem>>, vector<1x16xf32>,
        %get3A_1740 = vector.shape_cast %get3A_1739 : vector<1x16xf32> to vector<16xf32>
        %mul3A_1741 = arith.mulf %add3A_1736, %get3A_1740 : vector<16xf32>
        %broadcast_in_dim3A_1742 = vector.shape_cast %broadcast_in_dim3A_103 : vector<16xi32> to vector<16x1xi32>
        %gather3A_1743 = vector.shape_cast %broadcast_in_dim3A_1742 : vector<16x1xi32> to vector<16xi32>
        %gather3A_1744 = tpu.dynamic_gather %mul3A_1741[%gather3A_1743] in [0] : vector<16xf32>, vector<16xi32> -> vector<16xf32>
        %mul3A_1745 = arith.mulf %exp3A_12, %gather3A_1744 : vector<16xf32>
        %broadcast_in_dim3A_1746 = vector.shape_cast %broadcast_in_dim3A_105 : vector<16xi32> to vector<16x1xi32>
        %gather3A_1747 = vector.shape_cast %broadcast_in_dim3A_1746 : vector<16x1xi32> to vector<16xi32>
        %gather3A_1748 = tpu.dynamic_gather %mul3A_1741[%gather3A_1747] in [0] : vector<16xf32>, vector<16xi32> -> vector<16xf32>
        %mul3A_1749 = arith.mulf %exp3A_18, %gather3A_1748 : vector<16xf32>
        %broadcast_in_dim3A_1750 = vector.shape_cast %broadcast_in_dim3A_107 : vector<16xi32> to vector<16x1xi32>
        %gather3A_1751 = vector.shape_cast %broadcast_in_dim3A_1750 : vector<16x1xi32> to vector<16xi32>
        %gather3A_1752 = tpu.dynamic_gather %mul3A_1741[%gather3A_1751] in [0] : vector<16xf32>, vector<16xi32> -> vector<16xf32>
        %mul3A_1753 = arith.mulf %exp3A_24, %gather3A_1752 : vector<16xf32>
        %broadcast_in_dim3A_1754 = vector.shape_cast %broadcast_in_dim3A_109 : vector<16xi32> to vector<16x1xi32>
        %gather3A_1755 = vector.shape_cast %broadcast_in_dim3A_1754 : vector<16x1xi32> to vector<16xi32>
        %gather3A_1756 = tpu.dynamic_gather %mul3A_1741[%gather3A_1755] in [0] : vector<16xf32>, vector<16xi32> -> vector<16xf32>
        %mul3A_1757 = arith.mulf %exp3A_30, %gather3A_1756 : vector<16xf32>
        %broadcast_in_dim3A_1758 = vector.shape_cast %broadcast_in_dim3A_111 : vector<16xi32> to vector<16x1xi32>
        %gather3A_1759 = vector.shape_cast %broadcast_in_dim3A_1758 : vector<16x1xi32> to vector<16xi32>
        %gather3A_1760 = tpu.dynamic_gather %mul3A_1741[%gather3A_1759] in [0] : vector<16xf32>, vector<16xi32> -> vector<16xf32>
        %mul3A_1761 = arith.mulf %exp3A_36, %gather3A_1760 : vector<16xf32>
        %broadcast_in_dim3A_1762 = vector.shape_cast %broadcast_in_dim3A_113 : vector<16xi32> to vector<16x1xi32>
        %gather3A_1763 = vector.shape_cast %broadcast_in_dim3A_1762 : vector<16x1xi32> to vector<16xi32>
        %gather3A_1764 = tpu.dynamic_gather %mul3A_1741[%gather3A_1763] in [0] : vector<16xf32>, vector<16xi32> -> vector<16xf32>
        %mul3A_1765 = arith.mulf %exp3A_42, %gather3A_1764 : vector<16xf32>
        %broadcast_in_dim3A_1766 = vector.shape_cast %broadcast_in_dim3A_115 : vector<16xi32> to vector<16x1xi32>
        %gather3A_1767 = vector.shape_cast %broadcast_in_dim3A_1766 : vector<16x1xi32> to vector<16xi32>
        %gather3A_1768 = tpu.dynamic_gather %mul3A_1741[%gather3A_1767] in [0] : vector<16xf32>, vector<16xi32> -> vector<16xf32>
        %mul3A_1769 = arith.mulf %exp3A_48, %gather3A_1768 : vector<16xf32>
        %broadcast_in_dim3A_1770 = vector.shape_cast %broadcast_in_dim3A_117 : vector<16xi32> to vector<16x1xi32>
        %gather3A_1771 = vector.shape_cast %broadcast_in_dim3A_1770 : vector<16x1xi32> to vector<16xi32>
        %gather3A_1772 = tpu.dynamic_gather %mul3A_1741[%gather3A_1771] in [0] : vector<16xf32>, vector<16xi32> -> vector<16xf32>
        %mul3A_1773 = arith.mulf %exp3A_54, %gather3A_1772 : vector<16xf32>
        %broadcast_in_dim3A_1774 = vector.shape_cast %broadcast_in_dim3A_119 : vector<16xi32> to vector<16x1xi32>
        %gather3A_1775 = vector.shape_cast %broadcast_in_dim3A_1774 : vector<16x1xi32> to vector<16xi32>
        %gather3A_1776 = tpu.dynamic_gather %mul3A_1741[%gather3A_1775] in [0] : vector<16xf32>, vector<16xi32> -> vector<16xf32>
        %mul3A_1777 = arith.mulf %exp3A_60, %gather3A_1776 : vector<16xf32>
        %broadcast_in_dim3A_1778 = vector.shape_cast %broadcast_in_dim3A_121 : vector<16xi32> to vector<16x1xi32>
        %gather3A_1779 = vector.shape_cast %broadcast_in_dim3A_1778 : vector<16x1xi32> to vector<16xi32>
        %gather3A_1780 = tpu.dynamic_gather %mul3A_1741[%gather3A_1779] in [0] : vector<16xf32>, vector<16xi32> -> vector<16xf32>
        %mul3A_1781 = arith.mulf %exp3A_66, %gather3A_1780 : vector<16xf32>
        %broadcast_in_dim3A_1782 = vector.shape_cast %broadcast_in_dim3A_123 : vector<16xi32> to vector<16x1xi32>
        %gather3A_1783 = vector.shape_cast %broadcast_in_dim3A_1782 : vector<16x1xi32> to vector<16xi32>
        %gather3A_1784 = tpu.dynamic_gather %mul3A_1741[%gather3A_1783] in [0] : vector<16xf32>, vector<16xi32> -> vector<16xf32>
        %mul3A_1785 = arith.mulf %exp3A_72, %gather3A_1784 : vector<16xf32>
        %broadcast_in_dim3A_1786 = vector.shape_cast %broadcast_in_dim3A_125 : vector<16xi32> to vector<16x1xi32>
        %gather3A_1787 = vector.shape_cast %broadcast_in_dim3A_1786 : vector<16x1xi32> to vector<16xi32>
        %gather3A_1788 = tpu.dynamic_gather %mul3A_1741[%gather3A_1787] in [0] : vector<16xf32>, vector<16xi32> -> vector<16xf32>
        %mul3A_1789 = arith.mulf %exp3A_78, %gather3A_1788 : vector<16xf32>
        %broadcast_in_dim3A_1790 = vector.shape_cast %broadcast_in_dim3A_127 : vector<16xi32> to vector<16x1xi32>
        %gather3A_1791 = vector.shape_cast %broadcast_in_dim3A_1790 : vector<16x1xi32> to vector<16xi32>
        %gather3A_1792 = tpu.dynamic_gather %mul3A_1741[%gather3A_1791] in [0] : vector<16xf32>, vector<16xi32> -> vector<16xf32>
        %mul3A_1793 = arith.mulf %exp3A_84, %gather3A_1792 : vector<16xf32>
        %broadcast_in_dim3A_1794 = vector.shape_cast %broadcast_in_dim3A_129 : vector<16xi32> to vector<16x1xi32>
        %gather3A_1795 = vector.shape_cast %broadcast_in_dim3A_1794 : vector<16x1xi32> to vector<16xi32>
        %gather3A_1796 = tpu.dynamic_gather %mul3A_1741[%gather3A_1795] in [0] : vector<16xf32>, vector<16xi32> -> vector<16xf32>
        %mul3A_1797 = arith.mulf %exp3A_90, %gather3A_1796 : vector<16xf32>
        %broadcast_in_dim3A_1798 = vector.shape_cast %broadcast_in_dim3A_131 : vector<16xi32> to vector<16x1xi32>
        %gather3A_1799 = vector.shape_cast %broadcast_in_dim3A_1798 : vector<16x1xi32> to vector<16xi32>
        %gather3A_1800 = tpu.dynamic_gather %mul3A_1741[%gather3A_1799] in [0] : vector<16xf32>, vector<16xi32> -> vector<16xf32>
        %mul3A_1801 = arith.mulf %exp3A_96, %gather3A_1800 : vector<16xf32>
        %broadcast_in_dim3A_1802 = vector.shape_cast %broadcast_in_dim3A_133 : vector<16xi32> to vector<16x1xi32>
        %gather3A_1803 = vector.shape_cast %broadcast_in_dim3A_1802 : vector<16x1xi32> to vector<16xi32>
        %gather3A_1804 = tpu.dynamic_gather %mul3A_1741[%gather3A_1803] in [0] : vector<16xf32>, vector<16xi32> -> vector<16xf32>
        %mul3A_1805 = arith.mulf %exp3A_102, %gather3A_1804 : vector<16xf32>
        %add3A_1806 = arith.addf %mul3A_1745, %mul3A_1749 : vector<16xf32>
        %add3A_1807 = arith.addf %mul3A_1753, %mul3A_1757 : vector<16xf32>
        %add3A_1808 = arith.addf %mul3A_1761, %mul3A_1765 : vector<16xf32>
        %add3A_1809 = arith.addf %mul3A_1769, %mul3A_1773 : vector<16xf32>
        %add3A_1810 = arith.addf %mul3A_1777, %mul3A_1781 : vector<16xf32>
        %add3A_1811 = arith.addf %mul3A_1785, %mul3A_1789 : vector<16xf32>
        %add3A_1812 = arith.addf %mul3A_1793, %mul3A_1797 : vector<16xf32>
        %add3A_1813 = arith.addf %mul3A_1801, %mul3A_1805 : vector<16xf32>
        %add3A_1814 = arith.addf %add3A_1806, %add3A_1807 : vector<16xf32>
        %add3A_1815 = arith.addf %add3A_1808, %add3A_1809 : vector<16xf32>
        %add3A_1816 = arith.addf %add3A_1810, %add3A_1811 : vector<16xf32>
        %add3A_1817 = arith.addf %add3A_1812, %add3A_1813 : vector<16xf32>
        %add3A_1818 = arith.addf %add3A_1814, %add3A_1815 : vector<16xf32>
        %add3A_1819 = arith.addf %add3A_1816, %add3A_1817 : vector<16xf32>
        %add3A_1820 = arith.addf %add3A_1818, %add3A_1819 : vector<16xf32>
        %get3A_1821 = arith.index_cast %scan3A_1129 : i32 to index
        %get3A_1822 = arith.constant 96 : index
        %get3A_1823 = tpu.vector_load %arg6[%get3A_1821, %get3A_1822] {strides = array<i32>} : memref<256x128xf32, #tpu.memory_space<vmem>>, vector<1x16xf32>,
        %get3A_1824 = vector.shape_cast %get3A_1823 : vector<1x16xf32> to vector<16xf32>
        %mul3A_1825 = arith.mulf %add3A_1820, %get3A_1824 : vector<16xf32>
        %broadcast_in_dim3A_1826 = vector.shape_cast %broadcast_in_dim3A_103 : vector<16xi32> to vector<16x1xi32>
        %gather3A_1827 = vector.shape_cast %broadcast_in_dim3A_1826 : vector<16x1xi32> to vector<16xi32>
        %gather3A_1828 = tpu.dynamic_gather %mul3A_1825[%gather3A_1827] in [0] : vector<16xf32>, vector<16xi32> -> vector<16xf32>
        %mul3A_1829 = arith.mulf %exp3A_12, %gather3A_1828 : vector<16xf32>
        %broadcast_in_dim3A_1830 = vector.shape_cast %broadcast_in_dim3A_105 : vector<16xi32> to vector<16x1xi32>
        %gather3A_1831 = vector.shape_cast %broadcast_in_dim3A_1830 : vector<16x1xi32> to vector<16xi32>
        %gather3A_1832 = tpu.dynamic_gather %mul3A_1825[%gather3A_1831] in [0] : vector<16xf32>, vector<16xi32> -> vector<16xf32>
        %mul3A_1833 = arith.mulf %exp3A_18, %gather3A_1832 : vector<16xf32>
        %broadcast_in_dim3A_1834 = vector.shape_cast %broadcast_in_dim3A_107 : vector<16xi32> to vector<16x1xi32>
        %gather3A_1835 = vector.shape_cast %broadcast_in_dim3A_1834 : vector<16x1xi32> to vector<16xi32>
        %gather3A_1836 = tpu.dynamic_gather %mul3A_1825[%gather3A_1835] in [0] : vector<16xf32>, vector<16xi32> -> vector<16xf32>
        %mul3A_1837 = arith.mulf %exp3A_24, %gather3A_1836 : vector<16xf32>
        %broadcast_in_dim3A_1838 = vector.shape_cast %broadcast_in_dim3A_109 : vector<16xi32> to vector<16x1xi32>
        %gather3A_1839 = vector.shape_cast %broadcast_in_dim3A_1838 : vector<16x1xi32> to vector<16xi32>
        %gather3A_1840 = tpu.dynamic_gather %mul3A_1825[%gather3A_1839] in [0] : vector<16xf32>, vector<16xi32> -> vector<16xf32>
        %mul3A_1841 = arith.mulf %exp3A_30, %gather3A_1840 : vector<16xf32>
        %broadcast_in_dim3A_1842 = vector.shape_cast %broadcast_in_dim3A_111 : vector<16xi32> to vector<16x1xi32>
        %gather3A_1843 = vector.shape_cast %broadcast_in_dim3A_1842 : vector<16x1xi32> to vector<16xi32>
        %gather3A_1844 = tpu.dynamic_gather %mul3A_1825[%gather3A_1843] in [0] : vector<16xf32>, vector<16xi32> -> vector<16xf32>
        %mul3A_1845 = arith.mulf %exp3A_36, %gather3A_1844 : vector<16xf32>
        %broadcast_in_dim3A_1846 = vector.shape_cast %broadcast_in_dim3A_113 : vector<16xi32> to vector<16x1xi32>
        %gather3A_1847 = vector.shape_cast %broadcast_in_dim3A_1846 : vector<16x1xi32> to vector<16xi32>
        %gather3A_1848 = tpu.dynamic_gather %mul3A_1825[%gather3A_1847] in [0] : vector<16xf32>, vector<16xi32> -> vector<16xf32>
        %mul3A_1849 = arith.mulf %exp3A_42, %gather3A_1848 : vector<16xf32>
        %broadcast_in_dim3A_1850 = vector.shape_cast %broadcast_in_dim3A_115 : vector<16xi32> to vector<16x1xi32>
        %gather3A_1851 = vector.shape_cast %broadcast_in_dim3A_1850 : vector<16x1xi32> to vector<16xi32>
        %gather3A_1852 = tpu.dynamic_gather %mul3A_1825[%gather3A_1851] in [0] : vector<16xf32>, vector<16xi32> -> vector<16xf32>
        %mul3A_1853 = arith.mulf %exp3A_48, %gather3A_1852 : vector<16xf32>
        %broadcast_in_dim3A_1854 = vector.shape_cast %broadcast_in_dim3A_117 : vector<16xi32> to vector<16x1xi32>
        %gather3A_1855 = vector.shape_cast %broadcast_in_dim3A_1854 : vector<16x1xi32> to vector<16xi32>
        %gather3A_1856 = tpu.dynamic_gather %mul3A_1825[%gather3A_1855] in [0] : vector<16xf32>, vector<16xi32> -> vector<16xf32>
        %mul3A_1857 = arith.mulf %exp3A_54, %gather3A_1856 : vector<16xf32>
        %broadcast_in_dim3A_1858 = vector.shape_cast %broadcast_in_dim3A_119 : vector<16xi32> to vector<16x1xi32>
        %gather3A_1859 = vector.shape_cast %broadcast_in_dim3A_1858 : vector<16x1xi32> to vector<16xi32>
        %gather3A_1860 = tpu.dynamic_gather %mul3A_1825[%gather3A_1859] in [0] : vector<16xf32>, vector<16xi32> -> vector<16xf32>
        %mul3A_1861 = arith.mulf %exp3A_60, %gather3A_1860 : vector<16xf32>
        %broadcast_in_dim3A_1862 = vector.shape_cast %broadcast_in_dim3A_121 : vector<16xi32> to vector<16x1xi32>
        %gather3A_1863 = vector.shape_cast %broadcast_in_dim3A_1862 : vector<16x1xi32> to vector<16xi32>
        %gather3A_1864 = tpu.dynamic_gather %mul3A_1825[%gather3A_1863] in [0] : vector<16xf32>, vector<16xi32> -> vector<16xf32>
        %mul3A_1865 = arith.mulf %exp3A_66, %gather3A_1864 : vector<16xf32>
        %broadcast_in_dim3A_1866 = vector.shape_cast %broadcast_in_dim3A_123 : vector<16xi32> to vector<16x1xi32>
        %gather3A_1867 = vector.shape_cast %broadcast_in_dim3A_1866 : vector<16x1xi32> to vector<16xi32>
        %gather3A_1868 = tpu.dynamic_gather %mul3A_1825[%gather3A_1867] in [0] : vector<16xf32>, vector<16xi32> -> vector<16xf32>
        %mul3A_1869 = arith.mulf %exp3A_72, %gather3A_1868 : vector<16xf32>
        %broadcast_in_dim3A_1870 = vector.shape_cast %broadcast_in_dim3A_125 : vector<16xi32> to vector<16x1xi32>
        %gather3A_1871 = vector.shape_cast %broadcast_in_dim3A_1870 : vector<16x1xi32> to vector<16xi32>
        %gather3A_1872 = tpu.dynamic_gather %mul3A_1825[%gather3A_1871] in [0] : vector<16xf32>, vector<16xi32> -> vector<16xf32>
        %mul3A_1873 = arith.mulf %exp3A_78, %gather3A_1872 : vector<16xf32>
        %broadcast_in_dim3A_1874 = vector.shape_cast %broadcast_in_dim3A_127 : vector<16xi32> to vector<16x1xi32>
        %gather3A_1875 = vector.shape_cast %broadcast_in_dim3A_1874 : vector<16x1xi32> to vector<16xi32>
        %gather3A_1876 = tpu.dynamic_gather %mul3A_1825[%gather3A_1875] in [0] : vector<16xf32>, vector<16xi32> -> vector<16xf32>
        %mul3A_1877 = arith.mulf %exp3A_84, %gather3A_1876 : vector<16xf32>
        %broadcast_in_dim3A_1878 = vector.shape_cast %broadcast_in_dim3A_129 : vector<16xi32> to vector<16x1xi32>
        %gather3A_1879 = vector.shape_cast %broadcast_in_dim3A_1878 : vector<16x1xi32> to vector<16xi32>
        %gather3A_1880 = tpu.dynamic_gather %mul3A_1825[%gather3A_1879] in [0] : vector<16xf32>, vector<16xi32> -> vector<16xf32>
        %mul3A_1881 = arith.mulf %exp3A_90, %gather3A_1880 : vector<16xf32>
        %broadcast_in_dim3A_1882 = vector.shape_cast %broadcast_in_dim3A_131 : vector<16xi32> to vector<16x1xi32>
        %gather3A_1883 = vector.shape_cast %broadcast_in_dim3A_1882 : vector<16x1xi32> to vector<16xi32>
        %gather3A_1884 = tpu.dynamic_gather %mul3A_1825[%gather3A_1883] in [0] : vector<16xf32>, vector<16xi32> -> vector<16xf32>
        %mul3A_1885 = arith.mulf %exp3A_96, %gather3A_1884 : vector<16xf32>
        %broadcast_in_dim3A_1886 = vector.shape_cast %broadcast_in_dim3A_133 : vector<16xi32> to vector<16x1xi32>
        %gather3A_1887 = vector.shape_cast %broadcast_in_dim3A_1886 : vector<16x1xi32> to vector<16xi32>
        %gather3A_1888 = tpu.dynamic_gather %mul3A_1825[%gather3A_1887] in [0] : vector<16xf32>, vector<16xi32> -> vector<16xf32>
        %mul3A_1889 = arith.mulf %exp3A_102, %gather3A_1888 : vector<16xf32>
        %add3A_1890 = arith.addf %mul3A_1829, %mul3A_1833 : vector<16xf32>
        %add3A_1891 = arith.addf %mul3A_1837, %mul3A_1841 : vector<16xf32>
        %add3A_1892 = arith.addf %mul3A_1845, %mul3A_1849 : vector<16xf32>
        %add3A_1893 = arith.addf %mul3A_1853, %mul3A_1857 : vector<16xf32>
        %add3A_1894 = arith.addf %mul3A_1861, %mul3A_1865 : vector<16xf32>
        %add3A_1895 = arith.addf %mul3A_1869, %mul3A_1873 : vector<16xf32>
        %add3A_1896 = arith.addf %mul3A_1877, %mul3A_1881 : vector<16xf32>
        %add3A_1897 = arith.addf %mul3A_1885, %mul3A_1889 : vector<16xf32>
        %add3A_1898 = arith.addf %add3A_1890, %add3A_1891 : vector<16xf32>
        %add3A_1899 = arith.addf %add3A_1892, %add3A_1893 : vector<16xf32>
        %add3A_1900 = arith.addf %add3A_1894, %add3A_1895 : vector<16xf32>
        %add3A_1901 = arith.addf %add3A_1896, %add3A_1897 : vector<16xf32>
        %add3A_1902 = arith.addf %add3A_1898, %add3A_1899 : vector<16xf32>
        %add3A_1903 = arith.addf %add3A_1900, %add3A_1901 : vector<16xf32>
        %add3A_1904 = arith.addf %add3A_1902, %add3A_1903 : vector<16xf32>
        %get3A_1905 = arith.index_cast %scan3A_1129 : i32 to index
        %get3A_1906 = arith.constant 112 : index
        %get3A_1907 = tpu.vector_load %arg6[%get3A_1905, %get3A_1906] {strides = array<i32>} : memref<256x128xf32, #tpu.memory_space<vmem>>, vector<1x16xf32>,
        %get3A_1908 = vector.shape_cast %get3A_1907 : vector<1x16xf32> to vector<16xf32>
        %mul3A_1909 = arith.mulf %add3A_1904, %get3A_1908 : vector<16xf32>
        %broadcast_in_dim3A_1910 = vector.shape_cast %xor3A_135 : vector<16xi32> to vector<16x1xi32>
        %gather3A_1911 = vector.shape_cast %broadcast_in_dim3A_1910 : vector<16x1xi32> to vector<16xi32>
        %gather3A_1912 = tpu.dynamic_gather %mul3A_1909[%gather3A_1911] in [0] : vector<16xf32>, vector<16xi32> -> vector<16xf32>
        %add3A_1913 = arith.addf %mul3A_1909, %gather3A_1912 : vector<16xf32>
        %broadcast_in_dim3A_1914 = vector.shape_cast %xor3A_138 : vector<16xi32> to vector<16x1xi32>
        %gather3A_1915 = vector.shape_cast %broadcast_in_dim3A_1914 : vector<16x1xi32> to vector<16xi32>
        %gather3A_1916 = tpu.dynamic_gather %add3A_1913[%gather3A_1915] in [0] : vector<16xf32>, vector<16xi32> -> vector<16xf32>
        %add3A_1917 = arith.addf %add3A_1913, %gather3A_1916 : vector<16xf32>
        %broadcast_in_dim3A_1918 = vector.shape_cast %xor3A_141 : vector<16xi32> to vector<16x1xi32>
        %gather3A_1919 = vector.shape_cast %broadcast_in_dim3A_1918 : vector<16x1xi32> to vector<16xi32>
        %gather3A_1920 = tpu.dynamic_gather %add3A_1917[%gather3A_1919] in [0] : vector<16xf32>, vector<16xi32> -> vector<16xf32>
        %add3A_1921 = arith.addf %add3A_1917, %gather3A_1920 : vector<16xf32>
        %broadcast_in_dim3A_1922 = vector.shape_cast %xor3A_144 : vector<16xi32> to vector<16x1xi32>
        %gather3A_1923 = vector.shape_cast %broadcast_in_dim3A_1922 : vector<16x1xi32> to vector<16xi32>
        %gather3A_1924 = tpu.dynamic_gather %add3A_1921[%gather3A_1923] in [0] : vector<16xf32>, vector<16xi32> -> vector<16xf32>
        %add3A_1925 = arith.addf %add3A_1921, %gather3A_1924 : vector<16xf32>
        %broadcast_in_dim3A_1926 = arith.constant 1.000000e+00 : f32
        %broadcast_in_dim3A_1927 = vector.broadcast %broadcast_in_dim3A_1926 : f32 to vector<16xf32>
        %broadcast_in_dim3A_1928 = arith.constant 0.000000e+00 : f32
        %broadcast_in_dim3A_1929 = vector.broadcast %broadcast_in_dim3A_1928 : f32 to vector<16xf32>
        %mul3A_1930 = arith.mulf %add3A_1925, %broadcast_in_dim3A_1927 : vector<16xf32>
        %lt3A_1931 = arith.constant 5.42101086E-20 : f32
        %lt3A_1932 = vector.broadcast %lt3A_1931 : f32 to vector<16xf32>
        %lt3A_1933 = arith.cmpf olt, %mul3A_1930, %lt3A_1932 : vector<16xf32>
        %mul3A_1934 = arith.constant 1.84467441E+19 : f32
        %mul3A_1935 = vector.broadcast %mul3A_1934 : f32 to vector<16xf32>
        %mul3A_1936 = arith.mulf %broadcast_in_dim3A_1927, %mul3A_1935 : vector<16xf32>
        %select_n3A_1937 = arith.select %lt3A_1933, %mul3A_1936, %broadcast_in_dim3A_1927 : vector<16xi1>, vector<16xf32>
        %add3A_1938 = arith.constant 6.400000e+01 : f32
        %add3A_1939 = vector.broadcast %add3A_1938 : f32 to vector<16xf32>
        %add3A_1940 = arith.addf %broadcast_in_dim3A_1929, %add3A_1939 : vector<16xf32>
        %select_n3A_1941 = arith.select %lt3A_1933, %add3A_1940, %broadcast_in_dim3A_1929 : vector<16xi1>, vector<16xf32>
        %mul3A_1942 = arith.mulf %add3A_1925, %select_n3A_1937 : vector<16xf32>
        %lt3A_1943 = arith.constant 2.32830644E-10 : f32
        %lt3A_1944 = vector.broadcast %lt3A_1943 : f32 to vector<16xf32>
        %lt3A_1945 = arith.cmpf olt, %mul3A_1942, %lt3A_1944 : vector<16xf32>
        %mul3A_1946 = arith.constant 4.2949673E+9 : f32
        %mul3A_1947 = vector.broadcast %mul3A_1946 : f32 to vector<16xf32>
        %mul3A_1948 = arith.mulf %select_n3A_1937, %mul3A_1947 : vector<16xf32>
        %select_n3A_1949 = arith.select %lt3A_1945, %mul3A_1948, %select_n3A_1937 : vector<16xi1>, vector<16xf32>
        %add3A_1950 = arith.constant 3.200000e+01 : f32
        %add3A_1951 = vector.broadcast %add3A_1950 : f32 to vector<16xf32>
        %add3A_1952 = arith.addf %select_n3A_1941, %add3A_1951 : vector<16xf32>
        %select_n3A_1953 = arith.select %lt3A_1945, %add3A_1952, %select_n3A_1941 : vector<16xi1>, vector<16xf32>
        %mul3A_1954 = arith.mulf %add3A_1925, %select_n3A_1949 : vector<16xf32>
        %lt3A_1955 = arith.constant 1.52587891E-5 : f32
        %lt3A_1956 = vector.broadcast %lt3A_1955 : f32 to vector<16xf32>
        %lt3A_1957 = arith.cmpf olt, %mul3A_1954, %lt3A_1956 : vector<16xf32>
        %mul3A_1958 = arith.constant 6.553600e+04 : f32
        %mul3A_1959 = vector.broadcast %mul3A_1958 : f32 to vector<16xf32>
        %mul3A_1960 = arith.mulf %select_n3A_1949, %mul3A_1959 : vector<16xf32>
        %select_n3A_1961 = arith.select %lt3A_1957, %mul3A_1960, %select_n3A_1949 : vector<16xi1>, vector<16xf32>
        %add3A_1962 = arith.constant 1.600000e+01 : f32
        %add3A_1963 = vector.broadcast %add3A_1962 : f32 to vector<16xf32>
        %add3A_1964 = arith.addf %select_n3A_1953, %add3A_1963 : vector<16xf32>
        %select_n3A_1965 = arith.select %lt3A_1957, %add3A_1964, %select_n3A_1953 : vector<16xi1>, vector<16xf32>
        %mul3A_1966 = arith.mulf %add3A_1925, %select_n3A_1961 : vector<16xf32>
        %lt3A_1967 = arith.constant 3.906250e-03 : f32
        %lt3A_1968 = vector.broadcast %lt3A_1967 : f32 to vector<16xf32>
        %lt3A_1969 = arith.cmpf olt, %mul3A_1966, %lt3A_1968 : vector<16xf32>
        %mul3A_1970 = arith.constant 2.560000e+02 : f32
        %mul3A_1971 = vector.broadcast %mul3A_1970 : f32 to vector<16xf32>
        %mul3A_1972 = arith.mulf %select_n3A_1961, %mul3A_1971 : vector<16xf32>
        %select_n3A_1973 = arith.select %lt3A_1969, %mul3A_1972, %select_n3A_1961 : vector<16xi1>, vector<16xf32>
        %add3A_1974 = arith.constant 8.000000e+00 : f32
        %add3A_1975 = vector.broadcast %add3A_1974 : f32 to vector<16xf32>
        %add3A_1976 = arith.addf %select_n3A_1965, %add3A_1975 : vector<16xf32>
        %select_n3A_1977 = arith.select %lt3A_1969, %add3A_1976, %select_n3A_1965 : vector<16xi1>, vector<16xf32>
        %mul3A_1978 = arith.mulf %add3A_1925, %select_n3A_1973 : vector<16xf32>
        %lt3A_1979 = arith.constant 6.250000e-02 : f32
        %lt3A_1980 = vector.broadcast %lt3A_1979 : f32 to vector<16xf32>
        %lt3A_1981 = arith.cmpf olt, %mul3A_1978, %lt3A_1980 : vector<16xf32>
        %mul3A_1982 = arith.constant 1.600000e+01 : f32
        %mul3A_1983 = vector.broadcast %mul3A_1982 : f32 to vector<16xf32>
        %mul3A_1984 = arith.mulf %select_n3A_1973, %mul3A_1983 : vector<16xf32>
        %select_n3A_1985 = arith.select %lt3A_1981, %mul3A_1984, %select_n3A_1973 : vector<16xi1>, vector<16xf32>
        %add3A_1986 = arith.constant 4.000000e+00 : f32
        %add3A_1987 = vector.broadcast %add3A_1986 : f32 to vector<16xf32>
        %add3A_1988 = arith.addf %select_n3A_1977, %add3A_1987 : vector<16xf32>
        %select_n3A_1989 = arith.select %lt3A_1981, %add3A_1988, %select_n3A_1977 : vector<16xi1>, vector<16xf32>
        %mul3A_1990 = arith.mulf %add3A_1925, %select_n3A_1985 : vector<16xf32>
        %lt3A_1991 = arith.constant 2.500000e-01 : f32
        %lt3A_1992 = vector.broadcast %lt3A_1991 : f32 to vector<16xf32>
        %lt3A_1993 = arith.cmpf olt, %mul3A_1990, %lt3A_1992 : vector<16xf32>
        %mul3A_1994 = arith.constant 4.000000e+00 : f32
        %mul3A_1995 = vector.broadcast %mul3A_1994 : f32 to vector<16xf32>
        %mul3A_1996 = arith.mulf %select_n3A_1985, %mul3A_1995 : vector<16xf32>
        %select_n3A_1997 = arith.select %lt3A_1993, %mul3A_1996, %select_n3A_1985 : vector<16xi1>, vector<16xf32>
        %add3A_1998 = arith.constant 2.000000e+00 : f32
        %add3A_1999 = vector.broadcast %add3A_1998 : f32 to vector<16xf32>
        %add3A_2000 = arith.addf %select_n3A_1989, %add3A_1999 : vector<16xf32>
        %select_n3A_2001 = arith.select %lt3A_1993, %add3A_2000, %select_n3A_1989 : vector<16xi1>, vector<16xf32>
        %mul3A_2002 = arith.mulf %add3A_1925, %select_n3A_1997 : vector<16xf32>
        %lt3A_2003 = arith.constant 5.000000e-01 : f32
        %lt3A_2004 = vector.broadcast %lt3A_2003 : f32 to vector<16xf32>
        %lt3A_2005 = arith.cmpf olt, %mul3A_2002, %lt3A_2004 : vector<16xf32>
        %mul3A_2006 = arith.constant 2.000000e+00 : f32
        %mul3A_2007 = vector.broadcast %mul3A_2006 : f32 to vector<16xf32>
        %mul3A_2008 = arith.mulf %select_n3A_1997, %mul3A_2007 : vector<16xf32>
        %select_n3A_2009 = arith.select %lt3A_2005, %mul3A_2008, %select_n3A_1997 : vector<16xi1>, vector<16xf32>
        %add3A_2010 = arith.constant 1.000000e+00 : f32
        %add3A_2011 = vector.broadcast %add3A_2010 : f32 to vector<16xf32>
        %add3A_2012 = arith.addf %select_n3A_2001, %add3A_2011 : vector<16xf32>
        %select_n3A_2013 = arith.select %lt3A_2005, %add3A_2012, %select_n3A_2001 : vector<16xi1>, vector<16xf32>
        %mul3A_2014 = arith.mulf %mul3A_1909, %select_n3A_2009 : vector<16xf32>
        %sub3A_2015 = arith.subf %sub3A_1573, %select_n3A_2013 : vector<16xf32>
        scf.yield %mul3A_2014, %sub3A_2015 : vector<16xf32>, vector<16xf32>
      }
      %scan3A_1065 = arith.constant 255 : i32
      %swap3A = arith.constant 0 : index
      %swap3A_1066 = tpu.vector_load %arg8[%swap3A] {strides = array<i32>} : memref<128xf32, #tpu.memory_space<vmem>>, vector<16xf32>,
      %swap3A_1067 = vector.shape_cast %swap3A_1066 : vector<16xf32> to vector<16xf32>
      %swap3A_1068 = vector.shape_cast %scan3A_1064#0 : vector<16xf32> to vector<16xf32>
      tpu.vector_store %arg8[%swap3A], %swap3A_1068 {strides = array<i32>} : memref<128xf32, #tpu.memory_space<vmem>>, vector<16xf32>,
      %swap3A_1069 = arith.constant 0 : index
      %swap3A_1070 = tpu.vector_load %arg9[%swap3A_1069] {strides = array<i32>} : memref<128xf32, #tpu.memory_space<vmem>>, vector<16xf32>,
      %swap3A_1071 = vector.shape_cast %swap3A_1070 : vector<16xf32> to vector<16xf32>
      %swap3A_1072 = vector.shape_cast %scan3A_1064#1 : vector<16xf32> to vector<16xf32>
      tpu.vector_store %arg9[%swap3A_1069], %swap3A_1072 {strides = array<i32>} : memref<128xf32, #tpu.memory_space<vmem>>, vector<16xf32>,
      %swap3A_1073 = arith.constant 16 : index
      %swap3A_1074 = tpu.vector_load %arg8[%swap3A_1073] {strides = array<i32>} : memref<128xf32, #tpu.memory_space<vmem>>, vector<16xf32>,
      %swap3A_1075 = vector.shape_cast %swap3A_1074 : vector<16xf32> to vector<16xf32>
      %swap3A_1076 = vector.shape_cast %broadcast_in_dim3A_146 : vector<16xf32> to vector<16xf32>
      tpu.vector_store %arg8[%swap3A_1073], %swap3A_1076 {strides = array<i32>} : memref<128xf32, #tpu.memory_space<vmem>>, vector<16xf32>,
      %swap3A_1077 = arith.constant 16 : index
      %swap3A_1078 = tpu.vector_load %arg9[%swap3A_1077] {strides = array<i32>} : memref<128xf32, #tpu.memory_space<vmem>>, vector<16xf32>,
      %swap3A_1079 = vector.shape_cast %swap3A_1078 : vector<16xf32> to vector<16xf32>
      %swap3A_1080 = vector.shape_cast %broadcast_in_dim3A_146 : vector<16xf32> to vector<16xf32>
      tpu.vector_store %arg9[%swap3A_1077], %swap3A_1080 {strides = array<i32>} : memref<128xf32, #tpu.memory_space<vmem>>, vector<16xf32>,
      %swap3A_1081 = arith.constant 32 : index
      %swap3A_1082 = tpu.vector_load %arg8[%swap3A_1081] {strides = array<i32>} : memref<128xf32, #tpu.memory_space<vmem>>, vector<16xf32>,
      %swap3A_1083 = vector.shape_cast %swap3A_1082 : vector<16xf32> to vector<16xf32>
      %swap3A_1084 = vector.shape_cast %broadcast_in_dim3A_146 : vector<16xf32> to vector<16xf32>
      tpu.vector_store %arg8[%swap3A_1081], %swap3A_1084 {strides = array<i32>} : memref<128xf32, #tpu.memory_space<vmem>>, vector<16xf32>,
      %swap3A_1085 = arith.constant 32 : index
      %swap3A_1086 = tpu.vector_load %arg9[%swap3A_1085] {strides = array<i32>} : memref<128xf32, #tpu.memory_space<vmem>>, vector<16xf32>,
      %swap3A_1087 = vector.shape_cast %swap3A_1086 : vector<16xf32> to vector<16xf32>
      %swap3A_1088 = vector.shape_cast %broadcast_in_dim3A_146 : vector<16xf32> to vector<16xf32>
      tpu.vector_store %arg9[%swap3A_1085], %swap3A_1088 {strides = array<i32>} : memref<128xf32, #tpu.memory_space<vmem>>, vector<16xf32>,
      %swap3A_1089 = arith.constant 48 : index
      %swap3A_1090 = tpu.vector_load %arg8[%swap3A_1089] {strides = array<i32>} : memref<128xf32, #tpu.memory_space<vmem>>, vector<16xf32>,
      %swap3A_1091 = vector.shape_cast %swap3A_1090 : vector<16xf32> to vector<16xf32>
      %swap3A_1092 = vector.shape_cast %broadcast_in_dim3A_146 : vector<16xf32> to vector<16xf32>
      tpu.vector_store %arg8[%swap3A_1089], %swap3A_1092 {strides = array<i32>} : memref<128xf32, #tpu.memory_space<vmem>>, vector<16xf32>,
      %swap3A_1093 = arith.constant 48 : index
      %swap3A_1094 = tpu.vector_load %arg9[%swap3A_1093] {strides = array<i32>} : memref<128xf32, #tpu.memory_space<vmem>>, vector<16xf32>,
      %swap3A_1095 = vector.shape_cast %swap3A_1094 : vector<16xf32> to vector<16xf32>
      %swap3A_1096 = vector.shape_cast %broadcast_in_dim3A_146 : vector<16xf32> to vector<16xf32>
      tpu.vector_store %arg9[%swap3A_1093], %swap3A_1096 {strides = array<i32>} : memref<128xf32, #tpu.memory_space<vmem>>, vector<16xf32>,
      %swap3A_1097 = arith.constant 64 : index
      %swap3A_1098 = tpu.vector_load %arg8[%swap3A_1097] {strides = array<i32>} : memref<128xf32, #tpu.memory_space<vmem>>, vector<16xf32>,
      %swap3A_1099 = vector.shape_cast %swap3A_1098 : vector<16xf32> to vector<16xf32>
      %swap3A_1100 = vector.shape_cast %broadcast_in_dim3A_146 : vector<16xf32> to vector<16xf32>
      tpu.vector_store %arg8[%swap3A_1097], %swap3A_1100 {strides = array<i32>} : memref<128xf32, #tpu.memory_space<vmem>>, vector<16xf32>,
      %swap3A_1101 = arith.constant 64 : index
      %swap3A_1102 = tpu.vector_load %arg9[%swap3A_1101] {strides = array<i32>} : memref<128xf32, #tpu.memory_space<vmem>>, vector<16xf32>,
      %swap3A_1103 = vector.shape_cast %swap3A_1102 : vector<16xf32> to vector<16xf32>
      %swap3A_1104 = vector.shape_cast %broadcast_in_dim3A_146 : vector<16xf32> to vector<16xf32>
      tpu.vector_store %arg9[%swap3A_1101], %swap3A_1104 {strides = array<i32>} : memref<128xf32, #tpu.memory_space<vmem>>, vector<16xf32>,
      %swap3A_1105 = arith.constant 80 : index
      %swap3A_1106 = tpu.vector_load %arg8[%swap3A_1105] {strides = array<i32>} : memref<128xf32, #tpu.memory_space<vmem>>, vector<16xf32>,
      %swap3A_1107 = vector.shape_cast %swap3A_1106 : vector<16xf32> to vector<16xf32>
      %swap3A_1108 = vector.shape_cast %broadcast_in_dim3A_146 : vector<16xf32> to vector<16xf32>
      tpu.vector_store %arg8[%swap3A_1105], %swap3A_1108 {strides = array<i32>} : memref<128xf32, #tpu.memory_space<vmem>>, vector<16xf32>,
      %swap3A_1109 = arith.constant 80 : index
      %swap3A_1110 = tpu.vector_load %arg9[%swap3A_1109] {strides = array<i32>} : memref<128xf32, #tpu.memory_space<vmem>>, vector<16xf32>,
      %swap3A_1111 = vector.shape_cast %swap3A_1110 : vector<16xf32> to vector<16xf32>
      %swap3A_1112 = vector.shape_cast %broadcast_in_dim3A_146 : vector<16xf32> to vector<16xf32>
      tpu.vector_store %arg9[%swap3A_1109], %swap3A_1112 {strides = array<i32>} : memref<128xf32, #tpu.memory_space<vmem>>, vector<16xf32>,
      %swap3A_1113 = arith.constant 96 : index
      %swap3A_1114 = tpu.vector_load %arg8[%swap3A_1113] {strides = array<i32>} : memref<128xf32, #tpu.memory_space<vmem>>, vector<16xf32>,
      %swap3A_1115 = vector.shape_cast %swap3A_1114 : vector<16xf32> to vector<16xf32>
      %swap3A_1116 = vector.shape_cast %broadcast_in_dim3A_146 : vector<16xf32> to vector<16xf32>
      tpu.vector_store %arg8[%swap3A_1113], %swap3A_1116 {strides = array<i32>} : memref<128xf32, #tpu.memory_space<vmem>>, vector<16xf32>,
      %swap3A_1117 = arith.constant 96 : index
      %swap3A_1118 = tpu.vector_load %arg9[%swap3A_1117] {strides = array<i32>} : memref<128xf32, #tpu.memory_space<vmem>>, vector<16xf32>,
      %swap3A_1119 = vector.shape_cast %swap3A_1118 : vector<16xf32> to vector<16xf32>
      %swap3A_1120 = vector.shape_cast %broadcast_in_dim3A_146 : vector<16xf32> to vector<16xf32>
      tpu.vector_store %arg9[%swap3A_1117], %swap3A_1120 {strides = array<i32>} : memref<128xf32, #tpu.memory_space<vmem>>, vector<16xf32>,
      %swap3A_1121 = arith.constant 112 : index
      %swap3A_1122 = tpu.vector_load %arg8[%swap3A_1121] {strides = array<i32>} : memref<128xf32, #tpu.memory_space<vmem>>, vector<16xf32>,
      %swap3A_1123 = vector.shape_cast %swap3A_1122 : vector<16xf32> to vector<16xf32>
      %swap3A_1124 = vector.shape_cast %broadcast_in_dim3A_146 : vector<16xf32> to vector<16xf32>
      tpu.vector_store %arg8[%swap3A_1121], %swap3A_1124 {strides = array<i32>} : memref<128xf32, #tpu.memory_space<vmem>>, vector<16xf32>,
      %swap3A_1125 = arith.constant 112 : index
      %swap3A_1126 = tpu.vector_load %arg9[%swap3A_1125] {strides = array<i32>} : memref<128xf32, #tpu.memory_space<vmem>>, vector<16xf32>,
      %swap3A_1127 = vector.shape_cast %swap3A_1126 : vector<16xf32> to vector<16xf32>
      %swap3A_1128 = vector.shape_cast %broadcast_in_dim3A_146 : vector<16xf32> to vector<16xf32>
      tpu.vector_store %arg9[%swap3A_1125], %swap3A_1128 {strides = array<i32>} : memref<128xf32, #tpu.memory_space<vmem>>, vector<16xf32>,
      "tpu.region"() ({
        %run_scoped3A = tpu.sem_alloc : memref<!tpu.dma_semaphore, #tpu.memory_space<semaphore_mem>>
        %dma_start3A = arith.constant 0 : i32
        %dma_start3A_1129 = tpu.memref_slice %arg4[%arg1, %dma_start3A] : memref<16x128xf32, #tpu.memory_space<hbm>> -> memref<1x128xf32, #tpu.memory_space<hbm>>
        %dma_start3A_1130 = tpu.memref_squeeze %dma_start3A_1129 : memref<1x128xf32, #tpu.memory_space<hbm>> -> memref<128xf32, #tpu.memory_space<hbm>>
        %dma_start3A_1131 = arith.constant 0 : i32
        %dma_start3A_1132 = tpu.memref_slice %arg4[%arg1, %dma_start3A_1131] : memref<16x128xf32, #tpu.memory_space<hbm>> -> memref<1x128xf32, #tpu.memory_space<hbm>>
        %dma_start3A_1133 = tpu.memref_squeeze %dma_start3A_1132 : memref<1x128xf32, #tpu.memory_space<hbm>> -> memref<128xf32, #tpu.memory_space<hbm>>
        tpu.enqueue_dma source(%arg8 : memref<128xf32, #tpu.memory_space<vmem>>) target(%dma_start3A_1133 : memref<128xf32, #tpu.memory_space<hbm>>) target_semaphore(%run_scoped3A : memref<!tpu.dma_semaphore, #tpu.memory_space<semaphore_mem>>)
        %dma_wait3A = arith.constant 0 : i32
        %dma_wait3A_1134 = tpu.memref_slice %arg4[%arg1, %dma_wait3A] : memref<16x128xf32, #tpu.memory_space<hbm>> -> memref<1x128xf32, #tpu.memory_space<hbm>>
        %dma_wait3A_1135 = tpu.memref_squeeze %dma_wait3A_1134 : memref<1x128xf32, #tpu.memory_space<hbm>> -> memref<128xf32, #tpu.memory_space<hbm>>
        %dma_wait3A_1136 = arith.constant 0 : i32
        %dma_wait3A_1137 = tpu.memref_slice %arg4[%arg1, %dma_wait3A_1136] : memref<16x128xf32, #tpu.memory_space<hbm>> -> memref<1x128xf32, #tpu.memory_space<hbm>>
        %dma_wait3A_1138 = tpu.memref_squeeze %dma_wait3A_1137 : memref<1x128xf32, #tpu.memory_space<hbm>> -> memref<128xf32, #tpu.memory_space<hbm>>
        tpu.wait_dma2 semaphore(%run_scoped3A : memref<!tpu.dma_semaphore, #tpu.memory_space<semaphore_mem>>) src(%arg8 : memref<128xf32, #tpu.memory_space<vmem>>) dst(%dma_wait3A_1138 : memref<128xf32, #tpu.memory_space<hbm>>)
        tpu.yield
      }) : () -> ()
      "tpu.region"() ({
        %run_scoped3A = tpu.sem_alloc : memref<!tpu.dma_semaphore, #tpu.memory_space<semaphore_mem>>
        %dma_start3A = arith.constant 0 : i32
        %dma_start3A_1129 = tpu.memref_slice %arg5[%arg1, %dma_start3A] : memref<16x128xf32, #tpu.memory_space<hbm>> -> memref<1x128xf32, #tpu.memory_space<hbm>>
        %dma_start3A_1130 = tpu.memref_squeeze %dma_start3A_1129 : memref<1x128xf32, #tpu.memory_space<hbm>> -> memref<128xf32, #tpu.memory_space<hbm>>
        %dma_start3A_1131 = arith.constant 0 : i32
        %dma_start3A_1132 = tpu.memref_slice %arg5[%arg1, %dma_start3A_1131] : memref<16x128xf32, #tpu.memory_space<hbm>> -> memref<1x128xf32, #tpu.memory_space<hbm>>
        %dma_start3A_1133 = tpu.memref_squeeze %dma_start3A_1132 : memref<1x128xf32, #tpu.memory_space<hbm>> -> memref<128xf32, #tpu.memory_space<hbm>>
        tpu.enqueue_dma source(%arg9 : memref<128xf32, #tpu.memory_space<vmem>>) target(%dma_start3A_1133 : memref<128xf32, #tpu.memory_space<hbm>>) target_semaphore(%run_scoped3A : memref<!tpu.dma_semaphore, #tpu.memory_space<semaphore_mem>>)
        %dma_wait3A = arith.constant 0 : i32
        %dma_wait3A_1134 = tpu.memref_slice %arg5[%arg1, %dma_wait3A] : memref<16x128xf32, #tpu.memory_space<hbm>> -> memref<1x128xf32, #tpu.memory_space<hbm>>
        %dma_wait3A_1135 = tpu.memref_squeeze %dma_wait3A_1134 : memref<1x128xf32, #tpu.memory_space<hbm>> -> memref<128xf32, #tpu.memory_space<hbm>>
        %dma_wait3A_1136 = arith.constant 0 : i32
        %dma_wait3A_1137 = tpu.memref_slice %arg5[%arg1, %dma_wait3A_1136] : memref<16x128xf32, #tpu.memory_space<hbm>> -> memref<1x128xf32, #tpu.memory_space<hbm>>
        %dma_wait3A_1138 = tpu.memref_squeeze %dma_wait3A_1137 : memref<1x128xf32, #tpu.memory_space<hbm>> -> memref<128xf32, #tpu.memory_space<hbm>>
        tpu.wait_dma2 semaphore(%run_scoped3A : memref<!tpu.dma_semaphore, #tpu.memory_space<semaphore_mem>>) src(%arg9 : memref<128xf32, #tpu.memory_space<vmem>>) dst(%dma_wait3A_1138 : memref<128xf32, #tpu.memory_space<hbm>>)
        tpu.yield
      }) : () -> ()
    } else {
    }
    return
  }
}

module attributes {stable_mosaic.version = 14 : i64} {
  func.func @_emit_body(%arg0: i32, %arg1: memref<4096x32xf32, #tpu.memory_space<vmem>>, %arg2: memref<16x16xf32, #tpu.memory_space<vmem>>, %arg3: memref<1x16xf32, #tpu.memory_space<vmem>>, %arg4: memref<16x32xf32, #tpu.memory_space<vmem>>, %arg5: memref<16x32xf32, #tpu.memory_space<vmem>>, %arg6: memref<512x128xf32, #tpu.memory_space<vmem>>, %arg7: memref<1x2x1xf32, #tpu.memory_space<vmem>>) attributes {dimension_semantics = [#tpu.dimension_semantics<arbitrary>], iteration_bounds = array<i64: 8>, scalar_prefetch = 0 : i64, scratch_operands = 0 : i64, tpu.core_type = #tpu.core_type<tc>, window_params = [{transform_indices = @transform_0, window_bounds = array<i64: 4096, 32>}, {pipeline_mode = #tpu.pipeline_mode<synchronous>, transform_indices = @transform_1, window_bounds = array<i64: 16, 16>}, {pipeline_mode = #tpu.pipeline_mode<synchronous>, transform_indices = @transform_2, window_bounds = array<i64: 1, 16>}, {pipeline_mode = #tpu.pipeline_mode<synchronous>, transform_indices = @transform_3, window_bounds = array<i64: 16, 32>}, {pipeline_mode = #tpu.pipeline_mode<synchronous>, transform_indices = @transform_4, window_bounds = array<i64: 16, 32>}, {transform_indices = @transform_5, window_bounds = array<i64: 512, 128>}, {transform_indices = @transform_6, window_bounds = array<i64: 1, 2, 1>}]} {
    %get3A = arith.constant 0 : index
    %get3A_0 = arith.constant 0 : index
    %get3A_1 = vector.load %arg1[%get3A, %get3A_0] : memref<4096x32xf32, #tpu.memory_space<vmem>>, vector<4096x32xf32>
    %get3A_2 = arith.constant 0 : index
    %get3A_3 = arith.constant 0 : index
    %get3A_4 = vector.load %arg5[%get3A_2, %get3A_3] : memref<16x32xf32, #tpu.memory_space<vmem>>, vector<16x32xf32>
    %neg3A = arith.constant 0.000000e+00 : f32
    %neg3A_5 = vector.broadcast %neg3A : f32 to vector<16x32xf32>
    %neg3A_6 = arith.subf %neg3A_5, %get3A_4 : vector<16x32xf32>
    %exp3A = math.exp %neg3A_6 : vector<16x32xf32>
    %get3A_7 = arith.constant 0 : index
    %get3A_8 = arith.constant 0 : index
    %get3A_9 = vector.load %arg4[%get3A_7, %get3A_8] : memref<16x32xf32, #tpu.memory_space<vmem>>, vector<16x32xf32>
    %mul3A = arith.mulf %get3A_9, %exp3A : vector<16x32xf32>
    %get3A_10 = arith.constant 0 : index
    %get3A_11 = arith.constant 0 : index
    %get3A_12 = vector.load %arg4[%get3A_10, %get3A_11] : memref<16x32xf32, #tpu.memory_space<vmem>>, vector<16x32xf32>
    %mul3A_13 = arith.mulf %get3A_12, %mul3A : vector<16x32xf32>
    %add3A = arith.addf %mul3A_13, %get3A_4 : vector<16x32xf32>
    %reduce_sum3A = arith.constant dense<0.000000e+00> : vector<16xf32>
    %reduce_sum3A_14 = vector.multi_reduction <add>, %add3A, %reduce_sum3A [1] : vector<16x32xf32> to vector<16xf32>
    %broadcast_in_dim3A = vector.shape_cast %reduce_sum3A_14 : vector<16xf32> to vector<16x1xf32>
    %add3A_15 = arith.constant 58.8120651 : f32
    %add3A_16 = vector.broadcast %add3A_15 : f32 to vector<16x1xf32>
    %add3A_17 = arith.addf %broadcast_in_dim3A, %add3A_16 : vector<16x1xf32>
    %mul3A_18 = arith.mulf %get3A_1, %get3A_1 : vector<4096x32xf32>
    %dot_general3A = arith.constant dense<0.000000e+00> : vector<4096x16xf32>
    %dot_general3A_19 = tpu.matmul %mul3A_18, %exp3A, %dot_general3A {dimension_numbers = #tpu.dot_dimension_numbers<[1], [1], [0], [0], [0, 0, 1, 0], [], []>, transpose_lhs_hint = false} : vector<4096x32xf32>, vector<16x32xf32>, vector<4096x16xf32> -> vector<4096x16xf32>
    %dot_general3A_20 = arith.constant dense<0.000000e+00> : vector<4096x16xf32>
    %dot_general3A_21 = tpu.matmul %get3A_1, %mul3A, %dot_general3A_20 {dimension_numbers = #tpu.dot_dimension_numbers<[1], [1], [0], [0], [0, 0, 1, 0], [], []>, transpose_lhs_hint = false} : vector<4096x32xf32>, vector<16x32xf32>, vector<4096x16xf32> -> vector<4096x16xf32>
    %mul3A_22 = arith.constant 2.000000e+00 : f32
    %mul3A_23 = vector.broadcast %mul3A_22 : f32 to vector<4096x16xf32>
    %mul3A_24 = arith.mulf %mul3A_23, %dot_general3A_21 : vector<4096x16xf32>
    %sub3A = arith.subf %dot_general3A_19, %mul3A_24 : vector<4096x16xf32>
    %reshape3A = vector.shape_cast %add3A_17 : vector<16x1xf32> to vector<1x16xf32>
    %add3A_25 = vector.broadcast %reshape3A : vector<1x16xf32> to vector<4096x16xf32>
    %add3A_26 = arith.addf %sub3A, %add3A_25 : vector<4096x16xf32>
    %mul3A_27 = arith.constant -5.000000e-01 : f32
    %mul3A_28 = vector.broadcast %mul3A_27 : f32 to vector<4096x16xf32>
    %mul3A_29 = arith.mulf %mul3A_28, %add3A_26 : vector<4096x16xf32>
    %reshape3A_30 = vector.shape_cast %mul3A_29 : vector<4096x16xf32> to vector<2x2048x16xf32>
    %reduce_max3A = arith.constant dense<0xFF800000> : vector<2x2048xf32>
    %reduce_max3A_31 = vector.multi_reduction <maximumf>, %reshape3A_30, %reduce_max3A [2] : vector<2x2048x16xf32> to vector<2x2048xf32>
    %broadcast_in_dim3A_32 = vector.shape_cast %reduce_max3A_31 : vector<2x2048xf32> to vector<2x2048x1xf32>
    %sub3A_33 = vector.broadcast %broadcast_in_dim3A_32 : vector<2x2048x1xf32> to vector<2x2048x16xf32>
    %sub3A_34 = arith.subf %reshape3A_30, %sub3A_33 : vector<2x2048x16xf32>
    %exp3A_35 = math.exp %sub3A_34 : vector<2x2048x16xf32>
    %reshape3A_36 = vector.shape_cast %exp3A_35 : vector<2x2048x16xf32> to vector<2x256x8x16xf32>
    %slice3A = vector.extract_strided_slice %reshape3A_36 {offsets = [0, 0, 0, 0], sizes = [2, 256, 1, 16], strides = [1, 1, 1, 1]} : vector<2x256x8x16xf32> to vector<2x256x1x16xf32>
    %squeeze3A = vector.shape_cast %slice3A : vector<2x256x1x16xf32> to vector<2x256x16xf32>
    %reshape3A_37 = vector.shape_cast %squeeze3A : vector<2x256x16xf32> to vector<512x16xf32>
    %slice3A_38 = vector.extract_strided_slice %reshape3A_36 {offsets = [0, 0, 1, 0], sizes = [2, 256, 1, 16], strides = [1, 1, 1, 1]} : vector<2x256x8x16xf32> to vector<2x256x1x16xf32>
    %squeeze3A_39 = vector.shape_cast %slice3A_38 : vector<2x256x1x16xf32> to vector<2x256x16xf32>
    %reshape3A_40 = vector.shape_cast %squeeze3A_39 : vector<2x256x16xf32> to vector<512x16xf32>
    %slice3A_41 = vector.extract_strided_slice %reshape3A_36 {offsets = [0, 0, 2, 0], sizes = [2, 256, 1, 16], strides = [1, 1, 1, 1]} : vector<2x256x8x16xf32> to vector<2x256x1x16xf32>
    %squeeze3A_42 = vector.shape_cast %slice3A_41 : vector<2x256x1x16xf32> to vector<2x256x16xf32>
    %reshape3A_43 = vector.shape_cast %squeeze3A_42 : vector<2x256x16xf32> to vector<512x16xf32>
    %slice3A_44 = vector.extract_strided_slice %reshape3A_36 {offsets = [0, 0, 3, 0], sizes = [2, 256, 1, 16], strides = [1, 1, 1, 1]} : vector<2x256x8x16xf32> to vector<2x256x1x16xf32>
    %squeeze3A_45 = vector.shape_cast %slice3A_44 : vector<2x256x1x16xf32> to vector<2x256x16xf32>
    %reshape3A_46 = vector.shape_cast %squeeze3A_45 : vector<2x256x16xf32> to vector<512x16xf32>
    %slice3A_47 = vector.extract_strided_slice %reshape3A_36 {offsets = [0, 0, 4, 0], sizes = [2, 256, 1, 16], strides = [1, 1, 1, 1]} : vector<2x256x8x16xf32> to vector<2x256x1x16xf32>
    %squeeze3A_48 = vector.shape_cast %slice3A_47 : vector<2x256x1x16xf32> to vector<2x256x16xf32>
    %reshape3A_49 = vector.shape_cast %squeeze3A_48 : vector<2x256x16xf32> to vector<512x16xf32>
    %slice3A_50 = vector.extract_strided_slice %reshape3A_36 {offsets = [0, 0, 5, 0], sizes = [2, 256, 1, 16], strides = [1, 1, 1, 1]} : vector<2x256x8x16xf32> to vector<2x256x1x16xf32>
    %squeeze3A_51 = vector.shape_cast %slice3A_50 : vector<2x256x1x16xf32> to vector<2x256x16xf32>
    %reshape3A_52 = vector.shape_cast %squeeze3A_51 : vector<2x256x16xf32> to vector<512x16xf32>
    %slice3A_53 = vector.extract_strided_slice %reshape3A_36 {offsets = [0, 0, 6, 0], sizes = [2, 256, 1, 16], strides = [1, 1, 1, 1]} : vector<2x256x8x16xf32> to vector<2x256x1x16xf32>
    %squeeze3A_54 = vector.shape_cast %slice3A_53 : vector<2x256x1x16xf32> to vector<2x256x16xf32>
    %reshape3A_55 = vector.shape_cast %squeeze3A_54 : vector<2x256x16xf32> to vector<512x16xf32>
    %slice3A_56 = vector.extract_strided_slice %reshape3A_36 {offsets = [0, 0, 7, 0], sizes = [2, 256, 1, 16], strides = [1, 1, 1, 1]} : vector<2x256x8x16xf32> to vector<2x256x1x16xf32>
    %squeeze3A_57 = vector.shape_cast %slice3A_56 : vector<2x256x1x16xf32> to vector<2x256x16xf32>
    %reshape3A_58 = vector.shape_cast %squeeze3A_57 : vector<2x256x16xf32> to vector<512x16xf32>
    %concatenate3A = tpu.concatenate %reshape3A_37, %reshape3A_40, %reshape3A_43, %reshape3A_46, %reshape3A_49, %reshape3A_52, %reshape3A_55, %reshape3A_58 in 1 : vector<512x16xf32>, vector<512x16xf32>, vector<512x16xf32>, vector<512x16xf32>, vector<512x16xf32>, vector<512x16xf32>, vector<512x16xf32>, vector<512x16xf32> -> vector<512x128xf32>
    %swap3A = arith.constant 0 : index
    %swap3A_59 = arith.constant 0 : index
    %swap3A_60 = vector.load %arg6[%swap3A, %swap3A_59] : memref<512x128xf32, #tpu.memory_space<vmem>>, vector<512x128xf32>
    tpu.vector_store %arg6[%swap3A, %swap3A_59], %concatenate3A {strides = array<i32>} : memref<512x128xf32, #tpu.memory_space<vmem>>, vector<512x128xf32>,
    %reduce_sum3A_61 = arith.constant dense<0.000000e+00> : vector<2x1xf32>
    %reduce_sum3A_62 = vector.multi_reduction <add>, %broadcast_in_dim3A_32, %reduce_sum3A_61 [1] : vector<2x2048x1xf32> to vector<2x1xf32>
    %reshape3A_63 = vector.shape_cast %reduce_sum3A_62 : vector<2x1xf32> to vector<1x2x1xf32>
    %swap3A_64 = arith.constant 0 : index
    %swap3A_65 = arith.constant 0 : index
    %swap3A_66 = arith.constant 0 : index
    %swap3A_67 = vector.load %arg7[%swap3A_64, %swap3A_65, %swap3A_66] : memref<1x2x1xf32, #tpu.memory_space<vmem>>, vector<1x2x1xf32>
    tpu.vector_store %arg7[%swap3A_64, %swap3A_65, %swap3A_66], %reshape3A_63 {strides = array<i32>} : memref<1x2x1xf32, #tpu.memory_space<vmem>>, vector<1x2x1xf32>,
    return
  }
  func.func @transform_0(%arg0: i32) -> (i32, i32) {
    %c0_i32 = arith.constant 0 : i32
    %c0_i32_0 = arith.constant 0 : i32
    return %arg0, %c0_i32 : i32, i32
  }
  func.func @transform_1(%arg0: i32) -> (i32, i32) {
    %c0_i32 = arith.constant 0 : i32
    %c0_i32_0 = arith.constant 0 : i32
    %c0_i32_1 = arith.constant 0 : i32
    return %c0_i32, %c0_i32_0 : i32, i32
  }
  func.func @transform_2(%arg0: i32) -> (i32, i32) {
    %c0_i32 = arith.constant 0 : i32
    %c0_i32_0 = arith.constant 0 : i32
    %c0_i32_1 = arith.constant 0 : i32
    return %c0_i32, %c0_i32_0 : i32, i32
  }
  func.func @transform_3(%arg0: i32) -> (i32, i32) {
    %c0_i32 = arith.constant 0 : i32
    %c0_i32_0 = arith.constant 0 : i32
    %c0_i32_1 = arith.constant 0 : i32
    return %c0_i32, %c0_i32_0 : i32, i32
  }
  func.func @transform_4(%arg0: i32) -> (i32, i32) {
    %c0_i32 = arith.constant 0 : i32
    %c0_i32_0 = arith.constant 0 : i32
    %c0_i32_1 = arith.constant 0 : i32
    return %c0_i32, %c0_i32_0 : i32, i32
  }
  func.func @transform_5(%arg0: i32) -> (i32, i32) {
    %c0_i32 = arith.constant 0 : i32
    %c0_i32_0 = arith.constant 0 : i32
    return %arg0, %c0_i32 : i32, i32
  }
  func.func @transform_6(%arg0: i32) -> (i32, i32, i32) {
    %c0_i32 = arith.constant 0 : i32
    %c0_i32_0 = arith.constant 0 : i32
    %c0_i32_1 = arith.constant 0 : i32
    return %arg0, %c0_i32, %c0_i32_0 : i32, i32, i32
  }
}

</mosaic_0001>

<sc_bundles>
// kernel: kernel.4.cloned.1.call-start
scs
__scs_entry_jumppad:
0x0: {  	(pc) =	sbr.rel $0x88, $3  }
0x1: {  	(tag) =	ssettag $0x0;
	lr =	simm.s32 $0x1  }
0x2: {  	[smem:$0x3F9C] =	sst lr;
	_ =	strace $0xD0000000  }
0x3: {  	_ = 	snop  }
0x4: {  	_ = 	snop  }
0x5: {  	_ = 	snop  }
0x6: {  	_ = 	snop  }
0x7: {  	_ = 	snop  }
__scs_overlays_trampoline_lowered:
0x8: {  	[smem:$0x3FAB] =	sst s0  }
0x9: {  	[smem:$0x3FAC] =	sst s1  }
0xa: {  	[smem:$0x3FAD] =	sst s2  }
0xb: {  	[smem:$0x3FAE] =	sst s3  }
0xc: {  	[smem:$0x3FAF] =	sst s4  }
0xd: {  	[smem:$0x3FB0] =	sst s5  }
0xe: {  	[smem:$0x3FB1] =	sst s6  }
0xf: {  	[smem:$0x3FB2] =	sst s7  }
0x10: {  	[smem:$0x3FB3] =	sst s8  }
0x11: {  	[smem:$0x3FB4] =	sst s9;
	s0 =	simm.s32 @!p0 $0x0  }
0x12: {  	s1 =	sld [smem:$0x3F9A];
	s0 =	simm.s32 @p0 $0x1  }
0x13: {  	[smem:$0x3FB5] =	sst s0;
	s0 =	simm.s32 @!p1 $0x0  }
0x14: {  	s2 =	sld [smem:$0x3F99];
	s0 =	simm.s32 @p1 $0x1  }
0x15: {  	[smem:$0x3FB6] =	sst s0;
	s0 =	simm.s32 @!p2 $0x0  }
0x16: {  	s3 =	sld [smem:$0x3FDB];
	s0 =	simm.s32 @p2 $0x1  }
0x17: {  	s4 =	simm.s32 $0x1BF5;
	[smem:$0x3FB8] =	sst s0  }
0x18: {  	s0 =	sld [smem:$0x3F9B];
	_ =	swait.ge [sflag:s4], $0x0  }
0x19: {  	s7 =	sld [smem:$0x3F9C]  }
0x1a: {  	s8 =	sadd.s32 $0xFFFFE003, lr  }
0x1b: {  	s9 =	sadd.s32 $0xFFFFFEF7, lr;
	s5 =	simm.s32 $0xFFFFFFFF;
	p2 =	slt.u32 s8, $0xFFFFF086  }
0x1c: {  	p1 =	slt.u32 s9, $0xF7A;
	s5 =	simm.s32 @!p2 $0x0  }
0x1d: {  	s5 =	simm.s32 @p1 $0x1;
	p0 =	seq.s32 s7, s2  }
0x1e: {  	s7 =	smul.u32 @!p0 $0xF7A, s2;
	p2 =	seq.s32 @!p0 s5, $0x0  }
0x1f: {  	s9 =	smul.u32 $0xF7A, s1;
	s8 =	simm.s32 @!p0 $0x1BF5;
	p2 =	por !p2, p0  }
0x20: {  	[sflag:s8] =	ssyncset.s32 @!p0 $0xFFFFF086;
	s6 =	sadd.s32 @!p0 s3, s7;
	s7 =	simm.s32 @!p0 $0x108  }
0x21: {  	s3 =	sadd.s32 s3, s9;
	s6 =	sadd.s32 @!p0 $0x88, s6;
	s7 =	simm.s32 @p2 $0x1082  }
0x22: {  	[simem:s7], [sflag:s8] =	dma.local @!p0 [hbm:s6], $0xF7A  }
0x23: {  	s9 =	sor.u32 $0xD0000000, s2;
	s6 =	simm.s32 $0x108;
	_ =	swait.ge @!p0 [sflag:s8], $0x0  }
0x24: {  	s3 =	sadd.s32 $0x88, s3;
	s6 =	simm.s32 @!p1 $0x1082;
	[sflag:s4] =	ssyncset.s32 $0xFFFFF086  }
0x25: {  	[simem:s6], [sflag:s4] =	dma.local [hbm:s3], $0xF7A  }
0x26: {  	[smem:$0x3F9C] =	sst s1;
	(tag) =	ssettag s2;
	_ =	strace s9  }
0x27: {  	s1 =	sld [smem:$0x3FAC]  }
0x28: {  	s2 =	sld [smem:$0x3FAD]  }
0x29: {  	s4 =	sld [smem:$0x3FAF]  }
0x2a: {  	p0 =	seq.s32 s5, $0x0;
	s5 =	sld [smem:$0x3FB0]  }
0x2b: {  	s6 =	sld [smem:$0x3FB1]  }
0x2c: {  	s7 =	sld [smem:$0x3FB2]  }
0x2d: {  	s3 =	simm.s32 $0x108;
	s8 =	sld [smem:$0x3FB3]  }
0x2e: {  	s3 =	simm.s32 @!p0 $0x1082;
	s9 =	sld [smem:$0x3FB4]  }
0x2f: {  	lr =	sadd.s32 s0, s3;
	s0 =	sld [smem:$0x3FAB]  }
0x30: {  	s3 =	sld [smem:$0x3FAE]  }
0x31: {  	[smem:$0x3FB7] =	sst s10  }
0x32: {  	s10 =	sld [smem:$0x3FB5];
	_ =	sdelay $0x3  }
0x33: {  	p0 =	seq.s32 s10, $0x1;
	s10 =	sld [smem:$0x3FB7];
	_ =	sdelay $0x3  }
0x34: {  	[smem:$0x3FB7] =	sst s10  }
0x35: {  	s10 =	sld [smem:$0x3FB6];
	_ =	sdelay $0x3  }
0x36: {  	p1 =	seq.s32 s10, $0x1;
	s10 =	sld [smem:$0x3FB7];
	_ =	sdelay $0x3  }
0x37: {  	[smem:$0x3FB7] =	sst s10  }
0x38: {  	s10 =	sld [smem:$0x3FB8]  }
0x39: {  	_ = 	snop;
	(pc) =	sbr.ind lr, $3  }
0x3a: {  	_ = 	snop  }
0x3b: {  	_ = 	snop  }
0x3c: {  	p2 =	seq.s32 s10, $0x1;
	s10 =	sld [smem:$0x3FB7]  }
0x3d: {  	_ =	shalt  }
0x3e: {  	_ =	shalt  }
0x3f: {  	_ =	shalt  }
0x40: {  	_ =	shalt  }
0x41: {  	_ =	shalt  }
0x42: {  	_ =	shalt  }
0x43: {  	_ =	shalt  }
0x44: {  	_ =	shalt  }
0x45: {  	_ =	shalt  }
0x46: {  	_ =	shalt  }
0x47: {  	_ =	shalt  }
0x48: {  	_ =	shalt  }
0x49: {  	_ =	shalt  }
0x4a: {  	_ =	shalt  }
0x4b: {  	_ =	shalt  }
0x4c: {  	_ =	shalt  }
0x4d: {  	_ =	shalt  }
0x4e: {  	_ =	shalt  }
0x4f: {  	_ =	shalt  }
0x50: {  	_ =	shalt  }
0x51: {  	_ =	shalt  }
0x52: {  	_ =	shalt  }
0x53: {  	_ =	shalt  }
0x54: {  	_ =	shalt  }
0x55: {  	_ =	shalt  }
0x56: {  	_ =	shalt  }
0x57: {  	_ =	shalt  }
0x58: {  	_ =	shalt  }
0x59: {  	_ =	shalt  }
0x5a: {  	_ =	shalt  }
0x5b: {  	_ =	shalt  }
0x5c: {  	_ =	shalt  }
0x5d: {  	_ =	shalt  }
0x5e: {  	_ =	shalt  }
0x5f: {  	_ =	shalt  }
0x60: {  	_ =	shalt  }
0x61: {  	_ =	shalt  }
0x62: {  	_ =	shalt  }
0x63: {  	_ =	shalt  }
0x64: {  	_ =	shalt  }
0x65: {  	_ =	shalt  }
0x66: {  	_ =	shalt  }
0x67: {  	_ =	shalt  }
0x68: {  	_ =	shalt  }
0x69: {  	_ =	shalt  }
0x6a: {  	_ =	shalt  }
0x6b: {  	_ =	shalt  }
0x6c: {  	_ =	shalt  }
0x6d: {  	_ =	shalt  }
0x6e: {  	_ =	shalt  }
0x6f: {  	_ =	shalt  }
0x70: {  	_ =	shalt  }
0x71: {  	_ =	shalt  }
0x72: {  	_ =	shalt  }
0x73: {  	_ =	shalt  }
0x74: {  	_ =	shalt  }
0x75: {  	_ =	shalt  }
0x76: {  	_ =	shalt  }
0x77: {  	_ =	shalt  }
0x78: {  	_ =	shalt  }
0x79: {  	_ =	shalt  }
0x7a: {  	_ =	shalt  }
0x7b: {  	_ =	shalt  }
0x7c: {  	_ =	shalt  }
0x7d: {  	_ =	shalt  }
0x7e: {  	_ =	shalt  }
0x7f: {  	_ =	shalt  }
0x80: {  	_ =	shalt  }
0x81: {  	_ =	shalt  }
0x82: {  	_ =	shalt  }
0x83: {  	_ =	shalt  }
0x84: {  	_ =	shalt  }
0x85: {  	_ =	shalt  }
0x86: {  	_ =	shalt  }
0x87: {  	_ =	shalt  }
.Lfunc_end0:
.L_simem_size_0:
called_computation_lowered:
.L_overlay_start_0:
0x88: {  	s2 =	sld [smem:$0x3FD9]  }
0x89: {  	s3 =	sld [smem:$0x3FFE];
	_ =	sdelay $0x1  }
0x8a: {  	s1 =	srdreg.scid  }
0x8b: {  	s0 =	sand.u32 $0x1, s1  }
0x8c: {  	s16 =	sshll.u32 s0, $0xA;
	s2 =	sadd.s32 s3, s2  }
0x8d: {  	s2 =	sadd.s32 s2, s16  }
0x8e: {  	[smem:$0x3FC3] =	sst s2  }
0x8f: {  	_ = 	snop  }
0x90: {  	(tm) =	ssettm $0x1  }
0x91: {  	s17 =	sld [smem:$0x3FFB];
	_ =	sdelay $0x3  }
0x92: {  	_ =	strace s17  }
0x93: {  	s2 =	sld [smem:$0x3FFC];
	_ =	sdelay $0x3  }
0x94: {  	_ =	strace s2  }
0x95: {  	s2 =	sld [smem:$0x3FFD];
	_ =	sdelay $0x3  }
0x96: {  	_ =	strace s2  }
0x97: {  	_ =	strace $0x8FFFFFFF  }
0x98: {  	s18 =	sld [smem:$0x3FDB];
	_ =	sdelay $0x1  }
0x99: {  	s19 =	simm.s32 $_scs_section_size  }
0x9a: {  	s4 =	simm.s32 $_size__tile_overlayer_lowered;
	s5 =	simm.s32 $_tile_overlayer_lowered  }
0x9b: {  	s22 =	simm.s32 $0x1BFF;
	s21 =	sshll.u32 s5, $0x1;
	s2 =	sadd.s32 s19, s18  }
0x9c: {  	s6 =	simm.s32 $0x0;
	s20 =	sshll.u32 s4, $0x1;
	s4 =	sadd.s32 s21, s2  }
0x9d: {  	[timem:s6], [sflag:s22] =	dma.local [hbm:s4], s20  }
0x9e: {  	_ =	swait.ge [sflag:s22], s20  }
0x9f: {  	s3 =	ssub.s32 $0x0, s20;
	[sflag:s22] =	ssyncset.done $0x0  }
0xa0: {  	[sflag:s22] =	ssyncadd.s32 s3;
	_ =	sdelay $0x1  }
0xa1: {  	s23 =	simm.s32 $0x1B8B  }
0xa2: {  	_ =	swait.ge [sflag:s23], $0x1  }
0xa3: {  	[sflag:s23] =	ssyncset.done $0x0  }
0xa4: {  	s25 =	simm.s32 $0x1B8E;
	s24 =	sld [smem:$0x3FFE];
	[sflag:s23] =	ssyncadd.s32 $0xFFFFFFFF  }
0xa5: {  	s26 =	simm.s32 $execute0_lowered;
	[smem:$0x3FD2] =	sst s25  }
0xa6: {  	s4 =	sshll.u32 s26, $0x1;
	_ =	strace $0x80000046;
	[dreg:$0x1] =	wrdreg $0xFFFFFFFF  }
0xa7: {  	s28 =	simm.s32 $_size_execute0_lowered;
	s2 =	sadd.s32 s2, s4;
	[dreg:$0x0] =	wrdreg $0x0  }
0xa8: {  	s4 =	sshll.u32 s28, $0x1;
	[dreg:$0x2] =	wrdreg s2  }
0xa9: {  	[dreg:$0x3] =	wrdreg s4  }
0xaa: {  	[dreg:$0x4] =	wrdreg $0xC0  }
0xab: {  	_ =	task [dreg:s6], $0x5FFFF  }
0xac: {  	[dreg:$0x1] =	wrdreg $0xFFFFFFFF  }
0xad: {  	[dreg:$0x0] =	wrdreg $0x60  }
0xae: {  	[dreg:$0x2] =	wrdreg s24  }
0xaf: {  	[dreg:$0x3] =	wrdreg $0x9  }
0xb0: {  	_ =	task.clear_ibuf [dreg:s6], $0x4FFFF;
	_ =	strace $0x90000046  }
0xb1: {  	s29 =	simm.s32 $0x9;
	_ =	strace $0x80000048  }
0xb2: {  	_ =	swait.ge [sflag:s29], $0x1  }
0xb3: {  	[sflag:s29] =	ssyncadd.s32 $0xFFFFFFFF  }
0xb4: {  	_ =	strace $0x90000048  }
0xb5: {  	_ =	sfence  }
0xb6: {  	s30 =	sld [smem:$0x0];
	_ =	sdelay $0x2  }
0xb7: {  	s31 =	sshll.u32 s1, $0xD;
	s1 =	sshrl.u32 s1, $0x2  }
0xb8: {  	s3 =	sand.u32 $0x4000, s31;
	s1 =	sadd.s32 s1, s30  }
0xb9: {  	s0 =	sor.u32 s3, s0;
	s1 =	sshll.u32 s1, $0x11  }
0xba: {  	s0 =	sor.u32 s1, s0  }
0xbb: {  	s0 =	sadd.s32 $0x8F2B, s0  }
0xbc: {  	[sflag:s0] =	ssyncadd.remote.s32 $0x1  }
0xbd: {  	_ =	sfence.sel $0xFFFF  }
0xbe: {  	[dreg:$0x0] =	wrdreg $0xFFFFFFFF;
	(pc) =	sbr.abs _section_cstart, $3  }
0xbf: {  	[dreg:$0x1] =	wrdreg $0xFFFFFFFF  }
0xc0: {  	_ =	task.clear_ibuf [dreg:s6], $0x2FFFF;
	_ =	strace $0x9FFFFFFF  }
0xc1: {  	(tm) =	ssettm $0x7FFFFFFF  }
tec
execute0_lowered:
.L_overlay_start_1:
0x0: {  	(tag) =	ssettag $0x1  }
0x1: {  	s1 =	srdreg.scid  }
0x2: {  	s1 =	sand.u32 $0x1, s1  }
0x3: {  	p0 =	seq.s32 s1, $0x1  }
.Ltmp0:
0x4: {  	_ = 	snop;
	(pc) =	sbr.rel @p0 .LBB2_4-.Ltmp0, $4  }
0x5: {  	_ = 	snop  }
0x6: {  	s3 =	rddreg [dreg:$0x0];
	s2 =	simm.s32 $0x0  }
0x7: {  	[smem:$0x7FF] =	sst s2  }
0x8: {  	s0 =	rddreg [dreg:$0x1];
	_ =	strace $0x80000047;
	s1 =	stileid.u32  }
0x9: {  	s4 =	sadd.s32 $0x600, s3;
	s5 =	sshll.u32 s1, $0xC  }
0xa: {  	s28 =	simm.s32 $0x1;
	s4 =	sadd.s32 s4, s5  }
0xb: {  	[tilespmem:s2], [sflag:$0x1] =	stream.linear.gather [hbm4b:s4+s2], $0x8000, $0x38;
	[tilespmem:$0x8300] =	vst v63  }
0xc: {  	_ =	swait.ge [sflag:s28], $0x8000  }
0xd: {  	[sflag:s28] =	ssyncset.done $0x0  }
0xe: {  	s29 =	sadd.s32 $0x400, s3;
	s6 =	simm.s32 $0x8000;
	[sflag:s28] =	ssyncadd.s32 $0xFFFF8000  }
0xf: {  	[tilespmem:s6], [sflag:$0x1] =	stream.linear.gather [hbm4b:s29+s2], $0x180, $0x38;
	[tilespmem:$0x8300] =	vst v63  }
0x10: {  	_ =	swait.ge [sflag:s28], $0x180  }
0x11: {  	[sflag:s28] =	ssyncset.done $0x0  }
0x12: {  	[sflag:s28] =	ssyncadd.s32 $0xFFFFFE80  }
0x13: {  	v0 =	vld [tilespmem:$0x8000];
	_ =	sdelay $0x4  }
0x14: {  	v0 =	vmul.f32 $1.442695020e+00, v0;
	_ =	sdelay $0x1  }
0x15: {  	(erf) = vpow2.f32 v0;
	_ =	sdelay $0x3  }
0x16: {  	v0 =	vimm.s32 $0xFEDCBA98  }
0x17: {  	v2 =	vimm.s32 $0x76543210;
	v1 =	vld [tilespmem:$0x0];
	v0 =	vunpack.c.l.s4.s8 v0  }
0x18: {  	v2 =	vunpack.c.l.s4.s8 v2  }
0x19: {  	v0 =	vunpack.c.0.s8.s32 v0  }
0x1a: {  	v3 =	vimm.s32 $0xBA98FEDC;
	v4 =	vimm.s32 $0x32107654;
	v2 =	vunpack.c.0.s8.s32 v2  }
0x1b: {  	v3 =	vunpack.c.l.s4.s8 v3;
	v4 =	vunpack.c.l.s4.s8 v4;
	v0 =	vand.u32 $0xF, v0;
	v5 =	vpop (erf)  }
0x1c: {  	v0 =	vcombine.low v0, v2;
	v7 =	vmul.f32 v1, v5  }
0x1d: {  	v2 =	vunpack.c.0.s8.s32 v4;
	v1 =	vunpack.c.0.s8.s32 v3  }
0x1e: {  	v4 =	vimm.s32 $0xDCFE98BA;
	v5 =	vimm.s32 $0x54761032;
	v3 =	vperm.xlane v7, v0  }
0x1f: {  	v1 =	vcombine.low v2, v1;
	v2 =	vunpack.c.l.s4.s8 v4;
	v4 =	vunpack.c.l.s4.s8 v5  }
0x20: {  	v3 =	vadd.f32 v3, v7  }
0x21: {  	v1 =	vand.u32 $0xF, v1;
	v2 =	vunpack.c.0.s8.s32 v2;
	v4 =	vunpack.c.0.s8.s32 v4  }
0x22: {  	v6 =	vimm.s32 $0xEFCDAB89;
	v8 =	vimm.s32 $0x67452301;
	v5 =	vperm.xlane v3, v1  }
0x23: {  	v2 =	vcombine.low v4, v2;
	v4 =	vunpack.c.l.s4.s8 v6;
	v6 =	vunpack.c.l.s4.s8 v8  }
0x24: {  	v3 =	vadd.f32 v5, v3  }
0x25: {  	v2 =	vand.u32 $0xF, v2;
	v4 =	vunpack.c.0.s8.s32 v4;
	v5 =	vunpack.c.0.s8.s32 v6  }
0x26: {  	v6 =	vperm.xlane v3, v2  }
0x27: {  	v4 =	vcombine.low v5, v4  }
0x28: {  	v5 =	vadd.f32 v6, v3  }
0x29: {  	v3 =	vand.u32 $0xF, v4  }
0x2a: {  	v6 =	vld [tilespmem:$0x8010];
	v4 =	vperm.xlane v5, v3  }
0x2b: {  	v8 =	vld [tilespmem:$0x8020]  }
0x2c: {  	v5 =	vadd.f32 v4, v5;
	_ =	sdelay $0x1  }
0x2d: {  	v9 =	vld [tilespmem:$0x8030];
	v4 =	vimm.f32 $1.000000000e+00;
	vm0 =	vlt.f32 v5, $5.421010860e-20  }
0x2e: {  	v11 =	vld [tilespmem:$0x8040];
	v6 =	vmul.f32 $1.442695020e+00, v6;
	v10 =	vsel vm0, $0x5F800000, v4  }
0x2f: {  	v8 =	vmul.f32 $1.442695020e+00, v8;
	v12 =	vmul.f32 v10, v5  }
0x30: {  	(erf) = vpow2.f32 v6;
	v6 =	vld [tilespmem:$0x8050];
	v13 =	vmul.f32 $4.294967300e+09, v10  }
0x31: {  	vm1 =	vlt.f32 v12, $2.328306440e-10  }
0x32: {  	v9 =	vmul.f32 $1.442695020e+00, v9;
	(erf) = vpow2.f32 v8;
	v8 =	vsel vm1, v13, v10  }
0x33: {  	v11 =	vmul.f32 $1.442695020e+00, v11;
	v10 =	vld [tilespmem:$0x8060];
	v12 =	vmul.f32 v8, v5  }
0x34: {  	(erf) = vpow2.f32 v9;
	v9 =	vld [tilespmem:$0x8070];
	v13 =	vmul.f32 $6.553600000e+04, v8  }
0x35: {  	(erf) = vpow2.f32 v11;
	v11 =	vld [tilespmem:$0x8080];
	v6 =	vmul.f32 $1.442695020e+00, v6;
	vm2 =	vlt.f32 v12, $1.525878910e-05  }
0x36: {  	v8 =	vsel vm2, v13, v8  }
0x37: {  	(erf) = vpow2.f32 v6;
	v6 =	vld [tilespmem:$0x8090];
	v12 =	vmul.f32 v8, v5  }
0x38: {  	v10 =	vmul.f32 $1.442695020e+00, v10;
	v13 =	vmul.f32 $2.560000000e+02, v8  }
0x39: {  	v9 =	vmul.f32 $1.442695020e+00, v9;
	vm3 =	vlt.f32 v12, $3.906250000e-03  }
0x3a: {  	v11 =	vmul.f32 $1.442695020e+00, v11;
	(erf) = vpow2.f32 v10;
	v10 =	vld [tilespmem:$0x80A0];
	v8 =	vsel vm3, v13, v8  }
0x3b: {  	(erf) = vpow2.f32 v9;
	v9 =	vld [tilespmem:$0x80B0];
	v12 =	vmul.f32 v8, v5  }
0x3c: {  	v6 =	vmul.f32 $1.442695020e+00, v6;
	v13 =	vmul.f32 $1.600000000e+01, v8  }
0x3d: {  	(erf) = vpow2.f32 v11;
	v11 =	vld [tilespmem:$0x80C0];
	vm4 =	vlt.f32 v12, $6.250000000e-02  }
0x3e: {  	(erf) = vpow2.f32 v6;
	v12 =	vld [tilespmem:$0x80D0];
	v8 =	vsel vm4, v13, v8  }
0x3f: {  	v10 =	vmul.f32 $1.442695020e+00, v10;
	v13 =	vmul.f32 v8, v5  }
0x40: {  	v6 =	vld [tilespmem:$0x80E0];
	v14 =	vmul.f32 $4.000000000e+00, v8;
	v9 =	vmul.f32 $1.442695020e+00, v9  }
0x41: {  	(erf) = vpow2.f32 v10;
	vm5 =	vlt.f32 v13, $2.500000000e-01  }
0x42: {  	v10 =	vld [tilespmem:$0x80F0];
	v11 =	vmul.f32 $1.442695020e+00, v11;
	(erf) = vpow2.f32 v9;
	v8 =	vsel vm5, v14, v8  }
0x43: {  	v13 =	vld [tilespmem:$0x8100];
	v9 =	vmul.f32 $1.442695020e+00, v12;
	v14 =	vmul.f32 v8, v5  }
0x44: {  	(erf) = vpow2.f32 v11;
	v12 =	vadd.f32 v8, v8  }
0x45: {  	v5 =	vpop (erf);
	(erf) = vpow2.f32 v9;
	v9 =	vmul.f32 $1.442695020e+00, v6;
	vm6 =	vlt.f32 v14, $5.000000000e-01  }
0x46: {  	v8 =	vsel vm6, v12, v8  }
0x47: {  	v6 =	vpop (erf);
	v10 =	vmul.f32 $1.442695020e+00, v10;
	v36 =	vmul.f32 v8, v7  }
0x48: {  	(erf) = vpow2.f32 v9;
	v11 =	vmul.f32 $1.442695020e+00, v13;
	v7 =	vpop (erf);
	v8 =	vimm.s32 $0x0  }
0x49: {  	v9 =	vpop (erf);
	(erf) = vpow2.f32 v10;
	v10 =	vimm.s32 $0x1;
	v12 =	vperm.xlane v36, v8  }
0x4a: {  	(erf) = vpow2.f32 v11;
	v13 =	vperm.xlane v36, v10;
	v11 =	vimm.s32 $0x2  }
0x4b: {  	v14 =	vperm.xlane v36, v11;
	v37 =	vmul.f32 v12, v5;
	v12 =	vimm.s32 $0x3  }
0x4c: {  	v38 =	vmul.f32 v13, v6;
	v13 =	vimm.s32 $0x4;
	v16 =	vperm.xlane v36, v12  }
0x4d: {  	v39 =	vmul.f32 v14, v7;
	v18 =	vperm.xlane v36, v13;
	v14 =	vimm.s32 $0x5  }
0x4e: {  	v15 =	vpop (erf);
	v20 =	vperm.xlane v36, v14;
	v40 =	vmul.f32 v16, v9;
	v16 =	vimm.s32 $0x6  }
0x4f: {  	v17 =	vpop (erf);
	v41 =	vmul.f32 v18, v15;
	v18 =	vimm.s32 $0x7;
	v22 =	vperm.xlane v36, v16  }
0x50: {  	v19 =	vpop (erf);
	v42 =	vmul.f32 v20, v17;
	v24 =	vperm.xlane v36, v18;
	v20 =	vimm.s32 $0x8  }
0x51: {  	v21 =	vpop (erf);
	v26 =	vperm.xlane v36, v20;
	v43 =	vmul.f32 v22, v19;
	v22 =	vimm.s32 $0x9  }
0x52: {  	v23 =	vpop (erf);
	v44 =	vmul.f32 v24, v21;
	v24 =	vimm.s32 $0xA;
	v28 =	vperm.xlane v36, v22  }
0x53: {  	v25 =	vpop (erf);
	v45 =	vmul.f32 v26, v23;
	v30 =	vperm.xlane v36, v24;
	v26 =	vimm.s32 $0xB  }
0x54: {  	v27 =	vpop (erf);
	v32 =	vperm.xlane v36, v26;
	v46 =	vmul.f32 v28, v25;
	v28 =	vimm.s32 $0xC  }
0x55: {  	v29 =	vpop (erf);
	v47 =	vmul.f32 v30, v27;
	v30 =	vimm.s32 $0xD;
	v34 =	vperm.xlane v36, v28  }
0x56: {  	v31 =	vpop (erf);
	v48 =	vmul.f32 v32, v29;
	v49 =	vperm.xlane v36, v30  }
0x57: {  	v33 =	vpop (erf);
	v32 =	vimm.s32 $0xE;
	v50 =	vmul.f32 v34, v31;
	v34 =	vimm.s32 $0xF  }
0x58: {  	v37 =	vadd.f32 v38, v37;
	v35 =	vpop (erf);
	v51 =	vperm.xlane v36, v32;
	v52 =	vperm.xlane v36, v34  }
0x59: {  	v54 =	vadd.f32 v40, v39;
	v56 =	vadd.f32 v42, v41;
	v49 =	vmul.f32 v49, v33;
	v36 =	vpop (erf)  }
0x5a: {  	v57 =	vadd.f32 v44, v43;
	v51 =	vmul.f32 v51, v35;
	v55 =	vmul.f32 v52, v36  }
0x5b: {  	v58 =	vadd.f32 v46, v45;
	v59 =	vadd.f32 v48, v47  }
0x5c: {  	v60 =	vadd.f32 v49, v50;
	v39 =	vadd.f32 v55, v51  }
0x5d: {  	v37 =	vadd.f32 v54, v37;
	v61 =	vadd.f32 v57, v56  }
0x5e: {  	v62 =	vadd.f32 v59, v58;
	v39 =	vadd.f32 v39, v60  }
0x5f: {  	v63 =	vld [tilespmem:$0x10]  }
0x60: {  	v37 =	vadd.f32 v61, v37;
	v43 =	vadd.f32 v39, v62;
	_ =	sdelay $0x1  }
0x61: {  	v37 =	vadd.f32 v43, v37;
	_ =	sdelay $0x1  }
0x62: {  	v37 =	vmul.f32 v37, v63;
	_ =	sdelay $0x1  }
0x63: {  	v44 =	vperm.xlane v37, v8;
	v45 =	vperm.xlane v37, v10  }
0x64: {  	v46 =	vperm.xlane v37, v11;
	v41 =	vperm.xlane v37, v12  }
0x65: {  	v47 =	vperm.xlane v37, v13;
	v48 =	vperm.xlane v37, v14  }
0x66: {  	v49 =	vperm.xlane v37, v16;
	v50 =	vperm.xlane v37, v18  }
0x67: {  	v51 =	vperm.xlane v37, v20;
	v52 =	vperm.xlane v37, v22  }
0x68: {  	v53 =	vperm.xlane v37, v24;
	v54 =	vperm.xlane v37, v26  }
0x69: {  	v55 =	vperm.xlane v37, v28;
	v56 =	vperm.xlane v37, v30  }
0x6a: {  	v57 =	vperm.xlane v37, v32;
	v37 =	vperm.xlane v37, v34  }
0x6b: {  	v38 =	vmul.f32 v44, v5;
	v39 =	vmul.f32 v45, v6  }
0x6c: {  	v40 =	vmul.f32 v46, v7;
	v41 =	vmul.f32 v41, v9  }
0x6d: {  	v42 =	vmul.f32 v47, v15;
	v43 =	vmul.f32 v48, v17  }
0x6e: {  	v44 =	vmul.f32 v49, v19;
	v45 =	vmul.f32 v50, v21  }
0x6f: {  	v46 =	vmul.f32 v51, v23;
	v47 =	vmul.f32 v52, v25  }
0x70: {  	v48 =	vmul.f32 v53, v27;
	v49 =	vmul.f32 v54, v29  }
0x71: {  	v50 =	vmul.f32 v55, v31;
	v51 =	vmul.f32 v56, v33  }
0x72: {  	v52 =	vmul.f32 v57, v35;
	v38 =	vadd.f32 v39, v38;
	v58 =	vadd.f32 v41, v40  }
0x73: {  	v37 =	vmul.f32 v37, v36;
	v59 =	vadd.f32 v43, v42;
	v60 =	vadd.f32 v45, v44  }
0x74: {  	v61 =	vadd.f32 v47, v46;
	v62 =	vadd.f32 v49, v48  }
0x75: {  	v63 =	vadd.f32 v51, v50;
	v37 =	vadd.f32 v37, v52  }
0x76: {  	v38 =	vadd.f32 v58, v38;
	v47 =	vadd.f32 v60, v59  }
0x77: {  	v48 =	vadd.f32 v62, v61;
	v37 =	vadd.f32 v37, v63  }
0x78: {  	v49 =	vld [tilespmem:$0x20]  }
0x79: {  	v38 =	vadd.f32 v47, v38;
	v37 =	vadd.f32 v37, v48;
	_ =	sdelay $0x1  }
0x7a: {  	v37 =	vadd.f32 v37, v38;
	_ =	sdelay $0x1  }
0x7b: {  	v37 =	vmul.f32 v37, v49;
	_ =	sdelay $0x1  }
0x7c: {  	v50 =	vperm.xlane v37, v8;
	v51 =	vperm.xlane v37, v10  }
0x7d: {  	v52 =	vperm.xlane v37, v11;
	v41 =	vperm.xlane v37, v12  }
0x7e: {  	v53 =	vperm.xlane v37, v13;
	v54 =	vperm.xlane v37, v14  }
0x7f: {  	v55 =	vperm.xlane v37, v16;
	v56 =	vperm.xlane v37, v18  }
0x80: {  	v57 =	vperm.xlane v37, v20;
	v58 =	vperm.xlane v37, v22  }
0x81: {  	v59 =	vperm.xlane v37, v24;
	v60 =	vperm.xlane v37, v26  }
0x82: {  	v61 =	vperm.xlane v37, v28;
	v62 =	vperm.xlane v37, v30  }
0x83: {  	v63 =	vperm.xlane v37, v32;
	v37 =	vperm.xlane v37, v34  }
0x84: {  	v38 =	vmul.f32 v50, v5;
	v39 =	vmul.f32 v51, v6  }
0x85: {  	v40 =	vmul.f32 v52, v7;
	v41 =	vmul.f32 v41, v9  }
0x86: {  	v42 =	vmul.f32 v53, v15;
	v43 =	vmul.f32 v54, v17  }
0x87: {  	v44 =	vmul.f32 v55, v19;
	v45 =	vmul.f32 v56, v21  }
0x88: {  	v46 =	vmul.f32 v57, v23;
	v47 =	vmul.f32 v58, v25  }
0x89: {  	v48 =	vmul.f32 v59, v27;
	v49 =	vmul.f32 v60, v29  }
0x8a: {  	v50 =	vmul.f32 v61, v31;
	v51 =	vmul.f32 v62, v33  }
0x8b: {  	v52 =	vmul.f32 v63, v35;
	v38 =	vadd.f32 v39, v38;
	v56 =	vadd.f32 v41, v40  }
0x8c: {  	v37 =	vmul.f32 v37, v36;
	v57 =	vadd.f32 v43, v42;
	v58 =	vadd.f32 v45, v44  }
0x8d: {  	v59 =	vadd.f32 v47, v46;
	v60 =	vadd.f32 v49, v48  }
0x8e: {  	v61 =	vadd.f32 v51, v50;
	v37 =	vadd.f32 v37, v52  }
0x8f: {  	v38 =	vadd.f32 v56, v38;
	v62 =	vadd.f32 v58, v57  }
0x90: {  	v63 =	vadd.f32 v60, v59;
	v37 =	vadd.f32 v37, v61  }
0x91: {  	v45 =	vld [tilespmem:$0x30]  }
0x92: {  	v38 =	vadd.f32 v62, v38;
	v37 =	vadd.f32 v37, v63;
	_ =	sdelay $0x1  }
0x93: {  	v37 =	vadd.f32 v37, v38;
	_ =	sdelay $0x1  }
0x94: {  	v37 =	vmul.f32 v37, v45;
	_ =	sdelay $0x1  }
0x95: {  	v46 =	vperm.xlane v37, v8;
	v47 =	vperm.xlane v37, v10  }
0x96: {  	v48 =	vperm.xlane v37, v11;
	v41 =	vperm.xlane v37, v12  }
0x97: {  	v49 =	vperm.xlane v37, v13;
	v50 =	vperm.xlane v37, v14  }
0x98: {  	v51 =	vperm.xlane v37, v16;
	v52 =	vperm.xlane v37, v18  }
0x99: {  	v53 =	vperm.xlane v37, v20;
	v54 =	vperm.xlane v37, v22  }
0x9a: {  	v55 =	vperm.xlane v37, v24;
	v56 =	vperm.xlane v37, v26  }
0x9b: {  	v57 =	vperm.xlane v37, v28;
	v58 =	vperm.xlane v37, v30  }
0x9c: {  	v59 =	vperm.xlane v37, v32;
	v37 =	vperm.xlane v37, v34  }
0x9d: {  	v38 =	vmul.f32 v46, v5;
	v39 =	vmul.f32 v47, v6  }
0x9e: {  	v40 =	vmul.f32 v48, v7;
	v41 =	vmul.f32 v41, v9  }
0x9f: {  	v42 =	vmul.f32 v49, v15;
	v43 =	vmul.f32 v50, v17  }
0xa0: {  	v44 =	vmul.f32 v51, v19;
	v45 =	vmul.f32 v52, v21  }
0xa1: {  	v46 =	vmul.f32 v53, v23;
	v47 =	vmul.f32 v54, v25  }
0xa2: {  	v48 =	vmul.f32 v55, v27;
	v49 =	vmul.f32 v56, v29  }
0xa3: {  	v50 =	vmul.f32 v57, v31;
	v51 =	vmul.f32 v58, v33  }
0xa4: {  	v52 =	vmul.f32 v59, v35;
	v38 =	vadd.f32 v39, v38;
	v60 =	vadd.f32 v41, v40  }
0xa5: {  	v37 =	vmul.f32 v37, v36;
	v61 =	vadd.f32 v43, v42;
	v62 =	vadd.f32 v45, v44  }
0xa6: {  	v63 =	vadd.f32 v47, v46;
	v49 =	vadd.f32 v49, v48  }
0xa7: {  	v50 =	vadd.f32 v51, v50;
	v37 =	vadd.f32 v37, v52  }
0xa8: {  	v38 =	vadd.f32 v60, v38;
	v51 =	vadd.f32 v62, v61  }
0xa9: {  	v52 =	vadd.f32 v49, v63;
	v37 =	vadd.f32 v37, v50  }
0xaa: {  	v53 =	vld [tilespmem:$0x40]  }
0xab: {  	v38 =	vadd.f32 v51, v38;
	v37 =	vadd.f32 v37, v52;
	_ =	sdelay $0x1  }
0xac: {  	v37 =	vadd.f32 v37, v38;
	_ =	sdelay $0x1  }
0xad: {  	v37 =	vmul.f32 v37, v53;
	_ =	sdelay $0x1  }
0xae: {  	v54 =	vperm.xlane v37, v0;
	_ =	sdelay $0x1  }
0xaf: {  	v38 =	vadd.f32 v37, v54;
	_ =	sdelay $0x1  }
0xb0: {  	v55 =	vperm.xlane v38, v1;
	_ =	sdelay $0x1  }
0xb1: {  	v38 =	vadd.f32 v38, v55;
	_ =	sdelay $0x1  }
0xb2: {  	v39 =	vperm.xlane v38, v2;
	_ =	sdelay $0x1  }
0xb3: {  	v38 =	vadd.f32 v38, v39;
	_ =	sdelay $0x1  }
0xb4: {  	v39 =	vperm.xlane v38, v3;
	_ =	sdelay $0x1  }
0xb5: {  	v38 =	vadd.f32 v38, v39;
	_ =	sdelay $0x1  }
0xb6: {  	vm13 =	vlt.f32 v38, $5.421010860e-20  }
0xb7: {  	v56 =	vsel vm13, $0x5F800000, v4  }
0xb8: {  	v57 =	vmul.f32 v56, v38  }
0xb9: {  	v58 =	vmul.f32 $4.294967300e+09, v56  }
0xba: {  	vm12 =	vlt.f32 v57, $2.328306440e-10  }
0xbb: {  	v39 =	vsel vm12, v58, v56  }
0xbc: {  	v59 =	vmul.f32 v39, v38  }
0xbd: {  	v41 =	vmul.f32 $6.553600000e+04, v39  }
0xbe: {  	vm11 =	vlt.f32 v59, $1.525878910e-05  }
0xbf: {  	v39 =	vsel vm11, v41, v39  }
0xc0: {  	v60 =	vmul.f32 v39, v38  }
0xc1: {  	v41 =	vmul.f32 $2.560000000e+02, v39  }
0xc2: {  	vm10 =	vlt.f32 v60, $3.906250000e-03  }
0xc3: {  	v39 =	vsel vm10, v41, v39  }
0xc4: {  	v61 =	vmul.f32 v39, v38  }
0xc5: {  	v41 =	vmul.f32 $1.600000000e+01, v39  }
0xc6: {  	vm9 =	vlt.f32 v61, $6.250000000e-02  }
0xc7: {  	v39 =	vsel vm9, v41, v39  }
0xc8: {  	v62 =	vmul.f32 v39, v38  }
0xc9: {  	v41 =	vmul.f32 $4.000000000e+00, v39  }
0xca: {  	vm8 =	vlt.f32 v62, $2.500000000e-01  }
0xcb: {  	v39 =	vsel vm8, v41, v39  }
0xcc: {  	v38 =	vmul.f32 v39, v38  }
0xcd: {  	v63 =	vadd.f32 v39, v39  }
0xce: {  	vm7 =	vlt.f32 v38, $5.000000000e-01  }
0xcf: {  	v38 =	vsel vm7, v63, v39  }
0xd0: {  	v37 =	vmul.f32 v38, v37;
	_ =	sdelay $0x1  }
0xd1: {  	v38 =	vperm.xlane v37, v8;
	v44 =	vperm.xlane v37, v10  }
0xd2: {  	v45 =	vperm.xlane v37, v11;
	v46 =	vperm.xlane v37, v12  }
0xd3: {  	v47 =	vperm.xlane v37, v13;
	v48 =	vperm.xlane v37, v14  }
0xd4: {  	v49 =	vperm.xlane v37, v16;
	v50 =	vperm.xlane v37, v18  }
0xd5: {  	v51 =	vperm.xlane v37, v20;
	v52 =	vperm.xlane v37, v22  }
0xd6: {  	v53 =	vperm.xlane v37, v24;
	v54 =	vperm.xlane v37, v26  }
0xd7: {  	v55 =	vperm.xlane v37, v28;
	v56 =	vperm.xlane v37, v30  }
0xd8: {  	v57 =	vperm.xlane v37, v32;
	v37 =	vperm.xlane v37, v34  }
0xd9: {  	v38 =	vmul.f32 v38, v5;
	v39 =	vmul.f32 v44, v6  }
0xda: {  	v40 =	vmul.f32 v45, v7;
	v41 =	vmul.f32 v46, v9  }
0xdb: {  	v42 =	vmul.f32 v47, v15;
	v43 =	vmul.f32 v48, v17  }
0xdc: {  	v44 =	vmul.f32 v49, v19;
	v45 =	vmul.f32 v50, v21  }
0xdd: {  	v46 =	vmul.f32 v51, v23;
	v47 =	vmul.f32 v52, v25  }
0xde: {  	v48 =	vmul.f32 v53, v27;
	v49 =	vmul.f32 v54, v29  }
0xdf: {  	v50 =	vmul.f32 v55, v31;
	v51 =	vmul.f32 v56, v33  }
0xe0: {  	v52 =	vmul.f32 v57, v35;
	v38 =	vadd.f32 v39, v38;
	v58 =	vadd.f32 v41, v40  }
0xe1: {  	v37 =	vmul.f32 v37, v36;
	v59 =	vadd.f32 v43, v42;
	v60 =	vadd.f32 v45, v44  }
0xe2: {  	v61 =	vadd.f32 v47, v46;
	v62 =	vadd.f32 v49, v48  }
0xe3: {  	v63 =	vadd.f32 v51, v50;
	v37 =	vadd.f32 v37, v52  }
0xe4: {  	v38 =	vadd.f32 v58, v38;
	v48 =	vadd.f32 v60, v59  }
0xe5: {  	v49 =	vadd.f32 v62, v61;
	v37 =	vadd.f32 v37, v63  }
0xe6: {  	v50 =	vld [tilespmem:$0x50]  }
0xe7: {  	v38 =	vadd.f32 v48, v38;
	v37 =	vadd.f32 v37, v49;
	_ =	sdelay $0x1  }
0xe8: {  	v37 =	vadd.f32 v37, v38;
	_ =	sdelay $0x1  }
0xe9: {  	v37 =	vmul.f32 v37, v50;
	_ =	sdelay $0x1  }
0xea: {  	v51 =	vperm.xlane v37, v8;
	v52 =	vperm.xlane v37, v10  }
0xeb: {  	v53 =	vperm.xlane v37, v11;
	v41 =	vperm.xlane v37, v12  }
0xec: {  	v54 =	vperm.xlane v37, v13;
	v55 =	vperm.xlane v37, v14  }
0xed: {  	v56 =	vperm.xlane v37, v16;
	v57 =	vperm.xlane v37, v18  }
0xee: {  	v58 =	vperm.xlane v37, v20;
	v59 =	vperm.xlane v37, v22  }
0xef: {  	v60 =	vperm.xlane v37, v24;
	v61 =	vperm.xlane v37, v26  }
0xf0: {  	v62 =	vperm.xlane v37, v28;
	v63 =	vperm.xlane v37, v30  }
0xf1: {  	v38 =	vmul.f32 v51, v5;
	v39 =	vmul.f32 v52, v6  }
0xf2: {  	v40 =	vmul.f32 v53, v7;
	v41 =	vmul.f32 v41, v9  }
0xf3: {  	v42 =	vmul.f32 v54, v15;
	v43 =	vmul.f32 v55, v17  }
0xf4: {  	v44 =	vmul.f32 v56, v19;
	v45 =	vmul.f32 v57, v21  }
0xf5: {  	v46 =	vmul.f32 v58, v23;
	v47 =	vmul.f32 v59, v25  }
0xf6: {  	v48 =	vmul.f32 v60, v27;
	v49 =	vmul.f32 v61, v29  }
0xf7: {  	v56 =	vperm.xlane v37, v32;
	v57 =	vmul.f32 v62, v31  }
0xf8: {  	v37 =	vperm.xlane v37, v34;
	v58 =	vmul.f32 v63, v33  }
0xf9: {  	v38 =	vadd.f32 v39, v38;
	v40 =	vadd.f32 v41, v40;
	v59 =	vmul.f32 v56, v35  }
0xfa: {  	v37 =	vmul.f32 v37, v36;
	v42 =	vadd.f32 v43, v42;
	v60 =	vadd.f32 v45, v44  }
0xfb: {  	v61 =	vadd.f32 v47, v46;
	v62 =	vadd.f32 v49, v48  }
0xfc: {  	v39 =	vadd.f32 v58, v57;
	v37 =	vadd.f32 v37, v59  }
0xfd: {  	v38 =	vadd.f32 v40, v38;
	v63 =	vadd.f32 v60, v42  }
0xfe: {  	v45 =	vadd.f32 v62, v61;
	v37 =	vadd.f32 v37, v39  }
0xff: {  	v46 =	vld [tilespmem:$0x60]  }
0x100: {  	v38 =	vadd.f32 v63, v38;
	v37 =	vadd.f32 v37, v45;
	_ =	sdelay $0x1  }
0x101: {  	v37 =	vadd.f32 v37, v38;
	_ =	sdelay $0x1  }
0x102: {  	v37 =	vmul.f32 v37, v46;
	_ =	sdelay $0x1  }
0x103: {  	v47 =	vperm.xlane v37, v8  }
0x104: {  	v39 =	vperm.xlane v37, v10;
	v48 =	vperm.xlane v37, v11  }
0x105: {  	v49 =	vperm.xlane v37, v12;
	v50 =	vperm.xlane v37, v13  }
0x106: {  	v51 =	vperm.xlane v37, v14;
	v52 =	vperm.xlane v37, v16  }
0x107: {  	v53 =	vperm.xlane v37, v18;
	v54 =	vperm.xlane v37, v20  }
0x108: {  	v55 =	vperm.xlane v37, v22;
	v56 =	vperm.xlane v37, v24  }
0x109: {  	v57 =	vperm.xlane v37, v26;
	v58 =	vperm.xlane v37, v28  }
0x10a: {  	v59 =	vperm.xlane v37, v30;
	v60 =	vperm.xlane v37, v32  }
0x10b: {  	v37 =	vperm.xlane v37, v34;
	v38 =	vmul.f32 v47, v5  }
0x10c: {  	v39 =	vmul.f32 v39, v6;
	v40 =	vmul.f32 v48, v7  }
0x10d: {  	v41 =	vmul.f32 v49, v9;
	v42 =	vmul.f32 v50, v15  }
0x10e: {  	v43 =	vmul.f32 v51, v17;
	v44 =	vmul.f32 v52, v19  }
0x10f: {  	v45 =	vmul.f32 v53, v21;
	v46 =	vmul.f32 v54, v23  }
0x110: {  	v47 =	vmul.f32 v55, v25;
	v48 =	vmul.f32 v56, v27  }
0x111: {  	v49 =	vmul.f32 v57, v29;
	v61 =	vmul.f32 v58, v31;
	v38 =	vadd.f32 v39, v38  }
0x112: {  	v37 =	vmul.f32 v37, v36;
	v40 =	vadd.f32 v41, v40;
	v42 =	vadd.f32 v43, v42  }
0x113: {  	v39 =	vmul.f32 v59, v33;
	v44 =	vadd.f32 v45, v44;
	v41 =	vmul.f32 v60, v35  }
0x114: {  	v62 =	vadd.f32 v47, v46;
	v63 =	vadd.f32 v49, v48  }
0x115: {  	v39 =	vadd.f32 v39, v61;
	v37 =	vadd.f32 v37, v41  }
0x116: {  	v38 =	vadd.f32 v40, v38;
	v44 =	vadd.f32 v44, v42  }
0x117: {  	v47 =	vadd.f32 v63, v62;
	v37 =	vadd.f32 v37, v39  }
0x118: {  	v48 =	vld [tilespmem:$0x70]  }
0x119: {  	v38 =	vadd.f32 v44, v38;
	v37 =	vadd.f32 v37, v47;
	_ =	sdelay $0x1  }
0x11a: {  	v37 =	vadd.f32 v37, v38;
	_ =	sdelay $0x1  }
0x11b: {  	v38 =	vmul.f32 v37, v48;
	_ =	sdelay $0x1  }
0x11c: {  	v37 =	vperm.xlane v38, v0;
	_ =	sdelay $0x1  }
0x11d: {  	v37 =	vadd.f32 v38, v37;
	_ =	sdelay $0x1  }
0x11e: {  	v49 =	vperm.xlane v37, v1;
	_ =	sdelay $0x1  }
0x11f: {  	v37 =	vadd.f32 v37, v49;
	_ =	sdelay $0x1  }
0x120: {  	v39 =	vperm.xlane v37, v2;
	_ =	sdelay $0x1  }
0x121: {  	v37 =	vadd.f32 v37, v39;
	_ =	sdelay $0x1  }
0x122: {  	v39 =	vperm.xlane v37, v3;
	_ =	sdelay $0x1  }
0x123: {  	v39 =	vadd.f32 v37, v39;
	_ =	sdelay $0x1  }
0x124: {  	vm14 =	vlt.f32 v39, $5.421010860e-20  }
0x125: {  	v50 =	vsel vm14, $0x5F800000, v4  }
0x126: {  	v37 =	vimm.f32 $0.0e+00;
	v51 =	vmul.f32 v50, v39  }
0x127: {  	v52 =	vsel vm0, $0x42800000, v37;
	v53 =	vmul.f32 $4.294967300e+09, v50  }
0x128: {  	v54 =	vadd.f32 $3.200000000e+01, v52;
	vm0 =	vlt.f32 v51, $2.328306440e-10  }
0x129: {  	v55 =	vsel vm13, $0x42800000, v37;
	v40 =	vsel vm0, v53, v50  }
0x12a: {  	v56 =	vadd.f32 $3.200000000e+01, v55;
	v42 =	vsel vm1, v54, v52;
	v57 =	vmul.f32 v40, v39  }
0x12b: {  	v58 =	vsel vm14, $0x42800000, v37;
	v59 =	vadd.f32 $1.600000000e+01, v42;
	v60 =	vmul.f32 $6.553600000e+04, v40  }
0x12c: {  	v41 =	vsel vm12, v56, v55;
	v61 =	vadd.f32 $3.200000000e+01, v58;
	vm15 =	vlt.f32 v57, $1.525878910e-05  }
0x12d: {  	v62 =	vadd.f32 $1.600000000e+01, v41;
	v42 =	vsel vm2, v59, v42;
	v40 =	vsel vm15, v60, v40  }
0x12e: {  	v43 =	vsel vm0, v61, v58;
	v63 =	vadd.f32 $8.000000000e+00, v42;
	v48 =	vmul.f32 v40, v39  }
0x12f: {  	v41 =	vsel vm11, v62, v41;
	v49 =	vadd.f32 $1.600000000e+01, v43;
	v47 =	vmul.f32 $2.560000000e+02, v40  }
0x130: {  	v50 =	vadd.f32 $8.000000000e+00, v41;
	v42 =	vsel vm3, v63, v42;
	vm12 =	vlt.f32 v48, $3.906250000e-03  }
0x131: {  	v43 =	vsel vm15, v49, v43;
	v51 =	vadd.f32 $4.000000000e+00, v42;
	v40 =	vsel vm12, v47, v40  }
0x132: {  	v41 =	vsel vm10, v50, v41;
	v52 =	vadd.f32 $8.000000000e+00, v43;
	v53 =	vmul.f32 v40, v39  }
0x133: {  	v54 =	vadd.f32 $4.000000000e+00, v41;
	v42 =	vsel vm4, v51, v42;
	v47 =	vmul.f32 $1.600000000e+01, v40  }
0x134: {  	v55 =	vadd.f32 $2.000000000e+00, v42;
	v43 =	vsel vm12, v52, v43;
	vm13 =	vlt.f32 v53, $6.250000000e-02  }
0x135: {  	v41 =	vsel vm9, v54, v41;
	v56 =	vadd.f32 $4.000000000e+00, v43;
	v40 =	vsel vm13, v47, v40  }
0x136: {  	v57 =	vadd.f32 $2.000000000e+00, v41;
	v42 =	vsel vm5, v55, v42;
	v58 =	vmul.f32 v40, v39  }
0x137: {  	v59 =	vadd.f32 $1.000000000e+00, v42;
	v43 =	vsel vm13, v56, v43;
	v47 =	vmul.f32 $4.000000000e+00, v40  }
0x138: {  	v41 =	vsel vm8, v57, v41;
	v60 =	vadd.f32 $2.000000000e+00, v43;
	vm14 =	vlt.f32 v58, $2.500000000e-01  }
0x139: {  	v61 =	vadd.f32 $1.000000000e+00, v41;
	v42 =	vsel vm6, v59, v42;
	v40 =	vsel vm14, v47, v40  }
0x13a: {  	v42 =	vsub.f32 $0.0e+00, v42;
	v43 =	vsel vm14, v60, v43;
	v39 =	vmul.f32 v40, v39  }
0x13b: {  	v41 =	vsel vm7, v61, v41;
	v62 =	vadd.f32 v40, v40;
	v45 =	vadd.f32 $1.000000000e+00, v43  }
0x13c: {  	s30 =	sshll.u32 s1, $0x4;
	v41 =	vsub.f32 v42, v41;
	vm15 =	vlt.f32 v39, $5.000000000e-01  }
0x13d: {  	s31 =	sadd.s32 s30, s3;
	v39 =	vsel vm15, v62, v40;
	v63 =	vsel vm15, v45, v43  }
0x13e: {  	s4 =	sadd.s32 $0x10800, s31;
	s3 =	sadd.s32 $0x10600, s31;
	v39 =	vmul.f32 v39, v38;
	v38 =	vsub.f32 v41, v63  }
.LBB2_2:
0x13f: {  	_ = 	snop  }
0x140: {  	v40 =	vperm.xlane v39, v8;
	v41 =	vperm.xlane v39, v10  }
0x141: {  	v42 =	vperm.xlane v39, v11;
	v43 =	vperm.xlane v39, v12  }
0x142: {  	v44 =	vperm.xlane v39, v13;
	v45 =	vperm.xlane v39, v14  }
0x143: {  	v46 =	vperm.xlane v39, v16;
	v47 =	vperm.xlane v39, v18  }
0x144: {  	v48 =	vperm.xlane v39, v20;
	v49 =	vperm.xlane v39, v22  }
0x145: {  	v50 =	vperm.xlane v39, v24;
	v51 =	vperm.xlane v39, v26  }
0x146: {  	v52 =	vperm.xlane v39, v28;
	v53 =	vperm.xlane v39, v30  }
0x147: {  	v54 =	vperm.xlane v39, v32;
	v57 =	vperm.xlane v39, v34  }
0x148: {  	v40 =	vmul.f32 v40, v5;
	v41 =	vmul.f32 v41, v6  }
0x149: {  	v42 =	vmul.f32 v42, v7;
	v43 =	vmul.f32 v43, v9  }
0x14a: {  	v44 =	vmul.f32 v44, v15;
	v45 =	vmul.f32 v45, v17  }
0x14b: {  	v46 =	vmul.f32 v46, v19;
	v47 =	vmul.f32 v47, v21  }
0x14c: {  	v48 =	vmul.f32 v48, v23;
	v49 =	vmul.f32 v49, v25  }
0x14d: {  	v50 =	vmul.f32 v50, v27;
	v51 =	vmul.f32 v51, v29  }
0x14e: {  	v52 =	vmul.f32 v52, v31;
	v53 =	vmul.f32 v53, v33  }
0x14f: {  	v54 =	vmul.f32 v54, v35;
	v40 =	vadd.f32 v41, v40;
	v58 =	vadd.f32 v43, v42  }
0x150: {  	v39 =	vmul.f32 v57, v36;
	v59 =	vadd.f32 v45, v44;
	v60 =	vadd.f32 v47, v46  }
0x151: {  	v61 =	vadd.f32 v49, v48;
	v62 =	vadd.f32 v51, v50  }
0x152: {  	v63 =	vadd.f32 v53, v52;
	v39 =	vadd.f32 v39, v54  }
0x153: {  	v40 =	vadd.f32 v58, v40;
	v48 =	vadd.f32 v60, v59  }
0x154: {  	s5 =	sshra.s32 s2, $0x2;
	v49 =	vadd.f32 v62, v61;
	v39 =	vadd.f32 v39, v63  }
0x155: {  	v50 =	vld [tilespmem:s5+$0x80]  }
0x156: {  	v40 =	vadd.f32 v48, v40;
	v39 =	vadd.f32 v39, v49;
	_ =	sdelay $0x1  }
0x157: {  	v39 =	vadd.f32 v39, v40;
	_ =	sdelay $0x1  }
0x158: {  	v39 =	vmul.f32 v39, v50;
	_ =	sdelay $0x1  }
0x159: {  	v51 =	vperm.xlane v39, v8;
	v52 =	vperm.xlane v39, v10  }
0x15a: {  	v53 =	vperm.xlane v39, v11;
	v43 =	vperm.xlane v39, v12  }
0x15b: {  	v54 =	vperm.xlane v39, v13;
	v55 =	vperm.xlane v39, v14  }
0x15c: {  	v56 =	vperm.xlane v39, v16;
	v57 =	vperm.xlane v39, v18  }
0x15d: {  	v58 =	vperm.xlane v39, v20;
	v59 =	vperm.xlane v39, v22  }
0x15e: {  	v60 =	vperm.xlane v39, v24;
	v61 =	vperm.xlane v39, v26  }
0x15f: {  	v62 =	vperm.xlane v39, v28;
	v63 =	vperm.xlane v39, v30  }
0x160: {  	v40 =	vmul.f32 v51, v5;
	v41 =	vmul.f32 v52, v6  }
0x161: {  	v42 =	vmul.f32 v53, v7;
	v43 =	vmul.f32 v43, v9  }
0x162: {  	v44 =	vmul.f32 v54, v15;
	v45 =	vmul.f32 v55, v17  }
0x163: {  	v46 =	vmul.f32 v56, v19;
	v47 =	vmul.f32 v57, v21  }
0x164: {  	v48 =	vmul.f32 v58, v23;
	v49 =	vmul.f32 v59, v25  }
0x165: {  	v50 =	vmul.f32 v60, v27;
	v51 =	vmul.f32 v61, v29  }
0x166: {  	v52 =	vmul.f32 v62, v31;
	v57 =	vperm.xlane v39, v32  }
0x167: {  	v53 =	vmul.f32 v63, v33;
	v39 =	vperm.xlane v39, v34  }
0x168: {  	v54 =	vmul.f32 v57, v35;
	v40 =	vadd.f32 v41, v40;
	v58 =	vadd.f32 v43, v42  }
0x169: {  	v39 =	vmul.f32 v39, v36;
	v59 =	vadd.f32 v45, v44;
	v60 =	vadd.f32 v47, v46  }
0x16a: {  	v61 =	vadd.f32 v49, v48;
	v62 =	vadd.f32 v51, v50  }
0x16b: {  	v63 =	vadd.f32 v53, v52;
	v39 =	vadd.f32 v39, v54  }
0x16c: {  	v40 =	vadd.f32 v58, v40;
	v47 =	vadd.f32 v60, v59  }
0x16d: {  	v48 =	vadd.f32 v62, v61;
	v39 =	vadd.f32 v39, v63  }
0x16e: {  	v49 =	vld [tilespmem:s5+$0x90]  }
0x16f: {  	v40 =	vadd.f32 v47, v40;
	v39 =	vadd.f32 v39, v48;
	_ =	sdelay $0x1  }
0x170: {  	v39 =	vadd.f32 v39, v40;
	_ =	sdelay $0x1  }
0x171: {  	v39 =	vmul.f32 v39, v49;
	_ =	sdelay $0x1  }
0x172: {  	v50 =	vperm.xlane v39, v8;
	v51 =	vperm.xlane v39, v10  }
0x173: {  	v52 =	vperm.xlane v39, v11;
	v43 =	vperm.xlane v39, v12  }
0x174: {  	v53 =	vperm.xlane v39, v13;
	v54 =	vperm.xlane v39, v14  }
0x175: {  	v55 =	vperm.xlane v39, v16;
	v56 =	vperm.xlane v39, v18  }
0x176: {  	v57 =	vperm.xlane v39, v20;
	v58 =	vperm.xlane v39, v22  }
0x177: {  	v59 =	vperm.xlane v39, v24;
	v60 =	vperm.xlane v39, v26  }
0x178: {  	v61 =	vperm.xlane v39, v28;
	v62 =	vperm.xlane v39, v30  }
0x179: {  	v63 =	vperm.xlane v39, v32;
	v39 =	vperm.xlane v39, v34  }
0x17a: {  	v40 =	vmul.f32 v50, v5;
	v41 =	vmul.f32 v51, v6  }
0x17b: {  	v42 =	vmul.f32 v52, v7;
	v43 =	vmul.f32 v43, v9  }
0x17c: {  	v44 =	vmul.f32 v53, v15;
	v45 =	vmul.f32 v54, v17  }
0x17d: {  	v46 =	vmul.f32 v55, v19;
	v47 =	vmul.f32 v56, v21  }
0x17e: {  	v48 =	vmul.f32 v57, v23;
	v49 =	vmul.f32 v58, v25  }
0x17f: {  	v50 =	vmul.f32 v59, v27;
	v51 =	vmul.f32 v60, v29  }
0x180: {  	v52 =	vmul.f32 v61, v31;
	v53 =	vmul.f32 v62, v33  }
0x181: {  	v54 =	vmul.f32 v63, v35;
	v40 =	vadd.f32 v41, v40;
	v57 =	vadd.f32 v43, v42  }
0x182: {  	v39 =	vmul.f32 v39, v36;
	v58 =	vadd.f32 v45, v44;
	v59 =	vadd.f32 v47, v46  }
0x183: {  	v60 =	vadd.f32 v49, v48;
	v61 =	vadd.f32 v51, v50  }
0x184: {  	v62 =	vadd.f32 v53, v52;
	v39 =	vadd.f32 v39, v54  }
0x185: {  	v40 =	vadd.f32 v57, v40;
	v63 =	vadd.f32 v59, v58  }
0x186: {  	v45 =	vadd.f32 v61, v60;
	v39 =	vadd.f32 v39, v62  }
0x187: {  	v46 =	vld [tilespmem:s5+$0xA0]  }
0x188: {  	v40 =	vadd.f32 v63, v40;
	v39 =	vadd.f32 v39, v45;
	_ =	sdelay $0x1  }
0x189: {  	v39 =	vadd.f32 v39, v40;
	_ =	sdelay $0x1  }
0x18a: {  	v39 =	vmul.f32 v39, v46;
	_ =	sdelay $0x1  }
0x18b: {  	v47 =	vperm.xlane v39, v8;
	v48 =	vperm.xlane v39, v10  }
0x18c: {  	v49 =	vperm.xlane v39, v11;
	v43 =	vperm.xlane v39, v12  }
0x18d: {  	v50 =	vperm.xlane v39, v13;
	v51 =	vperm.xlane v39, v14  }
0x18e: {  	v52 =	vperm.xlane v39, v16;
	v53 =	vperm.xlane v39, v18  }
0x18f: {  	v54 =	vperm.xlane v39, v20;
	v55 =	vperm.xlane v39, v22  }
0x190: {  	v56 =	vperm.xlane v39, v24;
	v57 =	vperm.xlane v39, v26  }
0x191: {  	v58 =	vperm.xlane v39, v28;
	v59 =	vperm.xlane v39, v30  }
0x192: {  	v60 =	vperm.xlane v39, v32;
	v39 =	vperm.xlane v39, v34  }
0x193: {  	v40 =	vmul.f32 v47, v5;
	v41 =	vmul.f32 v48, v6  }
0x194: {  	v42 =	vmul.f32 v49, v7;
	v43 =	vmul.f32 v43, v9  }
0x195: {  	v44 =	vmul.f32 v50, v15;
	v45 =	vmul.f32 v51, v17  }
0x196: {  	v46 =	vmul.f32 v52, v19;
	v47 =	vmul.f32 v53, v21  }
0x197: {  	v48 =	vmul.f32 v54, v23;
	v49 =	vmul.f32 v55, v25  }
0x198: {  	v50 =	vmul.f32 v56, v27;
	v51 =	vmul.f32 v57, v29  }
0x199: {  	v52 =	vmul.f32 v58, v31;
	v53 =	vmul.f32 v59, v33  }
0x19a: {  	v54 =	vmul.f32 v60, v35;
	v40 =	vadd.f32 v41, v40;
	v61 =	vadd.f32 v43, v42  }
0x19b: {  	v39 =	vmul.f32 v39, v36;
	v62 =	vadd.f32 v45, v44;
	v63 =	vadd.f32 v47, v46  }
0x19c: {  	v49 =	vadd.f32 v49, v48;
	v55 =	vadd.f32 v51, v50  }
0x19d: {  	v56 =	vadd.f32 v53, v52;
	v39 =	vadd.f32 v39, v54  }
0x19e: {  	v40 =	vadd.f32 v61, v40;
	v57 =	vadd.f32 v63, v62  }
0x19f: {  	v58 =	vadd.f32 v55, v49;
	v39 =	vadd.f32 v39, v56  }
0x1a0: {  	v59 =	vld [tilespmem:s5+$0xB0]  }
0x1a1: {  	v40 =	vadd.f32 v57, v40;
	v39 =	vadd.f32 v39, v58;
	_ =	sdelay $0x1  }
0x1a2: {  	v39 =	vadd.f32 v39, v40;
	_ =	sdelay $0x1  }
0x1a3: {  	v39 =	vmul.f32 v39, v59;
	_ =	sdelay $0x1  }
0x1a4: {  	v60 =	vperm.xlane v39, v0;
	_ =	sdelay $0x1  }
0x1a5: {  	v40 =	vadd.f32 v39, v60;
	_ =	sdelay $0x1  }
0x1a6: {  	v61 =	vperm.xlane v40, v1;
	_ =	sdelay $0x1  }
0x1a7: {  	v40 =	vadd.f32 v40, v61;
	_ =	sdelay $0x1  }
0x1a8: {  	v41 =	vperm.xlane v40, v2;
	_ =	sdelay $0x1  }
0x1a9: {  	v40 =	vadd.f32 v40, v41;
	_ =	sdelay $0x1  }
0x1aa: {  	v41 =	vperm.xlane v40, v3;
	_ =	sdelay $0x1  }
0x1ab: {  	v40 =	vadd.f32 v40, v41;
	_ =	sdelay $0x1  }
0x1ac: {  	vm6 =	vlt.f32 v40, $5.421010860e-20  }
0x1ad: {  	v62 =	vsel vm6, $0x5F800000, v4  }
0x1ae: {  	v63 =	vmul.f32 v62, v40  }
0x1af: {  	v45 =	vmul.f32 $4.294967300e+09, v62  }
0x1b0: {  	vm5 =	vlt.f32 v63, $2.328306440e-10  }
0x1b1: {  	v41 =	vsel vm5, v45, v62  }
0x1b2: {  	v46 =	vmul.f32 v41, v40  }
0x1b3: {  	v43 =	vmul.f32 $6.553600000e+04, v41  }
0x1b4: {  	vm4 =	vlt.f32 v46, $1.525878910e-05  }
0x1b5: {  	v41 =	vsel vm4, v43, v41  }
0x1b6: {  	v47 =	vmul.f32 v41, v40  }
0x1b7: {  	v43 =	vmul.f32 $2.560000000e+02, v41  }
0x1b8: {  	vm3 =	vlt.f32 v47, $3.906250000e-03  }
0x1b9: {  	v41 =	vsel vm3, v43, v41  }
0x1ba: {  	v48 =	vmul.f32 v41, v40  }
0x1bb: {  	v43 =	vmul.f32 $1.600000000e+01, v41  }
0x1bc: {  	vm2 =	vlt.f32 v48, $6.250000000e-02  }
0x1bd: {  	v41 =	vsel vm2, v43, v41  }
0x1be: {  	v49 =	vmul.f32 v41, v40  }
0x1bf: {  	v43 =	vmul.f32 $4.000000000e+00, v41  }
0x1c0: {  	vm1 =	vlt.f32 v49, $2.500000000e-01  }
0x1c1: {  	v41 =	vsel vm1, v43, v41  }
0x1c2: {  	v40 =	vmul.f32 v41, v40  }
0x1c3: {  	v50 =	vadd.f32 v41, v41  }
0x1c4: {  	vm0 =	vlt.f32 v40, $5.000000000e-01  }
0x1c5: {  	v40 =	vsel vm0, v50, v41  }
0x1c6: {  	v39 =	vmul.f32 v40, v39;
	_ =	sdelay $0x1  }
0x1c7: {  	v40 =	vperm.xlane v39, v8;
	v51 =	vperm.xlane v39, v10  }
0x1c8: {  	v52 =	vperm.xlane v39, v11;
	v53 =	vperm.xlane v39, v12  }
0x1c9: {  	v54 =	vperm.xlane v39, v13;
	v55 =	vperm.xlane v39, v14  }
0x1ca: {  	v56 =	vperm.xlane v39, v16;
	v57 =	vperm.xlane v39, v18  }
0x1cb: {  	v58 =	vperm.xlane v39, v20;
	v59 =	vperm.xlane v39, v22  }
0x1cc: {  	v60 =	vperm.xlane v39, v24;
	v61 =	vperm.xlane v39, v26  }
0x1cd: {  	v62 =	vperm.xlane v39, v28;
	v63 =	vperm.xlane v39, v30  }
0x1ce: {  	v40 =	vmul.f32 v40, v5;
	v41 =	vmul.f32 v51, v6  }
0x1cf: {  	v42 =	vmul.f32 v52, v7;
	v43 =	vmul.f32 v53, v9  }
0x1d0: {  	v44 =	vmul.f32 v54, v15;
	v45 =	vmul.f32 v55, v17  }
0x1d1: {  	v46 =	vmul.f32 v56, v19;
	v47 =	vmul.f32 v57, v21  }
0x1d2: {  	v48 =	vmul.f32 v58, v23;
	v49 =	vmul.f32 v59, v25  }
0x1d3: {  	v50 =	vmul.f32 v60, v27;
	v51 =	vmul.f32 v61, v29  }
0x1d4: {  	v52 =	vmul.f32 v62, v31;
	v57 =	vperm.xlane v39, v32  }
0x1d5: {  	v53 =	vmul.f32 v63, v33;
	v39 =	vperm.xlane v39, v34  }
0x1d6: {  	v54 =	vmul.f32 v57, v35;
	v40 =	vadd.f32 v41, v40;
	v58 =	vadd.f32 v43, v42  }
0x1d7: {  	v39 =	vmul.f32 v39, v36;
	v59 =	vadd.f32 v45, v44;
	v60 =	vadd.f32 v47, v46  }
0x1d8: {  	v61 =	vadd.f32 v49, v48;
	v62 =	vadd.f32 v51, v50  }
0x1d9: {  	v63 =	vadd.f32 v53, v52;
	v39 =	vadd.f32 v39, v54  }
0x1da: {  	v40 =	vadd.f32 v58, v40;
	v48 =	vadd.f32 v60, v59  }
0x1db: {  	v49 =	vadd.f32 v62, v61;
	v39 =	vadd.f32 v39, v63  }
0x1dc: {  	v50 =	vld [tilespmem:s5+$0xC0]  }
0x1dd: {  	v40 =	vadd.f32 v48, v40;
	v39 =	vadd.f32 v39, v49;
	_ =	sdelay $0x1  }
0x1de: {  	v39 =	vadd.f32 v39, v40;
	_ =	sdelay $0x1  }
0x1df: {  	v39 =	vmul.f32 v39, v50;
	_ =	sdelay $0x1  }
0x1e0: {  	v51 =	vperm.xlane v39, v8;
	v52 =	vperm.xlane v39, v10  }
0x1e1: {  	v53 =	vperm.xlane v39, v11;
	v43 =	vperm.xlane v39, v12  }
0x1e2: {  	v54 =	vperm.xlane v39, v13;
	v55 =	vperm.xlane v39, v14  }
0x1e3: {  	v56 =	vperm.xlane v39, v16;
	v57 =	vperm.xlane v39, v18  }
0x1e4: {  	v58 =	vperm.xlane v39, v20;
	v59 =	vperm.xlane v39, v22  }
0x1e5: {  	v60 =	vperm.xlane v39, v24;
	v61 =	vperm.xlane v39, v26  }
0x1e6: {  	v62 =	vperm.xlane v39, v28;
	v63 =	vperm.xlane v39, v30  }
0x1e7: {  	v40 =	vmul.f32 v51, v5;
	v41 =	vmul.f32 v52, v6  }
0x1e8: {  	v42 =	vmul.f32 v53, v7;
	v43 =	vmul.f32 v43, v9  }
0x1e9: {  	v44 =	vmul.f32 v54, v15;
	v45 =	vmul.f32 v55, v17  }
0x1ea: {  	v46 =	vmul.f32 v56, v19;
	v47 =	vmul.f32 v57, v21  }
0x1eb: {  	v48 =	vmul.f32 v58, v23;
	v49 =	vmul.f32 v59, v25  }
0x1ec: {  	v50 =	vmul.f32 v60, v27;
	v51 =	vmul.f32 v61, v29  }
0x1ed: {  	v52 =	vmul.f32 v62, v31;
	v57 =	vperm.xlane v39, v32  }
0x1ee: {  	v53 =	vmul.f32 v63, v33;
	v39 =	vperm.xlane v39, v34  }
0x1ef: {  	v54 =	vmul.f32 v57, v35;
	v40 =	vadd.f32 v41, v40;
	v58 =	vadd.f32 v43, v42  }
0x1f0: {  	v39 =	vmul.f32 v39, v36;
	v59 =	vadd.f32 v45, v44;
	v60 =	vadd.f32 v47, v46  }
0x1f1: {  	v61 =	vadd.f32 v49, v48;
	v62 =	vadd.f32 v51, v50  }
0x1f2: {  	v63 =	vadd.f32 v53, v52;
	v39 =	vadd.f32 v39, v54  }
0x1f3: {  	v40 =	vadd.f32 v58, v40;
	v48 =	vadd.f32 v60, v59  }
0x1f4: {  	v49 =	vadd.f32 v62, v61;
	v39 =	vadd.f32 v39, v63  }
0x1f5: {  	v50 =	vld [tilespmem:s5+$0xD0]  }
0x1f6: {  	v40 =	vadd.f32 v48, v40;
	v39 =	vadd.f32 v39, v49;
	_ =	sdelay $0x1  }
0x1f7: {  	v39 =	vadd.f32 v39, v40;
	_ =	sdelay $0x1  }
0x1f8: {  	v39 =	vmul.f32 v39, v50;
	_ =	sdelay $0x1  }
0x1f9: {  	v51 =	vperm.xlane v39, v8;
	v52 =	vperm.xlane v39, v10  }
0x1fa: {  	v53 =	vperm.xlane v39, v11;
	v43 =	vperm.xlane v39, v12  }
0x1fb: {  	v54 =	vperm.xlane v39, v13;
	v55 =	vperm.xlane v39, v14  }
0x1fc: {  	v56 =	vperm.xlane v39, v16;
	v57 =	vperm.xlane v39, v18  }
0x1fd: {  	v58 =	vperm.xlane v39, v20;
	v59 =	vperm.xlane v39, v22  }
0x1fe: {  	v60 =	vperm.xlane v39, v24;
	v61 =	vperm.xlane v39, v26  }
0x1ff: {  	v62 =	vperm.xlane v39, v28;
	v63 =	vperm.xlane v39, v30  }
0x200: {  	v40 =	vmul.f32 v51, v5;
	v41 =	vmul.f32 v52, v6  }
0x201: {  	v42 =	vmul.f32 v53, v7;
	v43 =	vmul.f32 v43, v9  }
0x202: {  	v44 =	vmul.f32 v54, v15;
	v45 =	vmul.f32 v55, v17  }
0x203: {  	v46 =	vmul.f32 v56, v19;
	v47 =	vmul.f32 v57, v21  }
0x204: {  	v48 =	vmul.f32 v58, v23;
	v49 =	vmul.f32 v59, v25  }
0x205: {  	v50 =	vmul.f32 v60, v27;
	v51 =	vmul.f32 v61, v29  }
0x206: {  	v57 =	vperm.xlane v39, v32;
	v58 =	vmul.f32 v62, v31  }
0x207: {  	v39 =	vperm.xlane v39, v34;
	v59 =	vmul.f32 v63, v33  }
0x208: {  	v40 =	vadd.f32 v41, v40;
	v42 =	vadd.f32 v43, v42;
	v60 =	vmul.f32 v57, v35  }
0x209: {  	v39 =	vmul.f32 v39, v36;
	v44 =	vadd.f32 v45, v44;
	v61 =	vadd.f32 v47, v46  }
0x20a: {  	v62 =	vadd.f32 v49, v48;
	v63 =	vadd.f32 v51, v50  }
0x20b: {  	v41 =	vadd.f32 v59, v58;
	v39 =	vadd.f32 v39, v60  }
0x20c: {  	v40 =	vadd.f32 v42, v40;
	v45 =	vadd.f32 v61, v44  }
0x20d: {  	v46 =	vadd.f32 v63, v62;
	v39 =	vadd.f32 v39, v41  }
0x20e: {  	v47 =	vld [tilespmem:s5+$0xE0]  }
0x20f: {  	v40 =	vadd.f32 v45, v40;
	v39 =	vadd.f32 v39, v46;
	_ =	sdelay $0x1  }
0x210: {  	v39 =	vadd.f32 v39, v40;
	_ =	sdelay $0x1  }
0x211: {  	v39 =	vmul.f32 v39, v47;
	_ =	sdelay $0x1  }
0x212: {  	v48 =	vperm.xlane v39, v8  }
0x213: {  	v41 =	vperm.xlane v39, v10;
	v49 =	vperm.xlane v39, v11  }
0x214: {  	v50 =	vperm.xlane v39, v12;
	v51 =	vperm.xlane v39, v13  }
0x215: {  	v52 =	vperm.xlane v39, v14;
	v53 =	vperm.xlane v39, v16  }
0x216: {  	v54 =	vperm.xlane v39, v18;
	v55 =	vperm.xlane v39, v20  }
0x217: {  	v56 =	vperm.xlane v39, v22;
	v57 =	vperm.xlane v39, v24  }
0x218: {  	v58 =	vperm.xlane v39, v26;
	v59 =	vperm.xlane v39, v28  }
0x219: {  	v60 =	vperm.xlane v39, v30;
	v61 =	vperm.xlane v39, v32  }
0x21a: {  	v39 =	vperm.xlane v39, v34;
	v40 =	vmul.f32 v48, v5  }
0x21b: {  	v41 =	vmul.f32 v41, v6;
	v42 =	vmul.f32 v49, v7  }
0x21c: {  	v43 =	vmul.f32 v50, v9;
	v44 =	vmul.f32 v51, v15  }
0x21d: {  	v45 =	vmul.f32 v52, v17;
	v46 =	vmul.f32 v53, v19  }
0x21e: {  	v47 =	vmul.f32 v54, v21;
	v48 =	vmul.f32 v55, v23  }
0x21f: {  	v49 =	vmul.f32 v56, v25;
	v50 =	vmul.f32 v57, v27  }
0x220: {  	v51 =	vmul.f32 v58, v29;
	v62 =	vmul.f32 v59, v31;
	v40 =	vadd.f32 v41, v40  }
0x221: {  	v39 =	vmul.f32 v39, v36;
	v42 =	vadd.f32 v43, v42;
	v44 =	vadd.f32 v45, v44  }
0x222: {  	v41 =	vmul.f32 v60, v33;
	v46 =	vadd.f32 v47, v46;
	v43 =	vmul.f32 v61, v35  }
0x223: {  	v63 =	vadd.f32 v49, v48;
	v52 =	vadd.f32 v51, v50  }
0x224: {  	v41 =	vadd.f32 v41, v62;
	v39 =	vadd.f32 v39, v43  }
0x225: {  	v40 =	vadd.f32 v42, v40;
	v53 =	vadd.f32 v46, v44  }
0x226: {  	v54 =	vadd.f32 v52, v63;
	v39 =	vadd.f32 v39, v41  }
0x227: {  	v55 =	vld [tilespmem:s5+$0xF0]  }
0x228: {  	v40 =	vadd.f32 v53, v40;
	v39 =	vadd.f32 v39, v54;
	_ =	sdelay $0x1  }
0x229: {  	v39 =	vadd.f32 v39, v40;
	_ =	sdelay $0x1  }
0x22a: {  	v39 =	vmul.f32 v39, v55;
	_ =	sdelay $0x1  }
0x22b: {  	v56 =	vperm.xlane v39, v0;
	_ =	sdelay $0x1  }
0x22c: {  	v40 =	vadd.f32 v39, v56;
	_ =	sdelay $0x1  }
0x22d: {  	v57 =	vperm.xlane v40, v1;
	_ =	sdelay $0x1  }
0x22e: {  	v40 =	vadd.f32 v40, v57;
	_ =	sdelay $0x1  }
0x22f: {  	v41 =	vperm.xlane v40, v2;
	_ =	sdelay $0x1  }
0x230: {  	v40 =	vadd.f32 v40, v41;
	_ =	sdelay $0x1  }
0x231: {  	v41 =	vperm.xlane v40, v3;
	_ =	sdelay $0x1  }
0x232: {  	v40 =	vadd.f32 v40, v41;
	_ =	sdelay $0x1  }
0x233: {  	vm7 =	vlt.f32 v40, $5.421010860e-20  }
0x234: {  	v58 =	vsel vm7, $0x5F800000, v4  }
0x235: {  	v59 =	vmul.f32 v58, v40  }
0x236: {  	v60 =	vmul.f32 $4.294967300e+09, v58  }
0x237: {  	vm8 =	vlt.f32 v59, $2.328306440e-10  }
0x238: {  	v61 =	vsel vm6, $0x42800000, v37;
	v41 =	vsel vm8, v60, v58  }
0x239: {  	v62 =	vadd.f32 $3.200000000e+01, v61;
	v63 =	vmul.f32 v41, v40  }
0x23a: {  	v48 =	vsel vm7, $0x42800000, v37;
	v49 =	vmul.f32 $6.553600000e+04, v41  }
0x23b: {  	v42 =	vsel vm5, v62, v61;
	v50 =	vadd.f32 $3.200000000e+01, v48;
	vm11 =	vlt.f32 v63, $1.525878910e-05  }
0x23c: {  	v51 =	vadd.f32 $1.600000000e+01, v42;
	v41 =	vsel vm11, v49, v41  }
0x23d: {  	v43 =	vsel vm8, v50, v48;
	v52 =	vmul.f32 v41, v40  }
0x23e: {  	v42 =	vsel vm4, v51, v42;
	v53 =	vadd.f32 $1.600000000e+01, v43;
	v46 =	vmul.f32 $2.560000000e+02, v41  }
0x23f: {  	v54 =	vadd.f32 $8.000000000e+00, v42;
	vm12 =	vlt.f32 v52, $3.906250000e-03  }
0x240: {  	v43 =	vsel vm11, v53, v43;
	v41 =	vsel vm12, v46, v41  }
0x241: {  	v42 =	vsel vm3, v54, v42;
	v44 =	vadd.f32 $8.000000000e+00, v43;
	v55 =	vmul.f32 v41, v40  }
0x242: {  	v56 =	vadd.f32 $4.000000000e+00, v42;
	v57 =	vmul.f32 $1.600000000e+01, v41  }
0x243: {  	v43 =	vsel vm12, v44, v43;
	vm13 =	vlt.f32 v55, $6.250000000e-02  }
0x244: {  	v42 =	vsel vm2, v56, v42;
	v44 =	vadd.f32 $4.000000000e+00, v43;
	v41 =	vsel vm13, v57, v41  }
0x245: {  	v58 =	vadd.f32 $2.000000000e+00, v42;
	v59 =	vmul.f32 v41, v40  }
0x246: {  	v43 =	vsel vm13, v44, v43;
	v60 =	vmul.f32 $4.000000000e+00, v41  }
0x247: {  	v42 =	vsel vm1, v58, v42;
	v61 =	vadd.f32 $2.000000000e+00, v43;
	vm14 =	vlt.f32 v59, $2.500000000e-01  }
0x248: {  	p0 =	sne.s32 s2, $0x1FC00;
	v62 =	vadd.f32 $1.000000000e+00, v42;
	v41 =	vsel vm14, v60, v41  }
.Ltmp1:
0x249: {  	v43 =	vsel vm14, v61, v43;
	v40 =	vmul.f32 v41, v40;
	(pc) =	sbr.rel @p0 .LBB2_2-.Ltmp1, $4  }
0x24a: {  	v42 =	vsel vm0, v62, v42;
	v44 =	vadd.f32 v41, v41;
	v45 =	vadd.f32 $1.000000000e+00, v43  }
0x24b: {  	v38 =	vsub.f32 v38, v42;
	vm15 =	vlt.f32 v40, $5.000000000e-01  }
0x24c: {  	v40 =	vsel vm15, v44, v41;
	v63 =	vsel vm15, v45, v43  }
0x24d: {  	s2 =	sadd.s32 $0x200, s2;
	v39 =	vmul.f32 v40, v39;
	v38 =	vsub.f32 v38, v63  }
0x24e: {  	_ = 	snop  }
0x24f: {  	[tilespmem:$0x8200] =	vst v39  }
0x250: {  	v0 =	vimm.f32 $0.0e+00;
	[tilespmem:$0x8280] =	vst v38  }
0x251: {  	[tilespmem:$0x8210] =	vst v0  }
0x252: {  	[tilespmem:$0x8290] =	vst v0  }
0x253: {  	[tilespmem:$0x8220] =	vst v0  }
0x254: {  	[tilespmem:$0x82A0] =	vst v0  }
0x255: {  	[tilespmem:$0x8230] =	vst v0  }
0x256: {  	[tilespmem:$0x82B0] =	vst v0  }
0x257: {  	[tilespmem:$0x8240] =	vst v0  }
0x258: {  	[tilespmem:$0x82C0] =	vst v0  }
0x259: {  	[tilespmem:$0x8250] =	vst v0  }
0x25a: {  	[tilespmem:$0x82D0] =	vst v0  }
0x25b: {  	[tilespmem:$0x8260] =	vst v0  }
0x25c: {  	[tilespmem:$0x82E0] =	vst v0  }
0x25d: {  	[tilespmem:$0x8270] =	vst v0  }
0x25e: {  	s2 =	simm.s32 $0x0;
	s5 =	simm.s32 $0x8200;
	s30 =	simm.s32 $0x1;
	[tilespmem:$0x82F0] =	vst v0  }
0x25f: {  	[hbm4b:s4+s2] =	stream.linear.scatter [tilespmem:s5], [sflag:$0x1], $0x80, $0x38;
	[tilespmem:$0x8300] =	vst v63  }
0x260: {  	_ =	swait.ge [sflag:s30], $0x80  }
0x261: {  	[sflag:s30] =	ssyncset.done $0x0  }
0x262: {  	s31 =	simm.s32 $0x8280;
	[sflag:s30] =	ssyncadd.s32 $0xFFFFFF80  }
0x263: {  	[hbm4b:s3+s2] =	stream.linear.scatter [tilespmem:s31], [sflag:$0x1], $0x80, $0x38;
	[tilespmem:$0x8300] =	vst v63  }
0x264: {  	_ =	swait.ge [sflag:s30], $0x80  }
0x265: {  	[sflag:s30] =	ssyncset.done $0x0  }
0x266: {  	[sflag:s30] =	ssyncadd.s32 $0xFFFFFF80  }
.LBB2_4:
0x267: {  	_ =	sfence.sel $0x180000  }
0x268: {  	[bflag:$0x0] =	sbarrier.arrive $0xFFFF  }
0x269: {  	p0 =	sne.s32 s1, $0x0;
	_ =	strace $0x90000047  }
0x26a: {  	s0 =	sadd.s32 @!p0 $0x100000, s0;
	[bflag:$0x2] =	sbarrier.arrive $0xFFFF  }
0x26b: {  	[sflag:s0] =	ssyncadd.tile.s32 @!p0 $0x1;
	_ =	shalt  }
.Lfunc_end2:
_tile_overlayer_lowered:
.L_overlay_start_2:
0x26c: {  	(tag) =	ssettag $0x2  }
0x26d: {  	s0 =	rddreg [dreg:$0x0];
	s2 =	stileid.u32  }
0x26e: {  	s1 =	rddreg [dreg:$0x1];
	p0 =	sne.s32 s2, $0x0  }
0x26f: {  	s3 =	rddreg [dreg:$0x2];
	[bflag:$0x3] =	sbarrier.arrive $0xFFFF;
	s2 =	simm.s32 @!p0 $0x1C01  }
0x270: {  	[timem:s3], [sflag:s2] =	dma.local @!p0 [hbm:s0], s1  }
0x271: {  	s0 =	simm.s32 @!p0 $0x1  }
0x272: {  	_ =	swait.ge @!p0 [sflag:s0], s1  }
0x273: {  	s1 =	ssub.s32 @!p0 $0x0, s1;
	[sflag:s0] =	ssyncset.done @!p0 $0x0  }
0x274: {  	[sflag:s0] =	ssyncadd.s32 @!p0 s1  }
0x275: {  	[bflag:$0x3] =	sbarrier.arrive $0xFFFF  }
0x276: {  	_ =	shalt  }

</sc_bundles>
